<compile_context>
chip_gen: v7x
topology: tpu7x:2x2x1
jax: 0.10.2.dev20260603
libtpu: 0.0.44.dev20260713+nightly
codegen_flags: <defaults>
</compile_context>

<pallas_src>
import functools

import jax
import jax.numpy as jnp
from jax import lax
from jax.experimental import pallas as pl
from jax.experimental.pallas import tpu as pltpu
from jax.experimental.pallas import tpu_sc as plsc

ROI_D, ROI_H, ROI_W = 32, 64, 64
B, D, H, W, C = 2, 96, 256, 256, 2
N = 64
WC = W * C
ROW = ROI_W * C
FETCH = ROW + 8
NUM_CROPS = B * N
NUM_WORKERS = 32
CROPS_PER_W = NUM_CROPS // NUM_WORKERS
ZCHUNK = 2
NCHUNK = ROI_D // ZCHUNK
VPR = ROW // 16


def _roi_body(image_hbm, boxes_hbm, out_hbm,
              boxes_v, in0, in1, st0, st1, isem0, isem1, osem0, osem1):
    wid = lax.axis_index("s") * 2 + lax.axis_index("c")

    pltpu.sync_copy(boxes_hbm, boxes_v)

    ins = (in0, in1)
    sts = (st0, st1)
    isems = (isem0, isem1)
    osems = (osem0, osem1)
    T = CROPS_PER_W * NCHUNK

    def crop_of(t):
        j = t // NCHUNK
        idx = wid * CROPS_PER_W + j
        b = idx // N
        n = idx % N
        v = boxes_v[idx]
        z0 = v[0]
        y0 = v[1]
        x0 = v[2]
        xw = pl.multiple_of((x0 // 4) * 8, 8)
        dx2 = x0 * C - xw
        return b, n, z0, y0, xw, dx2

    def in_copy(t, p):
        b, n, z0, y0, xw, _ = crop_of(t)
        ch = t % NCHUNK
        return pltpu.make_async_copy(
            image_hbm.at[b, pl.ds(z0 + ch * ZCHUNK, ZCHUNK),
                         pl.ds(y0, ROI_H), pl.ds(xw, FETCH)],
            ins[p], isems[p])

    def in_wait(p):
        pltpu.make_async_copy(
            image_hbm.at[0, pl.ds(0, ZCHUNK), pl.ds(0, ROI_H),
                         pl.ds(0, FETCH)],
            ins[p], isems[p]).wait()

    def out_wait(p):
        pltpu.make_async_copy(
            sts[p], out_hbm.at[0, 0, pl.ds(0, ZCHUNK)], osems[p]).wait()

    def fix_and_out(t, p):
        b, n, _, _, _, dx2 = crop_of(t)
        ch = t % NCHUNK
        dst_hbm = out_hbm.at[b, n, pl.ds(ch * ZCHUNK, ZCHUNK)]
        src, dst = ins[p], sts[p]

        @pl.when(dx2 == 0)
        def _aligned():
            pltpu.make_async_copy(
                src.at[:, :, pl.ds(0, ROW)], dst_hbm, osems[p]).start()

        @pl.when(dx2 != 0)
        def _shifted():
            @plsc.parallel_loop(0, ZCHUNK * ROI_H, unroll=2)
            def _(r):
                z = r // ROI_H
                y = r % ROI_H
                for col in range(VPR):
                    dst[z, y, pl.ds(col * 16, 16)] = (
                        src[z, y, pl.ds(dx2 + col * 16, 16)])
            pltpu.make_async_copy(dst, dst_hbm, osems[p]).start()

    def pair(g, carry):
        for k in range(2):
            t = 2 * g + k

            @pl.when(t >= 2)
            def _(k=k):
                out_wait(k)

            in_copy(t, k).start()

            @pl.when(t >= 1)
            def _(t=t, k=k):
                in_wait(1 - k)
                fix_and_out(t - 1, 1 - k)
        return carry
    lax.fori_loop(0, T // 2, pair, 0)

    in_wait((T - 1) % 2)
    fix_and_out(T - 1, (T - 1) % 2)
    out_wait((T - 2) % 2)
    out_wait((T - 1) % 2)


def kernel(image, boxes):
    image4 = image.reshape(B, D, H, WC)
    boxes_pad = jnp.pad(boxes.astype(jnp.int32).reshape(NUM_CROPS, 3),
                        ((0, 0), (0, 13)))
    run = functools.partial(
        pl.kernel,
        mesh=plsc.VectorSubcoreMesh(core_axis_name="c", subcore_axis_name="s"),
        compiler_params=pltpu.CompilerParams(use_tc_tiling_on_sc=False),
        out_type=jax.ShapeDtypeStruct((B, N, ROI_D, ROI_H, ROW), jnp.float32),
        scratch_types=[
            pltpu.VMEM((NUM_CROPS, 16), jnp.int32),
            pltpu.VMEM((ZCHUNK, ROI_H, FETCH), jnp.float32),
            pltpu.VMEM((ZCHUNK, ROI_H, FETCH), jnp.float32),
            pltpu.VMEM((ZCHUNK, ROI_H, ROW), jnp.float32),
            pltpu.VMEM((ZCHUNK, ROI_H, ROW), jnp.float32),
            pltpu.SemaphoreType.DMA,
            pltpu.SemaphoreType.DMA,
            pltpu.SemaphoreType.DMA,
            pltpu.SemaphoreType.DMA,
        ],
    )(_roi_body)
    out5 = run(image4, boxes_pad)
    return out5.reshape(B, N, ROI_D, ROI_H, ROI_W, C)

# --- scband reference (transcript-rebuilt; emitter-appended) ---
"""Pipeline reference for scband-roi-cropper-79542794322056 (READ-ONLY COPY).

The authoritative reference and input builder live on the scoring server;
editing this copy changes nothing except your own understanding.
"""

import jax, jax.numpy as jnp
import numpy as np

ROI_SIZE = (32, 64, 64)


def setup_inputs(seed: int = 0) -> dict:
    key = jax.random.key(seed)
    k1, k2 = jax.random.split(key)
    image = jax.random.normal(k1, (2, 96, 256, 256, 2), dtype=jnp.float32)
    boxes = jax.random.randint(k2, (2, 64, 3), 0, 64, dtype=jnp.int32)
    return {"image": image, "boxes": boxes}


def _crop_one(img, box):
    # img: [D, H, W, C], box: int32[3] start offsets (z, y, x)
    c = img.shape[-1]
    return jax.lax.dynamic_slice(
        img,
        (box[0], box[1], box[2], jnp.int32(0)),
        (ROI_SIZE[0], ROI_SIZE[1], ROI_SIZE[2], c),
    )


def reference(image, boxes):
    # Faithful to RoiCropper.call: stop_gradient on both inputs, cast boxes to int32,
    # then per-batch per-box fixed-size 3D crop (map_fn over boxes, map_fn over batch).
    image = jax.lax.stop_gradient(image)
    boxes = jax.lax.stop_gradient(boxes.astype(jnp.int32))
    per_image = jax.vmap(_crop_one, in_axes=(None, 0))  # over N boxes
    per_batch = jax.vmap(per_image, in_axes=(0, 0))      # over batch
    return per_batch(image, boxes)

if __name__ == "__main__":
    import jax
    _d = setup_inputs()
    print(jax.jit(kernel)(*tuple(_d.values())))

</pallas_src>

<mosaic_0001>
#map = affine_map<(d0, d1) -> (0, 0, 0, 0)>
#map1 = affine_map<(d0, d1) -> (0, 0)>
#map2 = affine_map<(d0, d1) -> (0, 0, 0, 0, 0)>
module attributes {stable_mosaic.version = 14 : i64} {
  func.func @_roi_body(%arg0: i32, %arg1: i32, %arg2: memref<2x96x256x512xf32, #tpu.memory_space<hbm>>, %arg3: memref<128x16xi32, #tpu.memory_space<hbm>>, %arg4: memref<2x64x32x64x128xf32, #tpu.memory_space<hbm>>, %arg5: memref<128x16xi32, #tpu.memory_space<vmem>>, %arg6: memref<2x64x136xf32, #tpu.memory_space<vmem>>, %arg7: memref<2x64x136xf32, #tpu.memory_space<vmem>>, %arg8: memref<2x64x128xf32, #tpu.memory_space<vmem>>, %arg9: memref<2x64x128xf32, #tpu.memory_space<vmem>>, %arg10: memref<!tpu.dma_semaphore, #tpu.memory_space<semaphore_mem>>, %arg11: memref<!tpu.dma_semaphore, #tpu.memory_space<semaphore_mem>>, %arg12: memref<!tpu.dma_semaphore, #tpu.memory_space<semaphore_mem>>, %arg13: memref<!tpu.dma_semaphore, #tpu.memory_space<semaphore_mem>>) attributes {dimension_semantics = [#tpu.dimension_semantics<core_parallel>, #tpu.dimension_semantics<subcore_parallel>], iteration_bounds = array<i64: 2, 16>, scalar_prefetch = 0 : i64, scratch_operands = 9 : i64, tpu.core_type = #tpu.core_type<sc_vector_subcore>, window_params = [{transform_indices = #map}, {transform_indices = #map1}, {transform_indices = #map2}]} {
    %mul3A = arith.constant 2 : i32
    %mul3A_0 = arith.muli %arg1, %mul3A : i32
    %add3A = arith.addi %mul3A_0, %arg0 : i32
    "tpu.region"() ({
      %run_scoped3A = tpu.sem_alloc : memref<!tpu.dma_semaphore, #tpu.memory_space<semaphore_mem>>
      tpu.enqueue_dma source(%arg3 : memref<128x16xi32, #tpu.memory_space<hbm>>) target(%arg5 : memref<128x16xi32, #tpu.memory_space<vmem>>) target_semaphore(%run_scoped3A : memref<!tpu.dma_semaphore, #tpu.memory_space<semaphore_mem>>)
      tpu.wait_dma2 semaphore(%run_scoped3A : memref<!tpu.dma_semaphore, #tpu.memory_space<semaphore_mem>>) src(%arg3 : memref<128x16xi32, #tpu.memory_space<hbm>>) dst(%arg5 : memref<128x16xi32, #tpu.memory_space<vmem>>)
      tpu.yield
    }) : () -> ()
    %scan3A = arith.constant 0 : i32
    %scan3A_1 = arith.constant 0 : i32
    %scan3A_2 = arith.constant 32 : i32
    %scan3A_3 = arith.addi %scan3A_1, %scan3A_2 : i32
    %scan3A_4 = arith.constant 1 : i32
    scf.for %scan3A_118 = %scan3A_1 to %scan3A_3 step %scan3A_4  : i32 {
      %mul3A_119 = arith.constant 2 : i32
      %mul3A_120 = arith.muli %mul3A_119, %scan3A_118 : i32
      %add3A_121 = arith.constant 0 : i32
      %add3A_122 = arith.addi %mul3A_120, %add3A_121 : i32
      %ge3A = arith.constant 2 : i32
      %ge3A_123 = arith.cmpi sge, %add3A_122, %ge3A : i32
      %convert_element_type3A_124 = arith.extui %ge3A_123 : i1 to i32
      %cond3A_125 = arith.constant 0 : i32
      %cond3A_126 = arith.cmpi ne, %convert_element_type3A_124, %cond3A_125 : i32
      scf.if %cond3A_126 {
        %dma_wait3A_405 = arith.constant 0 : i32
        %dma_wait3A_406 = arith.constant 0 : i32
        %dma_wait3A_407 = arith.constant 0 : i32
        %dma_wait3A_408 = arith.constant 0 : i32
        %dma_wait3A_409 = arith.constant 0 : i32
        %dma_wait3A_410 = tpu.memref_slice %arg4[%dma_wait3A_405, %dma_wait3A_406, %dma_wait3A_407, %dma_wait3A_408, %dma_wait3A_409] : memref<2x64x32x64x128xf32, #tpu.memory_space<hbm>> -> memref<1x1x2x64x128xf32, #tpu.memory_space<hbm>>
        %dma_wait3A_411 = tpu.memref_squeeze %dma_wait3A_410 : memref<1x1x2x64x128xf32, #tpu.memory_space<hbm>> -> memref<2x64x128xf32, #tpu.memory_space<hbm>>
        %dma_wait3A_412 = arith.constant 0 : i32
        %dma_wait3A_413 = arith.constant 0 : i32
        %dma_wait3A_414 = arith.constant 0 : i32
        %dma_wait3A_415 = tpu.memref_slice %arg4[%dma_wait3A_405, %dma_wait3A_406, %dma_wait3A_412, %dma_wait3A_413, %dma_wait3A_414] : memref<2x64x32x64x128xf32, #tpu.memory_space<hbm>> -> memref<1x1x2x64x128xf32, #tpu.memory_space<hbm>>
        %dma_wait3A_416 = tpu.memref_squeeze %dma_wait3A_415 : memref<1x1x2x64x128xf32, #tpu.memory_space<hbm>> -> memref<2x64x128xf32, #tpu.memory_space<hbm>>
        tpu.wait_dma2 semaphore(%arg12 : memref<!tpu.dma_semaphore, #tpu.memory_space<semaphore_mem>>) src(%arg8 : memref<2x64x128xf32, #tpu.memory_space<vmem>>) dst(%dma_wait3A_416 : memref<2x64x128xf32, #tpu.memory_space<hbm>>)
      } else {
      }
      %jit3A_127 = arith.constant 16 : i32
      %div3A_128 = arith.divsi %add3A_122, %jit3A_127 : i32
      %sign3A_129 = arith.constant 0 : i32
      %sign3A_130 = arith.cmpi sgt, %add3A_122, %sign3A_129 : i32
      %sign3A_131 = arith.extui %sign3A_130 : i1 to i32
      %sign3A_132 = arith.constant 0 : i32
      %sign3A_133 = arith.cmpi slt, %add3A_122, %sign3A_132 : i32
      %sign3A_134 = arith.extui %sign3A_133 : i1 to i32
      %sign3A_135 = arith.subi %sign3A_131, %sign3A_134 : i32
      %sign3A_136 = arith.constant 0 : i32
      %sign3A_137 = arith.cmpi sgt, %jit3A_127, %sign3A_136 : i32
      %sign3A_138 = arith.extui %sign3A_137 : i1 to i32
      %sign3A_139 = arith.constant 0 : i32
      %sign3A_140 = arith.cmpi slt, %jit3A_127, %sign3A_139 : i32
      %sign3A_141 = arith.extui %sign3A_140 : i1 to i32
      %sign3A_142 = arith.subi %sign3A_138, %sign3A_141 : i32
      %ne3A_143 = arith.cmpi ne, %sign3A_135, %sign3A_142 : i32
      %rem3A_144 = arith.remsi %add3A_122, %jit3A_127 : i32
      %ne3A_145 = arith.constant 0 : i32
      %ne3A_146 = arith.cmpi ne, %rem3A_144, %ne3A_145 : i32
      %and3A_147 = arith.andi %ne3A_143, %ne3A_146 : i1
      %sub3A_148 = arith.constant 1 : i32
      %sub3A_149 = arith.subi %div3A_128, %sub3A_148 : i32
      %select_n3A_150 = arith.select %and3A_147, %sub3A_149, %div3A_128 : i32
      %mul3A_151 = arith.constant 4 : i32
      %mul3A_152 = arith.muli %add3A, %mul3A_151 : i32
      %add3A_153 = arith.addi %mul3A_152, %select_n3A_150 : i32
      %jit3A_154 = arith.constant 64 : i32
      %div3A_155 = arith.divsi %add3A_153, %jit3A_154 : i32
      %sign3A_156 = arith.constant 0 : i32
      %sign3A_157 = arith.cmpi sgt, %add3A_153, %sign3A_156 : i32
      %sign3A_158 = arith.extui %sign3A_157 : i1 to i32
      %sign3A_159 = arith.constant 0 : i32
      %sign3A_160 = arith.cmpi slt, %add3A_153, %sign3A_159 : i32
      %sign3A_161 = arith.extui %sign3A_160 : i1 to i32
      %sign3A_162 = arith.subi %sign3A_158, %sign3A_161 : i32
      %sign3A_163 = arith.constant 0 : i32
      %sign3A_164 = arith.cmpi sgt, %jit3A_154, %sign3A_163 : i32
      %sign3A_165 = arith.extui %sign3A_164 : i1 to i32
      %sign3A_166 = arith.constant 0 : i32
      %sign3A_167 = arith.cmpi slt, %jit3A_154, %sign3A_166 : i32
      %sign3A_168 = arith.extui %sign3A_167 : i1 to i32
      %sign3A_169 = arith.subi %sign3A_165, %sign3A_168 : i32
      %ne3A_170 = arith.cmpi ne, %sign3A_162, %sign3A_169 : i32
      %rem3A_171 = arith.remsi %add3A_153, %jit3A_154 : i32
      %ne3A_172 = arith.constant 0 : i32
      %ne3A_173 = arith.cmpi ne, %rem3A_171, %ne3A_172 : i32
      %and3A_174 = arith.andi %ne3A_170, %ne3A_173 : i1
      %sub3A_175 = arith.constant 1 : i32
      %sub3A_176 = arith.subi %div3A_155, %sub3A_175 : i32
      %select_n3A_177 = arith.select %and3A_174, %sub3A_176, %div3A_155 : i32
      %jit3A_178 = arith.constant 64 : i32
      %eq3A_179 = arith.constant 0 : i32
      %eq3A_180 = arith.cmpi eq, %jit3A_178, %eq3A_179 : i32
      %jit3A_181 = arith.constant 1 : i32
      %select_n3A_182 = arith.select %eq3A_180, %jit3A_181, %jit3A_178 : i32
      %rem3A_183 = arith.remsi %add3A_153, %select_n3A_182 : i32
      %ne3A_184 = arith.constant 0 : i32
      %ne3A_185 = arith.cmpi ne, %rem3A_183, %ne3A_184 : i32
      %lt3A_186 = arith.constant 0 : i32
      %lt3A_187 = arith.cmpi slt, %rem3A_183, %lt3A_186 : i32
      %lt3A_188 = arith.constant 0 : i32
      %lt3A_189 = arith.cmpi slt, %select_n3A_182, %lt3A_188 : i32
      %ne3A_190 = arith.xori %lt3A_187, %lt3A_189 : i1
      %and3A_191 = arith.andi %ne3A_190, %ne3A_185 : i1
      %add3A_192 = arith.addi %rem3A_183, %select_n3A_182 : i32
      %select_n3A_193 = arith.select %and3A_191, %add3A_192, %rem3A_183 : i32
      %get3A_194 = arith.index_cast %add3A_153 : i32 to index
      %get3A_195 = arith.constant 0 : index
      %get3A_196 = tpu.vector_load %arg5[%get3A_194, %get3A_195] {strides = array<i32>} : memref<128x16xi32, #tpu.memory_space<vmem>>, vector<1x16xi32>,
      %get3A_197 = vector.shape_cast %get3A_196 : vector<1x16xi32> to vector<16xi32>
      %slice3A_198 = vector.extract_strided_slice %get3A_197 {offsets = [0], sizes = [1], strides = [1]} : vector<16xi32> to vector<1xi32>
      %squeeze3A_199 = vector.extract %slice3A_198[0] : i32 from vector<1xi32>
      %slice3A_200 = vector.extract_strided_slice %get3A_197 {offsets = [1], sizes = [1], strides = [1]} : vector<16xi32> to vector<1xi32>
      %squeeze3A_201 = vector.extract %slice3A_200[0] : i32 from vector<1xi32>
      %slice3A_202 = vector.extract_strided_slice %get3A_197 {offsets = [2], sizes = [1], strides = [1]} : vector<16xi32> to vector<1xi32>
      %squeeze3A_203 = vector.extract %slice3A_202[0] : i32 from vector<1xi32>
      %jit3A_204 = arith.constant 4 : i32
      %div3A_205 = arith.divsi %squeeze3A_203, %jit3A_204 : i32
      %sign3A_206 = arith.constant 0 : i32
      %sign3A_207 = arith.cmpi sgt, %squeeze3A_203, %sign3A_206 : i32
      %sign3A_208 = arith.extui %sign3A_207 : i1 to i32
      %sign3A_209 = arith.constant 0 : i32
      %sign3A_210 = arith.cmpi slt, %squeeze3A_203, %sign3A_209 : i32
      %sign3A_211 = arith.extui %sign3A_210 : i1 to i32
      %sign3A_212 = arith.subi %sign3A_208, %sign3A_211 : i32
      %sign3A_213 = arith.constant 0 : i32
      %sign3A_214 = arith.cmpi sgt, %jit3A_204, %sign3A_213 : i32
      %sign3A_215 = arith.extui %sign3A_214 : i1 to i32
      %sign3A_216 = arith.constant 0 : i32
      %sign3A_217 = arith.cmpi slt, %jit3A_204, %sign3A_216 : i32
      %sign3A_218 = arith.extui %sign3A_217 : i1 to i32
      %sign3A_219 = arith.subi %sign3A_215, %sign3A_218 : i32
      %ne3A_220 = arith.cmpi ne, %sign3A_212, %sign3A_219 : i32
      %rem3A_221 = arith.remsi %squeeze3A_203, %jit3A_204 : i32
      %ne3A_222 = arith.constant 0 : i32
      %ne3A_223 = arith.cmpi ne, %rem3A_221, %ne3A_222 : i32
      %and3A_224 = arith.andi %ne3A_220, %ne3A_223 : i1
      %sub3A_225 = arith.constant 1 : i32
      %sub3A_226 = arith.subi %div3A_205, %sub3A_225 : i32
      %select_n3A_227 = arith.select %and3A_224, %sub3A_226, %div3A_205 : i32
      %mul3A_228 = arith.constant 8 : i32
      %mul3A_229 = arith.muli %select_n3A_227, %mul3A_228 : i32
      %multiple_of3A_230 = tpu.assume_multiple %mul3A_229, 8 : i32
      %mul3A_231 = arith.constant 2 : i32
      %mul3A_232 = arith.muli %squeeze3A_203, %mul3A_231 : i32
      %sub3A_233 = arith.subi %mul3A_232, %multiple_of3A_230 : i32
      %jit3A_234 = arith.constant 16 : i32
      %eq3A_235 = arith.constant 0 : i32
      %eq3A_236 = arith.cmpi eq, %jit3A_234, %eq3A_235 : i32
      %jit3A_237 = arith.constant 1 : i32
      %select_n3A_238 = arith.select %eq3A_236, %jit3A_237, %jit3A_234 : i32
      %rem3A_239 = arith.remsi %add3A_122, %select_n3A_238 : i32
      %ne3A_240 = arith.constant 0 : i32
      %ne3A_241 = arith.cmpi ne, %rem3A_239, %ne3A_240 : i32
      %lt3A_242 = arith.constant 0 : i32
      %lt3A_243 = arith.cmpi slt, %rem3A_239, %lt3A_242 : i32
      %lt3A_244 = arith.constant 0 : i32
      %lt3A_245 = arith.cmpi slt, %select_n3A_238, %lt3A_244 : i32
      %ne3A_246 = arith.xori %lt3A_243, %lt3A_245 : i1
      %and3A_247 = arith.andi %ne3A_246, %ne3A_241 : i1
      %add3A_248 = arith.addi %rem3A_239, %select_n3A_238 : i32
      %select_n3A_249 = arith.select %and3A_247, %add3A_248, %rem3A_239 : i32
      %mul3A_250 = arith.constant 2 : i32
      %mul3A_251 = arith.muli %select_n3A_249, %mul3A_250 : i32
      %add3A_252 = arith.addi %squeeze3A_199, %mul3A_251 : i32
      %dma_start3A = tpu.memref_slice %arg2[%select_n3A_177, %add3A_252, %squeeze3A_201, %multiple_of3A_230] : memref<2x96x256x512xf32, #tpu.memory_space<hbm>> -> memref<1x2x64x136xf32, #tpu.memory_space<hbm>>
      %dma_start3A_253 = tpu.memref_squeeze %dma_start3A : memref<1x2x64x136xf32, #tpu.memory_space<hbm>> -> memref<2x64x136xf32, #tpu.memory_space<hbm>>
      %dma_start3A_254 = tpu.memref_slice %arg2[%select_n3A_177, %add3A_252, %squeeze3A_201, %multiple_of3A_230] : memref<2x96x256x512xf32, #tpu.memory_space<hbm>> -> memref<1x2x64x136xf32, #tpu.memory_space<hbm>>
      %dma_start3A_255 = tpu.memref_squeeze %dma_start3A_254 : memref<1x2x64x136xf32, #tpu.memory_space<hbm>> -> memref<2x64x136xf32, #tpu.memory_space<hbm>>
      tpu.enqueue_dma source(%dma_start3A_255 : memref<2x64x136xf32, #tpu.memory_space<hbm>>) target(%arg6 : memref<2x64x136xf32, #tpu.memory_space<vmem>>) target_semaphore(%arg10 : memref<!tpu.dma_semaphore, #tpu.memory_space<semaphore_mem>>)
      %ge3A_256 = arith.constant 1 : i32
      %ge3A_257 = arith.cmpi sge, %add3A_122, %ge3A_256 : i32
      %convert_element_type3A_258 = arith.extui %ge3A_257 : i1 to i32
      %cond3A_259 = arith.constant 0 : i32
      %cond3A_260 = arith.cmpi ne, %convert_element_type3A_258, %cond3A_259 : i32
      scf.if %cond3A_260 {
        %dma_wait3A_405 = arith.constant 0 : i32
        %dma_wait3A_406 = arith.constant 0 : i32
        %dma_wait3A_407 = arith.constant 0 : i32
        %dma_wait3A_408 = arith.constant 0 : i32
        %dma_wait3A_409 = tpu.memref_slice %arg2[%dma_wait3A_405, %dma_wait3A_406, %dma_wait3A_407, %dma_wait3A_408] : memref<2x96x256x512xf32, #tpu.memory_space<hbm>> -> memref<1x2x64x136xf32, #tpu.memory_space<hbm>>
        %dma_wait3A_410 = tpu.memref_squeeze %dma_wait3A_409 : memref<1x2x64x136xf32, #tpu.memory_space<hbm>> -> memref<2x64x136xf32, #tpu.memory_space<hbm>>
        %dma_wait3A_411 = arith.constant 0 : i32
        %dma_wait3A_412 = arith.constant 0 : i32
        %dma_wait3A_413 = arith.constant 0 : i32
        %dma_wait3A_414 = tpu.memref_slice %arg2[%dma_wait3A_405, %dma_wait3A_411, %dma_wait3A_412, %dma_wait3A_413] : memref<2x96x256x512xf32, #tpu.memory_space<hbm>> -> memref<1x2x64x136xf32, #tpu.memory_space<hbm>>
        %dma_wait3A_415 = tpu.memref_squeeze %dma_wait3A_414 : memref<1x2x64x136xf32, #tpu.memory_space<hbm>> -> memref<2x64x136xf32, #tpu.memory_space<hbm>>
        tpu.wait_dma2 semaphore(%arg11 : memref<!tpu.dma_semaphore, #tpu.memory_space<semaphore_mem>>) src(%dma_wait3A_415 : memref<2x64x136xf32, #tpu.memory_space<hbm>>) dst(%arg7 : memref<2x64x136xf32, #tpu.memory_space<vmem>>)
        %sub3A_416 = arith.constant 1 : i32
        %sub3A_417 = arith.subi %add3A_122, %sub3A_416 : i32
        %jit3A_418 = arith.constant 16 : i32
        %div3A_419 = arith.divsi %sub3A_417, %jit3A_418 : i32
        %sign3A_420 = arith.constant 0 : i32
        %sign3A_421 = arith.cmpi sgt, %sub3A_417, %sign3A_420 : i32
        %sign3A_422 = arith.extui %sign3A_421 : i1 to i32
        %sign3A_423 = arith.constant 0 : i32
        %sign3A_424 = arith.cmpi slt, %sub3A_417, %sign3A_423 : i32
        %sign3A_425 = arith.extui %sign3A_424 : i1 to i32
        %sign3A_426 = arith.subi %sign3A_422, %sign3A_425 : i32
        %sign3A_427 = arith.constant 0 : i32
        %sign3A_428 = arith.cmpi sgt, %jit3A_418, %sign3A_427 : i32
        %sign3A_429 = arith.extui %sign3A_428 : i1 to i32
        %sign3A_430 = arith.constant 0 : i32
        %sign3A_431 = arith.cmpi slt, %jit3A_418, %sign3A_430 : i32
        %sign3A_432 = arith.extui %sign3A_431 : i1 to i32
        %sign3A_433 = arith.subi %sign3A_429, %sign3A_432 : i32
        %ne3A_434 = arith.cmpi ne, %sign3A_426, %sign3A_433 : i32
        %rem3A_435 = arith.remsi %sub3A_417, %jit3A_418 : i32
        %ne3A_436 = arith.constant 0 : i32
        %ne3A_437 = arith.cmpi ne, %rem3A_435, %ne3A_436 : i32
        %and3A_438 = arith.andi %ne3A_434, %ne3A_437 : i1
        %sub3A_439 = arith.constant 1 : i32
        %sub3A_440 = arith.subi %div3A_419, %sub3A_439 : i32
        %select_n3A_441 = arith.select %and3A_438, %sub3A_440, %div3A_419 : i32
        %mul3A_442 = arith.constant 4 : i32
        %mul3A_443 = arith.muli %add3A, %mul3A_442 : i32
        %add3A_444 = arith.addi %mul3A_443, %select_n3A_441 : i32
        %jit3A_445 = arith.constant 64 : i32
        %div3A_446 = arith.divsi %add3A_444, %jit3A_445 : i32
        %sign3A_447 = arith.constant 0 : i32
        %sign3A_448 = arith.cmpi sgt, %add3A_444, %sign3A_447 : i32
        %sign3A_449 = arith.extui %sign3A_448 : i1 to i32
        %sign3A_450 = arith.constant 0 : i32
        %sign3A_451 = arith.cmpi slt, %add3A_444, %sign3A_450 : i32
        %sign3A_452 = arith.extui %sign3A_451 : i1 to i32
        %sign3A_453 = arith.subi %sign3A_449, %sign3A_452 : i32
        %sign3A_454 = arith.constant 0 : i32
        %sign3A_455 = arith.cmpi sgt, %jit3A_445, %sign3A_454 : i32
        %sign3A_456 = arith.extui %sign3A_455 : i1 to i32
        %sign3A_457 = arith.constant 0 : i32
        %sign3A_458 = arith.cmpi slt, %jit3A_445, %sign3A_457 : i32
        %sign3A_459 = arith.extui %sign3A_458 : i1 to i32
        %sign3A_460 = arith.subi %sign3A_456, %sign3A_459 : i32
        %ne3A_461 = arith.cmpi ne, %sign3A_453, %sign3A_460 : i32
        %rem3A_462 = arith.remsi %add3A_444, %jit3A_445 : i32
        %ne3A_463 = arith.constant 0 : i32
        %ne3A_464 = arith.cmpi ne, %rem3A_462, %ne3A_463 : i32
        %and3A_465 = arith.andi %ne3A_461, %ne3A_464 : i1
        %sub3A_466 = arith.constant 1 : i32
        %sub3A_467 = arith.subi %div3A_446, %sub3A_466 : i32
        %select_n3A_468 = arith.select %and3A_465, %sub3A_467, %div3A_446 : i32
        %jit3A_469 = arith.constant 64 : i32
        %eq3A_470 = arith.constant 0 : i32
        %eq3A_471 = arith.cmpi eq, %jit3A_469, %eq3A_470 : i32
        %jit3A_472 = arith.constant 1 : i32
        %select_n3A_473 = arith.select %eq3A_471, %jit3A_472, %jit3A_469 : i32
        %rem3A_474 = arith.remsi %add3A_444, %select_n3A_473 : i32
        %ne3A_475 = arith.constant 0 : i32
        %ne3A_476 = arith.cmpi ne, %rem3A_474, %ne3A_475 : i32
        %lt3A_477 = arith.constant 0 : i32
        %lt3A_478 = arith.cmpi slt, %rem3A_474, %lt3A_477 : i32
        %lt3A_479 = arith.constant 0 : i32
        %lt3A_480 = arith.cmpi slt, %select_n3A_473, %lt3A_479 : i32
        %ne3A_481 = arith.xori %lt3A_478, %lt3A_480 : i1
        %and3A_482 = arith.andi %ne3A_481, %ne3A_476 : i1
        %add3A_483 = arith.addi %rem3A_474, %select_n3A_473 : i32
        %select_n3A_484 = arith.select %and3A_482, %add3A_483, %rem3A_474 : i32
        %get3A_485 = arith.index_cast %add3A_444 : i32 to index
        %get3A_486 = arith.constant 0 : index
        %get3A_487 = tpu.vector_load %arg5[%get3A_485, %get3A_486] {strides = array<i32>} : memref<128x16xi32, #tpu.memory_space<vmem>>, vector<1x16xi32>,
        %get3A_488 = vector.shape_cast %get3A_487 : vector<1x16xi32> to vector<16xi32>
        %slice3A_489 = vector.extract_strided_slice %get3A_488 {offsets = [0], sizes = [1], strides = [1]} : vector<16xi32> to vector<1xi32>
        %squeeze3A_490 = vector.extract %slice3A_489[0] : i32 from vector<1xi32>
        %slice3A_491 = vector.extract_strided_slice %get3A_488 {offsets = [1], sizes = [1], strides = [1]} : vector<16xi32> to vector<1xi32>
        %squeeze3A_492 = vector.extract %slice3A_491[0] : i32 from vector<1xi32>
        %slice3A_493 = vector.extract_strided_slice %get3A_488 {offsets = [2], sizes = [1], strides = [1]} : vector<16xi32> to vector<1xi32>
        %squeeze3A_494 = vector.extract %slice3A_493[0] : i32 from vector<1xi32>
        %jit3A_495 = arith.constant 4 : i32
        %div3A_496 = arith.divsi %squeeze3A_494, %jit3A_495 : i32
        %sign3A_497 = arith.constant 0 : i32
        %sign3A_498 = arith.cmpi sgt, %squeeze3A_494, %sign3A_497 : i32
        %sign3A_499 = arith.extui %sign3A_498 : i1 to i32
        %sign3A_500 = arith.constant 0 : i32
        %sign3A_501 = arith.cmpi slt, %squeeze3A_494, %sign3A_500 : i32
        %sign3A_502 = arith.extui %sign3A_501 : i1 to i32
        %sign3A_503 = arith.subi %sign3A_499, %sign3A_502 : i32
        %sign3A_504 = arith.constant 0 : i32
        %sign3A_505 = arith.cmpi sgt, %jit3A_495, %sign3A_504 : i32
        %sign3A_506 = arith.extui %sign3A_505 : i1 to i32
        %sign3A_507 = arith.constant 0 : i32
        %sign3A_508 = arith.cmpi slt, %jit3A_495, %sign3A_507 : i32
        %sign3A_509 = arith.extui %sign3A_508 : i1 to i32
        %sign3A_510 = arith.subi %sign3A_506, %sign3A_509 : i32
        %ne3A_511 = arith.cmpi ne, %sign3A_503, %sign3A_510 : i32
        %rem3A_512 = arith.remsi %squeeze3A_494, %jit3A_495 : i32
        %ne3A_513 = arith.constant 0 : i32
        %ne3A_514 = arith.cmpi ne, %rem3A_512, %ne3A_513 : i32
        %and3A_515 = arith.andi %ne3A_511, %ne3A_514 : i1
        %sub3A_516 = arith.constant 1 : i32
        %sub3A_517 = arith.subi %div3A_496, %sub3A_516 : i32
        %select_n3A_518 = arith.select %and3A_515, %sub3A_517, %div3A_496 : i32
        %mul3A_519 = arith.constant 8 : i32
        %mul3A_520 = arith.muli %select_n3A_518, %mul3A_519 : i32
        %multiple_of3A_521 = tpu.assume_multiple %mul3A_520, 8 : i32
        %mul3A_522 = arith.constant 2 : i32
        %mul3A_523 = arith.muli %squeeze3A_494, %mul3A_522 : i32
        %sub3A_524 = arith.subi %mul3A_523, %multiple_of3A_521 : i32
        %jit3A_525 = arith.constant 16 : i32
        %eq3A_526 = arith.constant 0 : i32
        %eq3A_527 = arith.cmpi eq, %jit3A_525, %eq3A_526 : i32
        %jit3A_528 = arith.constant 1 : i32
        %select_n3A_529 = arith.select %eq3A_527, %jit3A_528, %jit3A_525 : i32
        %rem3A_530 = arith.remsi %sub3A_417, %select_n3A_529 : i32
        %ne3A_531 = arith.constant 0 : i32
        %ne3A_532 = arith.cmpi ne, %rem3A_530, %ne3A_531 : i32
        %lt3A_533 = arith.constant 0 : i32
        %lt3A_534 = arith.cmpi slt, %rem3A_530, %lt3A_533 : i32
        %lt3A_535 = arith.constant 0 : i32
        %lt3A_536 = arith.cmpi slt, %select_n3A_529, %lt3A_535 : i32
        %ne3A_537 = arith.xori %lt3A_534, %lt3A_536 : i1
        %and3A_538 = arith.andi %ne3A_537, %ne3A_532 : i1
        %add3A_539 = arith.addi %rem3A_530, %select_n3A_529 : i32
        %select_n3A_540 = arith.select %and3A_538, %add3A_539, %rem3A_530 : i32
        %mul3A_541 = arith.constant 2 : i32
        %mul3A_542 = arith.muli %select_n3A_540, %mul3A_541 : i32
        %eq3A_543 = arith.constant 0 : i32
        %eq3A_544 = arith.cmpi eq, %sub3A_524, %eq3A_543 : i32
        %convert_element_type3A_545 = arith.extui %eq3A_544 : i1 to i32
        %cond3A_546 = arith.constant 0 : i32
        %cond3A_547 = arith.cmpi ne, %convert_element_type3A_545, %cond3A_546 : i32
        scf.if %cond3A_547 {
          %dma_start3A_553 = arith.constant 0 : i32
          %dma_start3A_554 = arith.constant 0 : i32
          %dma_start3A_555 = arith.constant 0 : i32
          %dma_start3A_556 = tpu.memref_slice %arg7[%dma_start3A_553, %dma_start3A_554, %dma_start3A_555] : memref<2x64x136xf32, #tpu.memory_space<vmem>> -> memref<2x64x128xf32, #tpu.memory_space<vmem>>
          %dma_start3A_557 = arith.constant 0 : i32
          %dma_start3A_558 = arith.constant 0 : i32
          %dma_start3A_559 = tpu.memref_slice %arg4[%select_n3A_468, %select_n3A_484, %mul3A_542, %dma_start3A_557, %dma_start3A_558] : memref<2x64x32x64x128xf32, #tpu.memory_space<hbm>> -> memref<1x1x2x64x128xf32, #tpu.memory_space<hbm>>
          %dma_start3A_560 = tpu.memref_squeeze %dma_start3A_559 : memref<1x1x2x64x128xf32, #tpu.memory_space<hbm>> -> memref<2x64x128xf32, #tpu.memory_space<hbm>>
          %dma_start3A_561 = arith.constant 0 : i32
          %dma_start3A_562 = arith.constant 0 : i32
          %dma_start3A_563 = tpu.memref_slice %arg4[%select_n3A_468, %select_n3A_484, %mul3A_542, %dma_start3A_561, %dma_start3A_562] : memref<2x64x32x64x128xf32, #tpu.memory_space<hbm>> -> memref<1x1x2x64x128xf32, #tpu.memory_space<hbm>>
          %dma_start3A_564 = tpu.memref_squeeze %dma_start3A_563 : memref<1x1x2x64x128xf32, #tpu.memory_space<hbm>> -> memref<2x64x128xf32, #tpu.memory_space<hbm>>
          %dma_start3A_565 = arith.constant 0 : i32
          %dma_start3A_566 = arith.constant 0 : i32
          %dma_start3A_567 = arith.constant 0 : i32
          %dma_start3A_568 = tpu.memref_slice %arg7[%dma_start3A_565, %dma_start3A_566, %dma_start3A_567] : memref<2x64x136xf32, #tpu.memory_space<vmem>> -> memref<2x64x128xf32, #tpu.memory_space<vmem>>
          tpu.enqueue_dma source(%dma_start3A_568 : memref<2x64x128xf32, #tpu.memory_space<vmem>>) target(%dma_start3A_564 : memref<2x64x128xf32, #tpu.memory_space<hbm>>) target_semaphore(%arg13 : memref<!tpu.dma_semaphore, #tpu.memory_space<semaphore_mem>>)
        } else {
        }
        %ne3A_548 = arith.constant 0 : i32
        %ne3A_549 = arith.cmpi ne, %sub3A_524, %ne3A_548 : i32
        %convert_element_type3A_550 = arith.extui %ne3A_549 : i1 to i32
        %cond3A_551 = arith.constant 0 : i32
        %cond3A_552 = arith.cmpi ne, %convert_element_type3A_550, %cond3A_551 : i32
        scf.if %cond3A_552 {
          %parallel_loop3A = arith.constant 0 : i32
          %parallel_loop3A_553 = arith.constant 128 : i32
          %parallel_loop3A_554 = arith.constant 1 : i32
          scf.for %parallel_loop3A_563 = %parallel_loop3A to %parallel_loop3A_553 step %parallel_loop3A_554  : i32 {
            %parallel_loop3A_564 = arith.constant 64 : i32
            %parallel_loop3A_565 = arith.divsi %parallel_loop3A_563, %parallel_loop3A_564 : i32
            %parallel_loop3A_566 = arith.constant 0 : i32
            %parallel_loop3A_567 = arith.cmpi sgt, %parallel_loop3A_563, %parallel_loop3A_566 : i32
            %parallel_loop3A_568 = arith.extui %parallel_loop3A_567 : i1 to i32
            %parallel_loop3A_569 = arith.constant 0 : i32
            %parallel_loop3A_570 = arith.cmpi slt, %parallel_loop3A_563, %parallel_loop3A_569 : i32
            %parallel_loop3A_571 = arith.extui %parallel_loop3A_570 : i1 to i32
            %parallel_loop3A_572 = arith.subi %parallel_loop3A_568, %parallel_loop3A_571 : i32
            %parallel_loop3A_573 = arith.constant 0 : i32
            %parallel_loop3A_574 = arith.cmpi sgt, %parallel_loop3A_564, %parallel_loop3A_573 : i32
            %parallel_loop3A_575 = arith.extui %parallel_loop3A_574 : i1 to i32
            %parallel_loop3A_576 = arith.constant 0 : i32
            %parallel_loop3A_577 = arith.cmpi slt, %parallel_loop3A_564, %parallel_loop3A_576 : i32
            %parallel_loop3A_578 = arith.extui %parallel_loop3A_577 : i1 to i32
            %parallel_loop3A_579 = arith.subi %parallel_loop3A_575, %parallel_loop3A_578 : i32
            %parallel_loop3A_580 = arith.cmpi ne, %parallel_loop3A_572, %parallel_loop3A_579 : i32
            %parallel_loop3A_581 = arith.remsi %parallel_loop3A_563, %parallel_loop3A_564 : i32
            %parallel_loop3A_582 = arith.constant 0 : i32
            %parallel_loop3A_583 = arith.cmpi ne, %parallel_loop3A_581, %parallel_loop3A_582 : i32
            %parallel_loop3A_584 = arith.andi %parallel_loop3A_580, %parallel_loop3A_583 : i1
            %parallel_loop3A_585 = arith.constant 1 : i32
            %parallel_loop3A_586 = arith.subi %parallel_loop3A_565, %parallel_loop3A_585 : i32
            %parallel_loop3A_587 = arith.select %parallel_loop3A_584, %parallel_loop3A_586, %parallel_loop3A_565 : i32
            %parallel_loop3A_588 = arith.constant 64 : i32
            %parallel_loop3A_589 = arith.constant 0 : i32
            %parallel_loop3A_590 = arith.cmpi eq, %parallel_loop3A_588, %parallel_loop3A_589 : i32
            %parallel_loop3A_591 = arith.constant 1 : i32
            %parallel_loop3A_592 = arith.select %parallel_loop3A_590, %parallel_loop3A_591, %parallel_loop3A_588 : i32
            %parallel_loop3A_593 = arith.remsi %parallel_loop3A_563, %parallel_loop3A_592 : i32
            %parallel_loop3A_594 = arith.constant 0 : i32
            %parallel_loop3A_595 = arith.cmpi ne, %parallel_loop3A_593, %parallel_loop3A_594 : i32
            %parallel_loop3A_596 = arith.constant 0 : i32
            %parallel_loop3A_597 = arith.cmpi slt, %parallel_loop3A_593, %parallel_loop3A_596 : i32
            %parallel_loop3A_598 = arith.constant 0 : i32
            %parallel_loop3A_599 = arith.cmpi slt, %parallel_loop3A_592, %parallel_loop3A_598 : i32
            %parallel_loop3A_600 = arith.xori %parallel_loop3A_597, %parallel_loop3A_599 : i1
            %parallel_loop3A_601 = arith.andi %parallel_loop3A_600, %parallel_loop3A_595 : i1
            %parallel_loop3A_602 = arith.addi %parallel_loop3A_593, %parallel_loop3A_592 : i32
            %parallel_loop3A_603 = arith.select %parallel_loop3A_601, %parallel_loop3A_602, %parallel_loop3A_593 : i32
            %parallel_loop3A_604 = arith.constant 0 : i32
            %parallel_loop3A_605 = arith.addi %sub3A_524, %parallel_loop3A_604 : i32
            %parallel_loop3A_606 = arith.index_cast %parallel_loop3A_587 : i32 to index
            %parallel_loop3A_607 = arith.index_cast %parallel_loop3A_603 : i32 to index
            %parallel_loop3A_608 = arith.index_cast %parallel_loop3A_605 : i32 to index
            %parallel_loop3A_609 = tpu.vector_load %arg7[%parallel_loop3A_606, %parallel_loop3A_607, %parallel_loop3A_608] {strides = array<i32>} : memref<2x64x136xf32, #tpu.memory_space<vmem>>, vector<1x1x16xf32>,
            %parallel_loop3A_610 = vector.shape_cast %parallel_loop3A_609 : vector<1x1x16xf32> to vector<16xf32>
            %parallel_loop3A_611 = arith.index_cast %parallel_loop3A_587 : i32 to index
            %parallel_loop3A_612 = arith.index_cast %parallel_loop3A_603 : i32 to index
            %parallel_loop3A_613 = arith.constant 0 : index
            %parallel_loop3A_614 = tpu.vector_load %arg9[%parallel_loop3A_611, %parallel_loop3A_612, %parallel_loop3A_613] {strides = array<i32>} : memref<2x64x128xf32, #tpu.memory_space<vmem>>, vector<1x1x16xf32>,
            %parallel_loop3A_615 = vector.shape_cast %parallel_loop3A_614 : vector<1x1x16xf32> to vector<16xf32>
            %parallel_loop3A_616 = vector.shape_cast %parallel_loop3A_610 : vector<16xf32> to vector<1x1x16xf32>
            tpu.vector_store %arg9[%parallel_loop3A_611, %parallel_loop3A_612, %parallel_loop3A_613], %parallel_loop3A_616 {strides = array<i32>} : memref<2x64x128xf32, #tpu.memory_space<vmem>>, vector<1x1x16xf32>,
            %parallel_loop3A_617 = arith.constant 16 : i32
            %parallel_loop3A_618 = arith.addi %sub3A_524, %parallel_loop3A_617 : i32
            %parallel_loop3A_619 = arith.index_cast %parallel_loop3A_587 : i32 to index
            %parallel_loop3A_620 = arith.index_cast %parallel_loop3A_603 : i32 to index
            %parallel_loop3A_621 = arith.index_cast %parallel_loop3A_618 : i32 to index
            %parallel_loop3A_622 = tpu.vector_load %arg7[%parallel_loop3A_619, %parallel_loop3A_620, %parallel_loop3A_621] {strides = array<i32>} : memref<2x64x136xf32, #tpu.memory_space<vmem>>, vector<1x1x16xf32>,
            %parallel_loop3A_623 = vector.shape_cast %parallel_loop3A_622 : vector<1x1x16xf32> to vector<16xf32>
            %parallel_loop3A_624 = arith.index_cast %parallel_loop3A_587 : i32 to index
            %parallel_loop3A_625 = arith.index_cast %parallel_loop3A_603 : i32 to index
            %parallel_loop3A_626 = arith.constant 16 : index
            %parallel_loop3A_627 = tpu.vector_load %arg9[%parallel_loop3A_624, %parallel_loop3A_625, %parallel_loop3A_626] {strides = array<i32>} : memref<2x64x128xf32, #tpu.memory_space<vmem>>, vector<1x1x16xf32>,
            %parallel_loop3A_628 = vector.shape_cast %parallel_loop3A_627 : vector<1x1x16xf32> to vector<16xf32>
            %parallel_loop3A_629 = vector.shape_cast %parallel_loop3A_623 : vector<16xf32> to vector<1x1x16xf32>
            tpu.vector_store %arg9[%parallel_loop3A_624, %parallel_loop3A_625, %parallel_loop3A_626], %parallel_loop3A_629 {strides = array<i32>} : memref<2x64x128xf32, #tpu.memory_space<vmem>>, vector<1x1x16xf32>,
            %parallel_loop3A_630 = arith.constant 32 : i32
            %parallel_loop3A_631 = arith.addi %sub3A_524, %parallel_loop3A_630 : i32
            %parallel_loop3A_632 = arith.index_cast %parallel_loop3A_587 : i32 to index
            %parallel_loop3A_633 = arith.index_cast %parallel_loop3A_603 : i32 to index
            %parallel_loop3A_634 = arith.index_cast %parallel_loop3A_631 : i32 to index
            %parallel_loop3A_635 = tpu.vector_load %arg7[%parallel_loop3A_632, %parallel_loop3A_633, %parallel_loop3A_634] {strides = array<i32>} : memref<2x64x136xf32, #tpu.memory_space<vmem>>, vector<1x1x16xf32>,
            %parallel_loop3A_636 = vector.shape_cast %parallel_loop3A_635 : vector<1x1x16xf32> to vector<16xf32>
            %parallel_loop3A_637 = arith.index_cast %parallel_loop3A_587 : i32 to index
            %parallel_loop3A_638 = arith.index_cast %parallel_loop3A_603 : i32 to index
            %parallel_loop3A_639 = arith.constant 32 : index
            %parallel_loop3A_640 = tpu.vector_load %arg9[%parallel_loop3A_637, %parallel_loop3A_638, %parallel_loop3A_639] {strides = array<i32>} : memref<2x64x128xf32, #tpu.memory_space<vmem>>, vector<1x1x16xf32>,
            %parallel_loop3A_641 = vector.shape_cast %parallel_loop3A_640 : vector<1x1x16xf32> to vector<16xf32>
            %parallel_loop3A_642 = vector.shape_cast %parallel_loop3A_636 : vector<16xf32> to vector<1x1x16xf32>
            tpu.vector_store %arg9[%parallel_loop3A_637, %parallel_loop3A_638, %parallel_loop3A_639], %parallel_loop3A_642 {strides = array<i32>} : memref<2x64x128xf32, #tpu.memory_space<vmem>>, vector<1x1x16xf32>,
            %parallel_loop3A_643 = arith.constant 48 : i32
            %parallel_loop3A_644 = arith.addi %sub3A_524, %parallel_loop3A_643 : i32
            %parallel_loop3A_645 = arith.index_cast %parallel_loop3A_587 : i32 to index
            %parallel_loop3A_646 = arith.index_cast %parallel_loop3A_603 : i32 to index
            %parallel_loop3A_647 = arith.index_cast %parallel_loop3A_644 : i32 to index
            %parallel_loop3A_648 = tpu.vector_load %arg7[%parallel_loop3A_645, %parallel_loop3A_646, %parallel_loop3A_647] {strides = array<i32>} : memref<2x64x136xf32, #tpu.memory_space<vmem>>, vector<1x1x16xf32>,
            %parallel_loop3A_649 = vector.shape_cast %parallel_loop3A_648 : vector<1x1x16xf32> to vector<16xf32>
            %parallel_loop3A_650 = arith.index_cast %parallel_loop3A_587 : i32 to index
            %parallel_loop3A_651 = arith.index_cast %parallel_loop3A_603 : i32 to index
            %parallel_loop3A_652 = arith.constant 48 : index
            %parallel_loop3A_653 = tpu.vector_load %arg9[%parallel_loop3A_650, %parallel_loop3A_651, %parallel_loop3A_652] {strides = array<i32>} : memref<2x64x128xf32, #tpu.memory_space<vmem>>, vector<1x1x16xf32>,
            %parallel_loop3A_654 = vector.shape_cast %parallel_loop3A_653 : vector<1x1x16xf32> to vector<16xf32>
            %parallel_loop3A_655 = vector.shape_cast %parallel_loop3A_649 : vector<16xf32> to vector<1x1x16xf32>
            tpu.vector_store %arg9[%parallel_loop3A_650, %parallel_loop3A_651, %parallel_loop3A_652], %parallel_loop3A_655 {strides = array<i32>} : memref<2x64x128xf32, #tpu.memory_space<vmem>>, vector<1x1x16xf32>,
            %parallel_loop3A_656 = arith.constant 64 : i32
            %parallel_loop3A_657 = arith.addi %sub3A_524, %parallel_loop3A_656 : i32
            %parallel_loop3A_658 = arith.index_cast %parallel_loop3A_587 : i32 to index
            %parallel_loop3A_659 = arith.index_cast %parallel_loop3A_603 : i32 to index
            %parallel_loop3A_660 = arith.index_cast %parallel_loop3A_657 : i32 to index
            %parallel_loop3A_661 = tpu.vector_load %arg7[%parallel_loop3A_658, %parallel_loop3A_659, %parallel_loop3A_660] {strides = array<i32>} : memref<2x64x136xf32, #tpu.memory_space<vmem>>, vector<1x1x16xf32>,
            %parallel_loop3A_662 = vector.shape_cast %parallel_loop3A_661 : vector<1x1x16xf32> to vector<16xf32>
            %parallel_loop3A_663 = arith.index_cast %parallel_loop3A_587 : i32 to index
            %parallel_loop3A_664 = arith.index_cast %parallel_loop3A_603 : i32 to index
            %parallel_loop3A_665 = arith.constant 64 : index
            %parallel_loop3A_666 = tpu.vector_load %arg9[%parallel_loop3A_663, %parallel_loop3A_664, %parallel_loop3A_665] {strides = array<i32>} : memref<2x64x128xf32, #tpu.memory_space<vmem>>, vector<1x1x16xf32>,
            %parallel_loop3A_667 = vector.shape_cast %parallel_loop3A_666 : vector<1x1x16xf32> to vector<16xf32>
            %parallel_loop3A_668 = vector.shape_cast %parallel_loop3A_662 : vector<16xf32> to vector<1x1x16xf32>
            tpu.vector_store %arg9[%parallel_loop3A_663, %parallel_loop3A_664, %parallel_loop3A_665], %parallel_loop3A_668 {strides = array<i32>} : memref<2x64x128xf32, #tpu.memory_space<vmem>>, vector<1x1x16xf32>,
            %parallel_loop3A_669 = arith.constant 80 : i32
            %parallel_loop3A_670 = arith.addi %sub3A_524, %parallel_loop3A_669 : i32
            %parallel_loop3A_671 = arith.index_cast %parallel_loop3A_587 : i32 to index
            %parallel_loop3A_672 = arith.index_cast %parallel_loop3A_603 : i32 to index
            %parallel_loop3A_673 = arith.index_cast %parallel_loop3A_670 : i32 to index
            %parallel_loop3A_674 = tpu.vector_load %arg7[%parallel_loop3A_671, %parallel_loop3A_672, %parallel_loop3A_673] {strides = array<i32>} : memref<2x64x136xf32, #tpu.memory_space<vmem>>, vector<1x1x16xf32>,
            %parallel_loop3A_675 = vector.shape_cast %parallel_loop3A_674 : vector<1x1x16xf32> to vector<16xf32>
            %parallel_loop3A_676 = arith.index_cast %parallel_loop3A_587 : i32 to index
            %parallel_loop3A_677 = arith.index_cast %parallel_loop3A_603 : i32 to index
            %parallel_loop3A_678 = arith.constant 80 : index
            %parallel_loop3A_679 = tpu.vector_load %arg9[%parallel_loop3A_676, %parallel_loop3A_677, %parallel_loop3A_678] {strides = array<i32>} : memref<2x64x128xf32, #tpu.memory_space<vmem>>, vector<1x1x16xf32>,
            %parallel_loop3A_680 = vector.shape_cast %parallel_loop3A_679 : vector<1x1x16xf32> to vector<16xf32>
            %parallel_loop3A_681 = vector.shape_cast %parallel_loop3A_675 : vector<16xf32> to vector<1x1x16xf32>
            tpu.vector_store %arg9[%parallel_loop3A_676, %parallel_loop3A_677, %parallel_loop3A_678], %parallel_loop3A_681 {strides = array<i32>} : memref<2x64x128xf32, #tpu.memory_space<vmem>>, vector<1x1x16xf32>,
            %parallel_loop3A_682 = arith.constant 96 : i32
            %parallel_loop3A_683 = arith.addi %sub3A_524, %parallel_loop3A_682 : i32
            %parallel_loop3A_684 = arith.index_cast %parallel_loop3A_587 : i32 to index
            %parallel_loop3A_685 = arith.index_cast %parallel_loop3A_603 : i32 to index
            %parallel_loop3A_686 = arith.index_cast %parallel_loop3A_683 : i32 to index
            %parallel_loop3A_687 = tpu.vector_load %arg7[%parallel_loop3A_684, %parallel_loop3A_685, %parallel_loop3A_686] {strides = array<i32>} : memref<2x64x136xf32, #tpu.memory_space<vmem>>, vector<1x1x16xf32>,
            %parallel_loop3A_688 = vector.shape_cast %parallel_loop3A_687 : vector<1x1x16xf32> to vector<16xf32>
            %parallel_loop3A_689 = arith.index_cast %parallel_loop3A_587 : i32 to index
            %parallel_loop3A_690 = arith.index_cast %parallel_loop3A_603 : i32 to index
            %parallel_loop3A_691 = arith.constant 96 : index
            %parallel_loop3A_692 = tpu.vector_load %arg9[%parallel_loop3A_689, %parallel_loop3A_690, %parallel_loop3A_691] {strides = array<i32>} : memref<2x64x128xf32, #tpu.memory_space<vmem>>, vector<1x1x16xf32>,
            %parallel_loop3A_693 = vector.shape_cast %parallel_loop3A_692 : vector<1x1x16xf32> to vector<16xf32>
            %parallel_loop3A_694 = vector.shape_cast %parallel_loop3A_688 : vector<16xf32> to vector<1x1x16xf32>
            tpu.vector_store %arg9[%parallel_loop3A_689, %parallel_loop3A_690, %parallel_loop3A_691], %parallel_loop3A_694 {strides = array<i32>} : memref<2x64x128xf32, #tpu.memory_space<vmem>>, vector<1x1x16xf32>,
            %parallel_loop3A_695 = arith.constant 112 : i32
            %parallel_loop3A_696 = arith.addi %sub3A_524, %parallel_loop3A_695 : i32
            %parallel_loop3A_697 = arith.index_cast %parallel_loop3A_587 : i32 to index
            %parallel_loop3A_698 = arith.index_cast %parallel_loop3A_603 : i32 to index
            %parallel_loop3A_699 = arith.index_cast %parallel_loop3A_696 : i32 to index
            %parallel_loop3A_700 = tpu.vector_load %arg7[%parallel_loop3A_697, %parallel_loop3A_698, %parallel_loop3A_699] {strides = array<i32>} : memref<2x64x136xf32, #tpu.memory_space<vmem>>, vector<1x1x16xf32>,
            %parallel_loop3A_701 = vector.shape_cast %parallel_loop3A_700 : vector<1x1x16xf32> to vector<16xf32>
            %parallel_loop3A_702 = arith.index_cast %parallel_loop3A_587 : i32 to index
            %parallel_loop3A_703 = arith.index_cast %parallel_loop3A_603 : i32 to index
            %parallel_loop3A_704 = arith.constant 112 : index
            %parallel_loop3A_705 = tpu.vector_load %arg9[%parallel_loop3A_702, %parallel_loop3A_703, %parallel_loop3A_704] {strides = array<i32>} : memref<2x64x128xf32, #tpu.memory_space<vmem>>, vector<1x1x16xf32>,
            %parallel_loop3A_706 = vector.shape_cast %parallel_loop3A_705 : vector<1x1x16xf32> to vector<16xf32>
            %parallel_loop3A_707 = vector.shape_cast %parallel_loop3A_701 : vector<16xf32> to vector<1x1x16xf32>
            tpu.vector_store %arg9[%parallel_loop3A_702, %parallel_loop3A_703, %parallel_loop3A_704], %parallel_loop3A_707 {strides = array<i32>} : memref<2x64x128xf32, #tpu.memory_space<vmem>>, vector<1x1x16xf32>,
          } {sc.loop_unroll_factor = 2 : i64, sc.parallel_access}
          %dma_start3A_555 = arith.constant 0 : i32
          %dma_start3A_556 = arith.constant 0 : i32
          %dma_start3A_557 = tpu.memref_slice %arg4[%select_n3A_468, %select_n3A_484, %mul3A_542, %dma_start3A_555, %dma_start3A_556] : memref<2x64x32x64x128xf32, #tpu.memory_space<hbm>> -> memref<1x1x2x64x128xf32, #tpu.memory_space<hbm>>
          %dma_start3A_558 = tpu.memref_squeeze %dma_start3A_557 : memref<1x1x2x64x128xf32, #tpu.memory_space<hbm>> -> memref<2x64x128xf32, #tpu.memory_space<hbm>>
          %dma_start3A_559 = arith.constant 0 : i32
          %dma_start3A_560 = arith.constant 0 : i32
          %dma_start3A_561 = tpu.memref_slice %arg4[%select_n3A_468, %select_n3A_484, %mul3A_542, %dma_start3A_559, %dma_start3A_560] : memref<2x64x32x64x128xf32, #tpu.memory_space<hbm>> -> memref<1x1x2x64x128xf32, #tpu.memory_space<hbm>>
          %dma_start3A_562 = tpu.memref_squeeze %dma_start3A_561 : memref<1x1x2x64x128xf32, #tpu.memory_space<hbm>> -> memref<2x64x128xf32, #tpu.memory_space<hbm>>
          tpu.enqueue_dma source(%arg9 : memref<2x64x128xf32, #tpu.memory_space<vmem>>) target(%dma_start3A_562 : memref<2x64x128xf32, #tpu.memory_space<hbm>>) target_semaphore(%arg13 : memref<!tpu.dma_semaphore, #tpu.memory_space<semaphore_mem>>)
        } else {
        }
      } else {
      }
      %mul3A_261 = arith.constant 2 : i32
      %mul3A_262 = arith.muli %mul3A_261, %scan3A_118 : i32
      %add3A_263 = arith.constant 1 : i32
      %add3A_264 = arith.addi %mul3A_262, %add3A_263 : i32
      %ge3A_265 = arith.constant 2 : i32
      %ge3A_266 = arith.cmpi sge, %add3A_264, %ge3A_265 : i32
      %convert_element_type3A_267 = arith.extui %ge3A_266 : i1 to i32
      %cond3A_268 = arith.constant 0 : i32
      %cond3A_269 = arith.cmpi ne, %convert_element_type3A_267, %cond3A_268 : i32
      scf.if %cond3A_269 {
        %dma_wait3A_405 = arith.constant 0 : i32
        %dma_wait3A_406 = arith.constant 0 : i32
        %dma_wait3A_407 = arith.constant 0 : i32
        %dma_wait3A_408 = arith.constant 0 : i32
        %dma_wait3A_409 = arith.constant 0 : i32
        %dma_wait3A_410 = tpu.memref_slice %arg4[%dma_wait3A_405, %dma_wait3A_406, %dma_wait3A_407, %dma_wait3A_408, %dma_wait3A_409] : memref<2x64x32x64x128xf32, #tpu.memory_space<hbm>> -> memref<1x1x2x64x128xf32, #tpu.memory_space<hbm>>
        %dma_wait3A_411 = tpu.memref_squeeze %dma_wait3A_410 : memref<1x1x2x64x128xf32, #tpu.memory_space<hbm>> -> memref<2x64x128xf32, #tpu.memory_space<hbm>>
        %dma_wait3A_412 = arith.constant 0 : i32
        %dma_wait3A_413 = arith.constant 0 : i32
        %dma_wait3A_414 = arith.constant 0 : i32
        %dma_wait3A_415 = tpu.memref_slice %arg4[%dma_wait3A_405, %dma_wait3A_406, %dma_wait3A_412, %dma_wait3A_413, %dma_wait3A_414] : memref<2x64x32x64x128xf32, #tpu.memory_space<hbm>> -> memref<1x1x2x64x128xf32, #tpu.memory_space<hbm>>
        %dma_wait3A_416 = tpu.memref_squeeze %dma_wait3A_415 : memref<1x1x2x64x128xf32, #tpu.memory_space<hbm>> -> memref<2x64x128xf32, #tpu.memory_space<hbm>>
        tpu.wait_dma2 semaphore(%arg13 : memref<!tpu.dma_semaphore, #tpu.memory_space<semaphore_mem>>) src(%arg9 : memref<2x64x128xf32, #tpu.memory_space<vmem>>) dst(%dma_wait3A_416 : memref<2x64x128xf32, #tpu.memory_space<hbm>>)
      } else {
      }
      %jit3A_270 = arith.constant 16 : i32
      %div3A_271 = arith.divsi %add3A_264, %jit3A_270 : i32
      %sign3A_272 = arith.constant 0 : i32
      %sign3A_273 = arith.cmpi sgt, %add3A_264, %sign3A_272 : i32
      %sign3A_274 = arith.extui %sign3A_273 : i1 to i32
      %sign3A_275 = arith.constant 0 : i32
      %sign3A_276 = arith.cmpi slt, %add3A_264, %sign3A_275 : i32
      %sign3A_277 = arith.extui %sign3A_276 : i1 to i32
      %sign3A_278 = arith.subi %sign3A_274, %sign3A_277 : i32
      %sign3A_279 = arith.constant 0 : i32
      %sign3A_280 = arith.cmpi sgt, %jit3A_270, %sign3A_279 : i32
      %sign3A_281 = arith.extui %sign3A_280 : i1 to i32
      %sign3A_282 = arith.constant 0 : i32
      %sign3A_283 = arith.cmpi slt, %jit3A_270, %sign3A_282 : i32
      %sign3A_284 = arith.extui %sign3A_283 : i1 to i32
      %sign3A_285 = arith.subi %sign3A_281, %sign3A_284 : i32
      %ne3A_286 = arith.cmpi ne, %sign3A_278, %sign3A_285 : i32
      %rem3A_287 = arith.remsi %add3A_264, %jit3A_270 : i32
      %ne3A_288 = arith.constant 0 : i32
      %ne3A_289 = arith.cmpi ne, %rem3A_287, %ne3A_288 : i32
      %and3A_290 = arith.andi %ne3A_286, %ne3A_289 : i1
      %sub3A_291 = arith.constant 1 : i32
      %sub3A_292 = arith.subi %div3A_271, %sub3A_291 : i32
      %select_n3A_293 = arith.select %and3A_290, %sub3A_292, %div3A_271 : i32
      %mul3A_294 = arith.constant 4 : i32
      %mul3A_295 = arith.muli %add3A, %mul3A_294 : i32
      %add3A_296 = arith.addi %mul3A_295, %select_n3A_293 : i32
      %jit3A_297 = arith.constant 64 : i32
      %div3A_298 = arith.divsi %add3A_296, %jit3A_297 : i32
      %sign3A_299 = arith.constant 0 : i32
      %sign3A_300 = arith.cmpi sgt, %add3A_296, %sign3A_299 : i32
      %sign3A_301 = arith.extui %sign3A_300 : i1 to i32
      %sign3A_302 = arith.constant 0 : i32
      %sign3A_303 = arith.cmpi slt, %add3A_296, %sign3A_302 : i32
      %sign3A_304 = arith.extui %sign3A_303 : i1 to i32
      %sign3A_305 = arith.subi %sign3A_301, %sign3A_304 : i32
      %sign3A_306 = arith.constant 0 : i32
      %sign3A_307 = arith.cmpi sgt, %jit3A_297, %sign3A_306 : i32
      %sign3A_308 = arith.extui %sign3A_307 : i1 to i32
      %sign3A_309 = arith.constant 0 : i32
      %sign3A_310 = arith.cmpi slt, %jit3A_297, %sign3A_309 : i32
      %sign3A_311 = arith.extui %sign3A_310 : i1 to i32
      %sign3A_312 = arith.subi %sign3A_308, %sign3A_311 : i32
      %ne3A_313 = arith.cmpi ne, %sign3A_305, %sign3A_312 : i32
      %rem3A_314 = arith.remsi %add3A_296, %jit3A_297 : i32
      %ne3A_315 = arith.constant 0 : i32
      %ne3A_316 = arith.cmpi ne, %rem3A_314, %ne3A_315 : i32
      %and3A_317 = arith.andi %ne3A_313, %ne3A_316 : i1
      %sub3A_318 = arith.constant 1 : i32
      %sub3A_319 = arith.subi %div3A_298, %sub3A_318 : i32
      %select_n3A_320 = arith.select %and3A_317, %sub3A_319, %div3A_298 : i32
      %jit3A_321 = arith.constant 64 : i32
      %eq3A_322 = arith.constant 0 : i32
      %eq3A_323 = arith.cmpi eq, %jit3A_321, %eq3A_322 : i32
      %jit3A_324 = arith.constant 1 : i32
      %select_n3A_325 = arith.select %eq3A_323, %jit3A_324, %jit3A_321 : i32
      %rem3A_326 = arith.remsi %add3A_296, %select_n3A_325 : i32
      %ne3A_327 = arith.constant 0 : i32
      %ne3A_328 = arith.cmpi ne, %rem3A_326, %ne3A_327 : i32
      %lt3A_329 = arith.constant 0 : i32
      %lt3A_330 = arith.cmpi slt, %rem3A_326, %lt3A_329 : i32
      %lt3A_331 = arith.constant 0 : i32
      %lt3A_332 = arith.cmpi slt, %select_n3A_325, %lt3A_331 : i32
      %ne3A_333 = arith.xori %lt3A_330, %lt3A_332 : i1
      %and3A_334 = arith.andi %ne3A_333, %ne3A_328 : i1
      %add3A_335 = arith.addi %rem3A_326, %select_n3A_325 : i32
      %select_n3A_336 = arith.select %and3A_334, %add3A_335, %rem3A_326 : i32
      %get3A_337 = arith.index_cast %add3A_296 : i32 to index
      %get3A_338 = arith.constant 0 : index
      %get3A_339 = tpu.vector_load %arg5[%get3A_337, %get3A_338] {strides = array<i32>} : memref<128x16xi32, #tpu.memory_space<vmem>>, vector<1x16xi32>,
      %get3A_340 = vector.shape_cast %get3A_339 : vector<1x16xi32> to vector<16xi32>
      %slice3A_341 = vector.extract_strided_slice %get3A_340 {offsets = [0], sizes = [1], strides = [1]} : vector<16xi32> to vector<1xi32>
      %squeeze3A_342 = vector.extract %slice3A_341[0] : i32 from vector<1xi32>
      %slice3A_343 = vector.extract_strided_slice %get3A_340 {offsets = [1], sizes = [1], strides = [1]} : vector<16xi32> to vector<1xi32>
      %squeeze3A_344 = vector.extract %slice3A_343[0] : i32 from vector<1xi32>
      %slice3A_345 = vector.extract_strided_slice %get3A_340 {offsets = [2], sizes = [1], strides = [1]} : vector<16xi32> to vector<1xi32>
      %squeeze3A_346 = vector.extract %slice3A_345[0] : i32 from vector<1xi32>
      %jit3A_347 = arith.constant 4 : i32
      %div3A_348 = arith.divsi %squeeze3A_346, %jit3A_347 : i32
      %sign3A_349 = arith.constant 0 : i32
      %sign3A_350 = arith.cmpi sgt, %squeeze3A_346, %sign3A_349 : i32
      %sign3A_351 = arith.extui %sign3A_350 : i1 to i32
      %sign3A_352 = arith.constant 0 : i32
      %sign3A_353 = arith.cmpi slt, %squeeze3A_346, %sign3A_352 : i32
      %sign3A_354 = arith.extui %sign3A_353 : i1 to i32
      %sign3A_355 = arith.subi %sign3A_351, %sign3A_354 : i32
      %sign3A_356 = arith.constant 0 : i32
      %sign3A_357 = arith.cmpi sgt, %jit3A_347, %sign3A_356 : i32
      %sign3A_358 = arith.extui %sign3A_357 : i1 to i32
      %sign3A_359 = arith.constant 0 : i32
      %sign3A_360 = arith.cmpi slt, %jit3A_347, %sign3A_359 : i32
      %sign3A_361 = arith.extui %sign3A_360 : i1 to i32
      %sign3A_362 = arith.subi %sign3A_358, %sign3A_361 : i32
      %ne3A_363 = arith.cmpi ne, %sign3A_355, %sign3A_362 : i32
      %rem3A_364 = arith.remsi %squeeze3A_346, %jit3A_347 : i32
      %ne3A_365 = arith.constant 0 : i32
      %ne3A_366 = arith.cmpi ne, %rem3A_364, %ne3A_365 : i32
      %and3A_367 = arith.andi %ne3A_363, %ne3A_366 : i1
      %sub3A_368 = arith.constant 1 : i32
      %sub3A_369 = arith.subi %div3A_348, %sub3A_368 : i32
      %select_n3A_370 = arith.select %and3A_367, %sub3A_369, %div3A_348 : i32
      %mul3A_371 = arith.constant 8 : i32
      %mul3A_372 = arith.muli %select_n3A_370, %mul3A_371 : i32
      %multiple_of3A_373 = tpu.assume_multiple %mul3A_372, 8 : i32
      %mul3A_374 = arith.constant 2 : i32
      %mul3A_375 = arith.muli %squeeze3A_346, %mul3A_374 : i32
      %sub3A_376 = arith.subi %mul3A_375, %multiple_of3A_373 : i32
      %jit3A_377 = arith.constant 16 : i32
      %eq3A_378 = arith.constant 0 : i32
      %eq3A_379 = arith.cmpi eq, %jit3A_377, %eq3A_378 : i32
      %jit3A_380 = arith.constant 1 : i32
      %select_n3A_381 = arith.select %eq3A_379, %jit3A_380, %jit3A_377 : i32
      %rem3A_382 = arith.remsi %add3A_264, %select_n3A_381 : i32
      %ne3A_383 = arith.constant 0 : i32
      %ne3A_384 = arith.cmpi ne, %rem3A_382, %ne3A_383 : i32
      %lt3A_385 = arith.constant 0 : i32
      %lt3A_386 = arith.cmpi slt, %rem3A_382, %lt3A_385 : i32
      %lt3A_387 = arith.constant 0 : i32
      %lt3A_388 = arith.cmpi slt, %select_n3A_381, %lt3A_387 : i32
      %ne3A_389 = arith.xori %lt3A_386, %lt3A_388 : i1
      %and3A_390 = arith.andi %ne3A_389, %ne3A_384 : i1
      %add3A_391 = arith.addi %rem3A_382, %select_n3A_381 : i32
      %select_n3A_392 = arith.select %and3A_390, %add3A_391, %rem3A_382 : i32
      %mul3A_393 = arith.constant 2 : i32
      %mul3A_394 = arith.muli %select_n3A_392, %mul3A_393 : i32
      %add3A_395 = arith.addi %squeeze3A_342, %mul3A_394 : i32
      %dma_start3A_396 = tpu.memref_slice %arg2[%select_n3A_320, %add3A_395, %squeeze3A_344, %multiple_of3A_373] : memref<2x96x256x512xf32, #tpu.memory_space<hbm>> -> memref<1x2x64x136xf32, #tpu.memory_space<hbm>>
      %dma_start3A_397 = tpu.memref_squeeze %dma_start3A_396 : memref<1x2x64x136xf32, #tpu.memory_space<hbm>> -> memref<2x64x136xf32, #tpu.memory_space<hbm>>
      %dma_start3A_398 = tpu.memref_slice %arg2[%select_n3A_320, %add3A_395, %squeeze3A_344, %multiple_of3A_373] : memref<2x96x256x512xf32, #tpu.memory_space<hbm>> -> memref<1x2x64x136xf32, #tpu.memory_space<hbm>>
      %dma_start3A_399 = tpu.memref_squeeze %dma_start3A_398 : memref<1x2x64x136xf32, #tpu.memory_space<hbm>> -> memref<2x64x136xf32, #tpu.memory_space<hbm>>
      tpu.enqueue_dma source(%dma_start3A_399 : memref<2x64x136xf32, #tpu.memory_space<hbm>>) target(%arg7 : memref<2x64x136xf32, #tpu.memory_space<vmem>>) target_semaphore(%arg11 : memref<!tpu.dma_semaphore, #tpu.memory_space<semaphore_mem>>)
      %ge3A_400 = arith.constant 1 : i32
      %ge3A_401 = arith.cmpi sge, %add3A_264, %ge3A_400 : i32
      %convert_element_type3A_402 = arith.extui %ge3A_401 : i1 to i32
      %cond3A_403 = arith.constant 0 : i32
      %cond3A_404 = arith.cmpi ne, %convert_element_type3A_402, %cond3A_403 : i32
      scf.if %cond3A_404 {
        %dma_wait3A_405 = arith.constant 0 : i32
        %dma_wait3A_406 = arith.constant 0 : i32
        %dma_wait3A_407 = arith.constant 0 : i32
        %dma_wait3A_408 = arith.constant 0 : i32
        %dma_wait3A_409 = tpu.memref_slice %arg2[%dma_wait3A_405, %dma_wait3A_406, %dma_wait3A_407, %dma_wait3A_408] : memref<2x96x256x512xf32, #tpu.memory_space<hbm>> -> memref<1x2x64x136xf32, #tpu.memory_space<hbm>>
        %dma_wait3A_410 = tpu.memref_squeeze %dma_wait3A_409 : memref<1x2x64x136xf32, #tpu.memory_space<hbm>> -> memref<2x64x136xf32, #tpu.memory_space<hbm>>
        %dma_wait3A_411 = arith.constant 0 : i32
        %dma_wait3A_412 = arith.constant 0 : i32
        %dma_wait3A_413 = arith.constant 0 : i32
        %dma_wait3A_414 = tpu.memref_slice %arg2[%dma_wait3A_405, %dma_wait3A_411, %dma_wait3A_412, %dma_wait3A_413] : memref<2x96x256x512xf32, #tpu.memory_space<hbm>> -> memref<1x2x64x136xf32, #tpu.memory_space<hbm>>
        %dma_wait3A_415 = tpu.memref_squeeze %dma_wait3A_414 : memref<1x2x64x136xf32, #tpu.memory_space<hbm>> -> memref<2x64x136xf32, #tpu.memory_space<hbm>>
        tpu.wait_dma2 semaphore(%arg10 : memref<!tpu.dma_semaphore, #tpu.memory_space<semaphore_mem>>) src(%dma_wait3A_415 : memref<2x64x136xf32, #tpu.memory_space<hbm>>) dst(%arg6 : memref<2x64x136xf32, #tpu.memory_space<vmem>>)
        %sub3A_416 = arith.constant 1 : i32
        %sub3A_417 = arith.subi %add3A_264, %sub3A_416 : i32
        %jit3A_418 = arith.constant 16 : i32
        %div3A_419 = arith.divsi %sub3A_417, %jit3A_418 : i32
        %sign3A_420 = arith.constant 0 : i32
        %sign3A_421 = arith.cmpi sgt, %sub3A_417, %sign3A_420 : i32
        %sign3A_422 = arith.extui %sign3A_421 : i1 to i32
        %sign3A_423 = arith.constant 0 : i32
        %sign3A_424 = arith.cmpi slt, %sub3A_417, %sign3A_423 : i32
        %sign3A_425 = arith.extui %sign3A_424 : i1 to i32
        %sign3A_426 = arith.subi %sign3A_422, %sign3A_425 : i32
        %sign3A_427 = arith.constant 0 : i32
        %sign3A_428 = arith.cmpi sgt, %jit3A_418, %sign3A_427 : i32
        %sign3A_429 = arith.extui %sign3A_428 : i1 to i32
        %sign3A_430 = arith.constant 0 : i32
        %sign3A_431 = arith.cmpi slt, %jit3A_418, %sign3A_430 : i32
        %sign3A_432 = arith.extui %sign3A_431 : i1 to i32
        %sign3A_433 = arith.subi %sign3A_429, %sign3A_432 : i32
        %ne3A_434 = arith.cmpi ne, %sign3A_426, %sign3A_433 : i32
        %rem3A_435 = arith.remsi %sub3A_417, %jit3A_418 : i32
        %ne3A_436 = arith.constant 0 : i32
        %ne3A_437 = arith.cmpi ne, %rem3A_435, %ne3A_436 : i32
        %and3A_438 = arith.andi %ne3A_434, %ne3A_437 : i1
        %sub3A_439 = arith.constant 1 : i32
        %sub3A_440 = arith.subi %div3A_419, %sub3A_439 : i32
        %select_n3A_441 = arith.select %and3A_438, %sub3A_440, %div3A_419 : i32
        %mul3A_442 = arith.constant 4 : i32
        %mul3A_443 = arith.muli %add3A, %mul3A_442 : i32
        %add3A_444 = arith.addi %mul3A_443, %select_n3A_441 : i32
        %jit3A_445 = arith.constant 64 : i32
        %div3A_446 = arith.divsi %add3A_444, %jit3A_445 : i32
        %sign3A_447 = arith.constant 0 : i32
        %sign3A_448 = arith.cmpi sgt, %add3A_444, %sign3A_447 : i32
        %sign3A_449 = arith.extui %sign3A_448 : i1 to i32
        %sign3A_450 = arith.constant 0 : i32
        %sign3A_451 = arith.cmpi slt, %add3A_444, %sign3A_450 : i32
        %sign3A_452 = arith.extui %sign3A_451 : i1 to i32
        %sign3A_453 = arith.subi %sign3A_449, %sign3A_452 : i32
        %sign3A_454 = arith.constant 0 : i32
        %sign3A_455 = arith.cmpi sgt, %jit3A_445, %sign3A_454 : i32
        %sign3A_456 = arith.extui %sign3A_455 : i1 to i32
        %sign3A_457 = arith.constant 0 : i32
        %sign3A_458 = arith.cmpi slt, %jit3A_445, %sign3A_457 : i32
        %sign3A_459 = arith.extui %sign3A_458 : i1 to i32
        %sign3A_460 = arith.subi %sign3A_456, %sign3A_459 : i32
        %ne3A_461 = arith.cmpi ne, %sign3A_453, %sign3A_460 : i32
        %rem3A_462 = arith.remsi %add3A_444, %jit3A_445 : i32
        %ne3A_463 = arith.constant 0 : i32
        %ne3A_464 = arith.cmpi ne, %rem3A_462, %ne3A_463 : i32
        %and3A_465 = arith.andi %ne3A_461, %ne3A_464 : i1
        %sub3A_466 = arith.constant 1 : i32
        %sub3A_467 = arith.subi %div3A_446, %sub3A_466 : i32
        %select_n3A_468 = arith.select %and3A_465, %sub3A_467, %div3A_446 : i32
        %jit3A_469 = arith.constant 64 : i32
        %eq3A_470 = arith.constant 0 : i32
        %eq3A_471 = arith.cmpi eq, %jit3A_469, %eq3A_470 : i32
        %jit3A_472 = arith.constant 1 : i32
        %select_n3A_473 = arith.select %eq3A_471, %jit3A_472, %jit3A_469 : i32
        %rem3A_474 = arith.remsi %add3A_444, %select_n3A_473 : i32
        %ne3A_475 = arith.constant 0 : i32
        %ne3A_476 = arith.cmpi ne, %rem3A_474, %ne3A_475 : i32
        %lt3A_477 = arith.constant 0 : i32
        %lt3A_478 = arith.cmpi slt, %rem3A_474, %lt3A_477 : i32
        %lt3A_479 = arith.constant 0 : i32
        %lt3A_480 = arith.cmpi slt, %select_n3A_473, %lt3A_479 : i32
        %ne3A_481 = arith.xori %lt3A_478, %lt3A_480 : i1
        %and3A_482 = arith.andi %ne3A_481, %ne3A_476 : i1
        %add3A_483 = arith.addi %rem3A_474, %select_n3A_473 : i32
        %select_n3A_484 = arith.select %and3A_482, %add3A_483, %rem3A_474 : i32
        %get3A_485 = arith.index_cast %add3A_444 : i32 to index
        %get3A_486 = arith.constant 0 : index
        %get3A_487 = tpu.vector_load %arg5[%get3A_485, %get3A_486] {strides = array<i32>} : memref<128x16xi32, #tpu.memory_space<vmem>>, vector<1x16xi32>,
        %get3A_488 = vector.shape_cast %get3A_487 : vector<1x16xi32> to vector<16xi32>
        %slice3A_489 = vector.extract_strided_slice %get3A_488 {offsets = [0], sizes = [1], strides = [1]} : vector<16xi32> to vector<1xi32>
        %squeeze3A_490 = vector.extract %slice3A_489[0] : i32 from vector<1xi32>
        %slice3A_491 = vector.extract_strided_slice %get3A_488 {offsets = [1], sizes = [1], strides = [1]} : vector<16xi32> to vector<1xi32>
        %squeeze3A_492 = vector.extract %slice3A_491[0] : i32 from vector<1xi32>
        %slice3A_493 = vector.extract_strided_slice %get3A_488 {offsets = [2], sizes = [1], strides = [1]} : vector<16xi32> to vector<1xi32>
        %squeeze3A_494 = vector.extract %slice3A_493[0] : i32 from vector<1xi32>
        %jit3A_495 = arith.constant 4 : i32
        %div3A_496 = arith.divsi %squeeze3A_494, %jit3A_495 : i32
        %sign3A_497 = arith.constant 0 : i32
        %sign3A_498 = arith.cmpi sgt, %squeeze3A_494, %sign3A_497 : i32
        %sign3A_499 = arith.extui %sign3A_498 : i1 to i32
        %sign3A_500 = arith.constant 0 : i32
        %sign3A_501 = arith.cmpi slt, %squeeze3A_494, %sign3A_500 : i32
        %sign3A_502 = arith.extui %sign3A_501 : i1 to i32
        %sign3A_503 = arith.subi %sign3A_499, %sign3A_502 : i32
        %sign3A_504 = arith.constant 0 : i32
        %sign3A_505 = arith.cmpi sgt, %jit3A_495, %sign3A_504 : i32
        %sign3A_506 = arith.extui %sign3A_505 : i1 to i32
        %sign3A_507 = arith.constant 0 : i32
        %sign3A_508 = arith.cmpi slt, %jit3A_495, %sign3A_507 : i32
        %sign3A_509 = arith.extui %sign3A_508 : i1 to i32
        %sign3A_510 = arith.subi %sign3A_506, %sign3A_509 : i32
        %ne3A_511 = arith.cmpi ne, %sign3A_503, %sign3A_510 : i32
        %rem3A_512 = arith.remsi %squeeze3A_494, %jit3A_495 : i32
        %ne3A_513 = arith.constant 0 : i32
        %ne3A_514 = arith.cmpi ne, %rem3A_512, %ne3A_513 : i32
        %and3A_515 = arith.andi %ne3A_511, %ne3A_514 : i1
        %sub3A_516 = arith.constant 1 : i32
        %sub3A_517 = arith.subi %div3A_496, %sub3A_516 : i32
        %select_n3A_518 = arith.select %and3A_515, %sub3A_517, %div3A_496 : i32
        %mul3A_519 = arith.constant 8 : i32
        %mul3A_520 = arith.muli %select_n3A_518, %mul3A_519 : i32
        %multiple_of3A_521 = tpu.assume_multiple %mul3A_520, 8 : i32
        %mul3A_522 = arith.constant 2 : i32
        %mul3A_523 = arith.muli %squeeze3A_494, %mul3A_522 : i32
        %sub3A_524 = arith.subi %mul3A_523, %multiple_of3A_521 : i32
        %jit3A_525 = arith.constant 16 : i32
        %eq3A_526 = arith.constant 0 : i32
        %eq3A_527 = arith.cmpi eq, %jit3A_525, %eq3A_526 : i32
        %jit3A_528 = arith.constant 1 : i32
        %select_n3A_529 = arith.select %eq3A_527, %jit3A_528, %jit3A_525 : i32
        %rem3A_530 = arith.remsi %sub3A_417, %select_n3A_529 : i32
        %ne3A_531 = arith.constant 0 : i32
        %ne3A_532 = arith.cmpi ne, %rem3A_530, %ne3A_531 : i32
        %lt3A_533 = arith.constant 0 : i32
        %lt3A_534 = arith.cmpi slt, %rem3A_530, %lt3A_533 : i32
        %lt3A_535 = arith.constant 0 : i32
        %lt3A_536 = arith.cmpi slt, %select_n3A_529, %lt3A_535 : i32
        %ne3A_537 = arith.xori %lt3A_534, %lt3A_536 : i1
        %and3A_538 = arith.andi %ne3A_537, %ne3A_532 : i1
        %add3A_539 = arith.addi %rem3A_530, %select_n3A_529 : i32
        %select_n3A_540 = arith.select %and3A_538, %add3A_539, %rem3A_530 : i32
        %mul3A_541 = arith.constant 2 : i32
        %mul3A_542 = arith.muli %select_n3A_540, %mul3A_541 : i32
        %eq3A_543 = arith.constant 0 : i32
        %eq3A_544 = arith.cmpi eq, %sub3A_524, %eq3A_543 : i32
        %convert_element_type3A_545 = arith.extui %eq3A_544 : i1 to i32
        %cond3A_546 = arith.constant 0 : i32
        %cond3A_547 = arith.cmpi ne, %convert_element_type3A_545, %cond3A_546 : i32
        scf.if %cond3A_547 {
          %dma_start3A_553 = arith.constant 0 : i32
          %dma_start3A_554 = arith.constant 0 : i32
          %dma_start3A_555 = arith.constant 0 : i32
          %dma_start3A_556 = tpu.memref_slice %arg6[%dma_start3A_553, %dma_start3A_554, %dma_start3A_555] : memref<2x64x136xf32, #tpu.memory_space<vmem>> -> memref<2x64x128xf32, #tpu.memory_space<vmem>>
          %dma_start3A_557 = arith.constant 0 : i32
          %dma_start3A_558 = arith.constant 0 : i32
          %dma_start3A_559 = tpu.memref_slice %arg4[%select_n3A_468, %select_n3A_484, %mul3A_542, %dma_start3A_557, %dma_start3A_558] : memref<2x64x32x64x128xf32, #tpu.memory_space<hbm>> -> memref<1x1x2x64x128xf32, #tpu.memory_space<hbm>>
          %dma_start3A_560 = tpu.memref_squeeze %dma_start3A_559 : memref<1x1x2x64x128xf32, #tpu.memory_space<hbm>> -> memref<2x64x128xf32, #tpu.memory_space<hbm>>
          %dma_start3A_561 = arith.constant 0 : i32
          %dma_start3A_562 = arith.constant 0 : i32
          %dma_start3A_563 = tpu.memref_slice %arg4[%select_n3A_468, %select_n3A_484, %mul3A_542, %dma_start3A_561, %dma_start3A_562] : memref<2x64x32x64x128xf32, #tpu.memory_space<hbm>> -> memref<1x1x2x64x128xf32, #tpu.memory_space<hbm>>
          %dma_start3A_564 = tpu.memref_squeeze %dma_start3A_563 : memref<1x1x2x64x128xf32, #tpu.memory_space<hbm>> -> memref<2x64x128xf32, #tpu.memory_space<hbm>>
          %dma_start3A_565 = arith.constant 0 : i32
          %dma_start3A_566 = arith.constant 0 : i32
          %dma_start3A_567 = arith.constant 0 : i32
          %dma_start3A_568 = tpu.memref_slice %arg6[%dma_start3A_565, %dma_start3A_566, %dma_start3A_567] : memref<2x64x136xf32, #tpu.memory_space<vmem>> -> memref<2x64x128xf32, #tpu.memory_space<vmem>>
          tpu.enqueue_dma source(%dma_start3A_568 : memref<2x64x128xf32, #tpu.memory_space<vmem>>) target(%dma_start3A_564 : memref<2x64x128xf32, #tpu.memory_space<hbm>>) target_semaphore(%arg12 : memref<!tpu.dma_semaphore, #tpu.memory_space<semaphore_mem>>)
        } else {
        }
        %ne3A_548 = arith.constant 0 : i32
        %ne3A_549 = arith.cmpi ne, %sub3A_524, %ne3A_548 : i32
        %convert_element_type3A_550 = arith.extui %ne3A_549 : i1 to i32
        %cond3A_551 = arith.constant 0 : i32
        %cond3A_552 = arith.cmpi ne, %convert_element_type3A_550, %cond3A_551 : i32
        scf.if %cond3A_552 {
          %parallel_loop3A = arith.constant 0 : i32
          %parallel_loop3A_553 = arith.constant 128 : i32
          %parallel_loop3A_554 = arith.constant 1 : i32
          scf.for %parallel_loop3A_563 = %parallel_loop3A to %parallel_loop3A_553 step %parallel_loop3A_554  : i32 {
            %parallel_loop3A_564 = arith.constant 64 : i32
            %parallel_loop3A_565 = arith.divsi %parallel_loop3A_563, %parallel_loop3A_564 : i32
            %parallel_loop3A_566 = arith.constant 0 : i32
            %parallel_loop3A_567 = arith.cmpi sgt, %parallel_loop3A_563, %parallel_loop3A_566 : i32
            %parallel_loop3A_568 = arith.extui %parallel_loop3A_567 : i1 to i32
            %parallel_loop3A_569 = arith.constant 0 : i32
            %parallel_loop3A_570 = arith.cmpi slt, %parallel_loop3A_563, %parallel_loop3A_569 : i32
            %parallel_loop3A_571 = arith.extui %parallel_loop3A_570 : i1 to i32
            %parallel_loop3A_572 = arith.subi %parallel_loop3A_568, %parallel_loop3A_571 : i32
            %parallel_loop3A_573 = arith.constant 0 : i32
            %parallel_loop3A_574 = arith.cmpi sgt, %parallel_loop3A_564, %parallel_loop3A_573 : i32
            %parallel_loop3A_575 = arith.extui %parallel_loop3A_574 : i1 to i32
            %parallel_loop3A_576 = arith.constant 0 : i32
            %parallel_loop3A_577 = arith.cmpi slt, %parallel_loop3A_564, %parallel_loop3A_576 : i32
            %parallel_loop3A_578 = arith.extui %parallel_loop3A_577 : i1 to i32
            %parallel_loop3A_579 = arith.subi %parallel_loop3A_575, %parallel_loop3A_578 : i32
            %parallel_loop3A_580 = arith.cmpi ne, %parallel_loop3A_572, %parallel_loop3A_579 : i32
            %parallel_loop3A_581 = arith.remsi %parallel_loop3A_563, %parallel_loop3A_564 : i32
            %parallel_loop3A_582 = arith.constant 0 : i32
            %parallel_loop3A_583 = arith.cmpi ne, %parallel_loop3A_581, %parallel_loop3A_582 : i32
            %parallel_loop3A_584 = arith.andi %parallel_loop3A_580, %parallel_loop3A_583 : i1
            %parallel_loop3A_585 = arith.constant 1 : i32
            %parallel_loop3A_586 = arith.subi %parallel_loop3A_565, %parallel_loop3A_585 : i32
            %parallel_loop3A_587 = arith.select %parallel_loop3A_584, %parallel_loop3A_586, %parallel_loop3A_565 : i32
            %parallel_loop3A_588 = arith.constant 64 : i32
            %parallel_loop3A_589 = arith.constant 0 : i32
            %parallel_loop3A_590 = arith.cmpi eq, %parallel_loop3A_588, %parallel_loop3A_589 : i32
            %parallel_loop3A_591 = arith.constant 1 : i32
            %parallel_loop3A_592 = arith.select %parallel_loop3A_590, %parallel_loop3A_591, %parallel_loop3A_588 : i32
            %parallel_loop3A_593 = arith.remsi %parallel_loop3A_563, %parallel_loop3A_592 : i32
            %parallel_loop3A_594 = arith.constant 0 : i32
            %parallel_loop3A_595 = arith.cmpi ne, %parallel_loop3A_593, %parallel_loop3A_594 : i32
            %parallel_loop3A_596 = arith.constant 0 : i32
            %parallel_loop3A_597 = arith.cmpi slt, %parallel_loop3A_593, %parallel_loop3A_596 : i32
            %parallel_loop3A_598 = arith.constant 0 : i32
            %parallel_loop3A_599 = arith.cmpi slt, %parallel_loop3A_592, %parallel_loop3A_598 : i32
            %parallel_loop3A_600 = arith.xori %parallel_loop3A_597, %parallel_loop3A_599 : i1
            %parallel_loop3A_601 = arith.andi %parallel_loop3A_600, %parallel_loop3A_595 : i1
            %parallel_loop3A_602 = arith.addi %parallel_loop3A_593, %parallel_loop3A_592 : i32
            %parallel_loop3A_603 = arith.select %parallel_loop3A_601, %parallel_loop3A_602, %parallel_loop3A_593 : i32
            %parallel_loop3A_604 = arith.constant 0 : i32
            %parallel_loop3A_605 = arith.addi %sub3A_524, %parallel_loop3A_604 : i32
            %parallel_loop3A_606 = arith.index_cast %parallel_loop3A_587 : i32 to index
            %parallel_loop3A_607 = arith.index_cast %parallel_loop3A_603 : i32 to index
            %parallel_loop3A_608 = arith.index_cast %parallel_loop3A_605 : i32 to index
            %parallel_loop3A_609 = tpu.vector_load %arg6[%parallel_loop3A_606, %parallel_loop3A_607, %parallel_loop3A_608] {strides = array<i32>} : memref<2x64x136xf32, #tpu.memory_space<vmem>>, vector<1x1x16xf32>,
            %parallel_loop3A_610 = vector.shape_cast %parallel_loop3A_609 : vector<1x1x16xf32> to vector<16xf32>
            %parallel_loop3A_611 = arith.index_cast %parallel_loop3A_587 : i32 to index
            %parallel_loop3A_612 = arith.index_cast %parallel_loop3A_603 : i32 to index
            %parallel_loop3A_613 = arith.constant 0 : index
            %parallel_loop3A_614 = tpu.vector_load %arg8[%parallel_loop3A_611, %parallel_loop3A_612, %parallel_loop3A_613] {strides = array<i32>} : memref<2x64x128xf32, #tpu.memory_space<vmem>>, vector<1x1x16xf32>,
            %parallel_loop3A_615 = vector.shape_cast %parallel_loop3A_614 : vector<1x1x16xf32> to vector<16xf32>
            %parallel_loop3A_616 = vector.shape_cast %parallel_loop3A_610 : vector<16xf32> to vector<1x1x16xf32>
            tpu.vector_store %arg8[%parallel_loop3A_611, %parallel_loop3A_612, %parallel_loop3A_613], %parallel_loop3A_616 {strides = array<i32>} : memref<2x64x128xf32, #tpu.memory_space<vmem>>, vector<1x1x16xf32>,
            %parallel_loop3A_617 = arith.constant 16 : i32
            %parallel_loop3A_618 = arith.addi %sub3A_524, %parallel_loop3A_617 : i32
            %parallel_loop3A_619 = arith.index_cast %parallel_loop3A_587 : i32 to index
            %parallel_loop3A_620 = arith.index_cast %parallel_loop3A_603 : i32 to index
            %parallel_loop3A_621 = arith.index_cast %parallel_loop3A_618 : i32 to index
            %parallel_loop3A_622 = tpu.vector_load %arg6[%parallel_loop3A_619, %parallel_loop3A_620, %parallel_loop3A_621] {strides = array<i32>} : memref<2x64x136xf32, #tpu.memory_space<vmem>>, vector<1x1x16xf32>,
            %parallel_loop3A_623 = vector.shape_cast %parallel_loop3A_622 : vector<1x1x16xf32> to vector<16xf32>
            %parallel_loop3A_624 = arith.index_cast %parallel_loop3A_587 : i32 to index
            %parallel_loop3A_625 = arith.index_cast %parallel_loop3A_603 : i32 to index
            %parallel_loop3A_626 = arith.constant 16 : index
            %parallel_loop3A_627 = tpu.vector_load %arg8[%parallel_loop3A_624, %parallel_loop3A_625, %parallel_loop3A_626] {strides = array<i32>} : memref<2x64x128xf32, #tpu.memory_space<vmem>>, vector<1x1x16xf32>,
            %parallel_loop3A_628 = vector.shape_cast %parallel_loop3A_627 : vector<1x1x16xf32> to vector<16xf32>
            %parallel_loop3A_629 = vector.shape_cast %parallel_loop3A_623 : vector<16xf32> to vector<1x1x16xf32>
            tpu.vector_store %arg8[%parallel_loop3A_624, %parallel_loop3A_625, %parallel_loop3A_626], %parallel_loop3A_629 {strides = array<i32>} : memref<2x64x128xf32, #tpu.memory_space<vmem>>, vector<1x1x16xf32>,
            %parallel_loop3A_630 = arith.constant 32 : i32
            %parallel_loop3A_631 = arith.addi %sub3A_524, %parallel_loop3A_630 : i32
            %parallel_loop3A_632 = arith.index_cast %parallel_loop3A_587 : i32 to index
            %parallel_loop3A_633 = arith.index_cast %parallel_loop3A_603 : i32 to index
            %parallel_loop3A_634 = arith.index_cast %parallel_loop3A_631 : i32 to index
            %parallel_loop3A_635 = tpu.vector_load %arg6[%parallel_loop3A_632, %parallel_loop3A_633, %parallel_loop3A_634] {strides = array<i32>} : memref<2x64x136xf32, #tpu.memory_space<vmem>>, vector<1x1x16xf32>,
            %parallel_loop3A_636 = vector.shape_cast %parallel_loop3A_635 : vector<1x1x16xf32> to vector<16xf32>
            %parallel_loop3A_637 = arith.index_cast %parallel_loop3A_587 : i32 to index
            %parallel_loop3A_638 = arith.index_cast %parallel_loop3A_603 : i32 to index
            %parallel_loop3A_639 = arith.constant 32 : index
            %parallel_loop3A_640 = tpu.vector_load %arg8[%parallel_loop3A_637, %parallel_loop3A_638, %parallel_loop3A_639] {strides = array<i32>} : memref<2x64x128xf32, #tpu.memory_space<vmem>>, vector<1x1x16xf32>,
            %parallel_loop3A_641 = vector.shape_cast %parallel_loop3A_640 : vector<1x1x16xf32> to vector<16xf32>
            %parallel_loop3A_642 = vector.shape_cast %parallel_loop3A_636 : vector<16xf32> to vector<1x1x16xf32>
            tpu.vector_store %arg8[%parallel_loop3A_637, %parallel_loop3A_638, %parallel_loop3A_639], %parallel_loop3A_642 {strides = array<i32>} : memref<2x64x128xf32, #tpu.memory_space<vmem>>, vector<1x1x16xf32>,
            %parallel_loop3A_643 = arith.constant 48 : i32
            %parallel_loop3A_644 = arith.addi %sub3A_524, %parallel_loop3A_643 : i32
            %parallel_loop3A_645 = arith.index_cast %parallel_loop3A_587 : i32 to index
            %parallel_loop3A_646 = arith.index_cast %parallel_loop3A_603 : i32 to index
            %parallel_loop3A_647 = arith.index_cast %parallel_loop3A_644 : i32 to index
            %parallel_loop3A_648 = tpu.vector_load %arg6[%parallel_loop3A_645, %parallel_loop3A_646, %parallel_loop3A_647] {strides = array<i32>} : memref<2x64x136xf32, #tpu.memory_space<vmem>>, vector<1x1x16xf32>,
            %parallel_loop3A_649 = vector.shape_cast %parallel_loop3A_648 : vector<1x1x16xf32> to vector<16xf32>
            %parallel_loop3A_650 = arith.index_cast %parallel_loop3A_587 : i32 to index
            %parallel_loop3A_651 = arith.index_cast %parallel_loop3A_603 : i32 to index
            %parallel_loop3A_652 = arith.constant 48 : index
            %parallel_loop3A_653 = tpu.vector_load %arg8[%parallel_loop3A_650, %parallel_loop3A_651, %parallel_loop3A_652] {strides = array<i32>} : memref<2x64x128xf32, #tpu.memory_space<vmem>>, vector<1x1x16xf32>,
            %parallel_loop3A_654 = vector.shape_cast %parallel_loop3A_653 : vector<1x1x16xf32> to vector<16xf32>
            %parallel_loop3A_655 = vector.shape_cast %parallel_loop3A_649 : vector<16xf32> to vector<1x1x16xf32>
            tpu.vector_store %arg8[%parallel_loop3A_650, %parallel_loop3A_651, %parallel_loop3A_652], %parallel_loop3A_655 {strides = array<i32>} : memref<2x64x128xf32, #tpu.memory_space<vmem>>, vector<1x1x16xf32>,
            %parallel_loop3A_656 = arith.constant 64 : i32
            %parallel_loop3A_657 = arith.addi %sub3A_524, %parallel_loop3A_656 : i32
            %parallel_loop3A_658 = arith.index_cast %parallel_loop3A_587 : i32 to index
            %parallel_loop3A_659 = arith.index_cast %parallel_loop3A_603 : i32 to index
            %parallel_loop3A_660 = arith.index_cast %parallel_loop3A_657 : i32 to index
            %parallel_loop3A_661 = tpu.vector_load %arg6[%parallel_loop3A_658, %parallel_loop3A_659, %parallel_loop3A_660] {strides = array<i32>} : memref<2x64x136xf32, #tpu.memory_space<vmem>>, vector<1x1x16xf32>,
            %parallel_loop3A_662 = vector.shape_cast %parallel_loop3A_661 : vector<1x1x16xf32> to vector<16xf32>
            %parallel_loop3A_663 = arith.index_cast %parallel_loop3A_587 : i32 to index
            %parallel_loop3A_664 = arith.index_cast %parallel_loop3A_603 : i32 to index
            %parallel_loop3A_665 = arith.constant 64 : index
            %parallel_loop3A_666 = tpu.vector_load %arg8[%parallel_loop3A_663, %parallel_loop3A_664, %parallel_loop3A_665] {strides = array<i32>} : memref<2x64x128xf32, #tpu.memory_space<vmem>>, vector<1x1x16xf32>,
            %parallel_loop3A_667 = vector.shape_cast %parallel_loop3A_666 : vector<1x1x16xf32> to vector<16xf32>
            %parallel_loop3A_668 = vector.shape_cast %parallel_loop3A_662 : vector<16xf32> to vector<1x1x16xf32>
            tpu.vector_store %arg8[%parallel_loop3A_663, %parallel_loop3A_664, %parallel_loop3A_665], %parallel_loop3A_668 {strides = array<i32>} : memref<2x64x128xf32, #tpu.memory_space<vmem>>, vector<1x1x16xf32>,
            %parallel_loop3A_669 = arith.constant 80 : i32
            %parallel_loop3A_670 = arith.addi %sub3A_524, %parallel_loop3A_669 : i32
            %parallel_loop3A_671 = arith.index_cast %parallel_loop3A_587 : i32 to index
            %parallel_loop3A_672 = arith.index_cast %parallel_loop3A_603 : i32 to index
            %parallel_loop3A_673 = arith.index_cast %parallel_loop3A_670 : i32 to index
            %parallel_loop3A_674 = tpu.vector_load %arg6[%parallel_loop3A_671, %parallel_loop3A_672, %parallel_loop3A_673] {strides = array<i32>} : memref<2x64x136xf32, #tpu.memory_space<vmem>>, vector<1x1x16xf32>,
            %parallel_loop3A_675 = vector.shape_cast %parallel_loop3A_674 : vector<1x1x16xf32> to vector<16xf32>
            %parallel_loop3A_676 = arith.index_cast %parallel_loop3A_587 : i32 to index
            %parallel_loop3A_677 = arith.index_cast %parallel_loop3A_603 : i32 to index
            %parallel_loop3A_678 = arith.constant 80 : index
            %parallel_loop3A_679 = tpu.vector_load %arg8[%parallel_loop3A_676, %parallel_loop3A_677, %parallel_loop3A_678] {strides = array<i32>} : memref<2x64x128xf32, #tpu.memory_space<vmem>>, vector<1x1x16xf32>,
            %parallel_loop3A_680 = vector.shape_cast %parallel_loop3A_679 : vector<1x1x16xf32> to vector<16xf32>
            %parallel_loop3A_681 = vector.shape_cast %parallel_loop3A_675 : vector<16xf32> to vector<1x1x16xf32>
            tpu.vector_store %arg8[%parallel_loop3A_676, %parallel_loop3A_677, %parallel_loop3A_678], %parallel_loop3A_681 {strides = array<i32>} : memref<2x64x128xf32, #tpu.memory_space<vmem>>, vector<1x1x16xf32>,
            %parallel_loop3A_682 = arith.constant 96 : i32
            %parallel_loop3A_683 = arith.addi %sub3A_524, %parallel_loop3A_682 : i32
            %parallel_loop3A_684 = arith.index_cast %parallel_loop3A_587 : i32 to index
            %parallel_loop3A_685 = arith.index_cast %parallel_loop3A_603 : i32 to index
            %parallel_loop3A_686 = arith.index_cast %parallel_loop3A_683 : i32 to index
            %parallel_loop3A_687 = tpu.vector_load %arg6[%parallel_loop3A_684, %parallel_loop3A_685, %parallel_loop3A_686] {strides = array<i32>} : memref<2x64x136xf32, #tpu.memory_space<vmem>>, vector<1x1x16xf32>,
            %parallel_loop3A_688 = vector.shape_cast %parallel_loop3A_687 : vector<1x1x16xf32> to vector<16xf32>
            %parallel_loop3A_689 = arith.index_cast %parallel_loop3A_587 : i32 to index
            %parallel_loop3A_690 = arith.index_cast %parallel_loop3A_603 : i32 to index
            %parallel_loop3A_691 = arith.constant 96 : index
            %parallel_loop3A_692 = tpu.vector_load %arg8[%parallel_loop3A_689, %parallel_loop3A_690, %parallel_loop3A_691] {strides = array<i32>} : memref<2x64x128xf32, #tpu.memory_space<vmem>>, vector<1x1x16xf32>,
            %parallel_loop3A_693 = vector.shape_cast %parallel_loop3A_692 : vector<1x1x16xf32> to vector<16xf32>
            %parallel_loop3A_694 = vector.shape_cast %parallel_loop3A_688 : vector<16xf32> to vector<1x1x16xf32>
            tpu.vector_store %arg8[%parallel_loop3A_689, %parallel_loop3A_690, %parallel_loop3A_691], %parallel_loop3A_694 {strides = array<i32>} : memref<2x64x128xf32, #tpu.memory_space<vmem>>, vector<1x1x16xf32>,
            %parallel_loop3A_695 = arith.constant 112 : i32
            %parallel_loop3A_696 = arith.addi %sub3A_524, %parallel_loop3A_695 : i32
            %parallel_loop3A_697 = arith.index_cast %parallel_loop3A_587 : i32 to index
            %parallel_loop3A_698 = arith.index_cast %parallel_loop3A_603 : i32 to index
            %parallel_loop3A_699 = arith.index_cast %parallel_loop3A_696 : i32 to index
            %parallel_loop3A_700 = tpu.vector_load %arg6[%parallel_loop3A_697, %parallel_loop3A_698, %parallel_loop3A_699] {strides = array<i32>} : memref<2x64x136xf32, #tpu.memory_space<vmem>>, vector<1x1x16xf32>,
            %parallel_loop3A_701 = vector.shape_cast %parallel_loop3A_700 : vector<1x1x16xf32> to vector<16xf32>
            %parallel_loop3A_702 = arith.index_cast %parallel_loop3A_587 : i32 to index
            %parallel_loop3A_703 = arith.index_cast %parallel_loop3A_603 : i32 to index
            %parallel_loop3A_704 = arith.constant 112 : index
            %parallel_loop3A_705 = tpu.vector_load %arg8[%parallel_loop3A_702, %parallel_loop3A_703, %parallel_loop3A_704] {strides = array<i32>} : memref<2x64x128xf32, #tpu.memory_space<vmem>>, vector<1x1x16xf32>,
            %parallel_loop3A_706 = vector.shape_cast %parallel_loop3A_705 : vector<1x1x16xf32> to vector<16xf32>
            %parallel_loop3A_707 = vector.shape_cast %parallel_loop3A_701 : vector<16xf32> to vector<1x1x16xf32>
            tpu.vector_store %arg8[%parallel_loop3A_702, %parallel_loop3A_703, %parallel_loop3A_704], %parallel_loop3A_707 {strides = array<i32>} : memref<2x64x128xf32, #tpu.memory_space<vmem>>, vector<1x1x16xf32>,
          } {sc.loop_unroll_factor = 2 : i64, sc.parallel_access}
          %dma_start3A_555 = arith.constant 0 : i32
          %dma_start3A_556 = arith.constant 0 : i32
          %dma_start3A_557 = tpu.memref_slice %arg4[%select_n3A_468, %select_n3A_484, %mul3A_542, %dma_start3A_555, %dma_start3A_556] : memref<2x64x32x64x128xf32, #tpu.memory_space<hbm>> -> memref<1x1x2x64x128xf32, #tpu.memory_space<hbm>>
          %dma_start3A_558 = tpu.memref_squeeze %dma_start3A_557 : memref<1x1x2x64x128xf32, #tpu.memory_space<hbm>> -> memref<2x64x128xf32, #tpu.memory_space<hbm>>
          %dma_start3A_559 = arith.constant 0 : i32
          %dma_start3A_560 = arith.constant 0 : i32
          %dma_start3A_561 = tpu.memref_slice %arg4[%select_n3A_468, %select_n3A_484, %mul3A_542, %dma_start3A_559, %dma_start3A_560] : memref<2x64x32x64x128xf32, #tpu.memory_space<hbm>> -> memref<1x1x2x64x128xf32, #tpu.memory_space<hbm>>
          %dma_start3A_562 = tpu.memref_squeeze %dma_start3A_561 : memref<1x1x2x64x128xf32, #tpu.memory_space<hbm>> -> memref<2x64x128xf32, #tpu.memory_space<hbm>>
          tpu.enqueue_dma source(%arg8 : memref<2x64x128xf32, #tpu.memory_space<vmem>>) target(%dma_start3A_562 : memref<2x64x128xf32, #tpu.memory_space<hbm>>) target_semaphore(%arg12 : memref<!tpu.dma_semaphore, #tpu.memory_space<semaphore_mem>>)
        } else {
        }
      } else {
      }
    }
    %scan3A_5 = arith.constant 32 : i32
    %dma_wait3A = arith.constant 0 : i32
    %dma_wait3A_6 = arith.constant 0 : i32
    %dma_wait3A_7 = arith.constant 0 : i32
    %dma_wait3A_8 = arith.constant 0 : i32
    %dma_wait3A_9 = tpu.memref_slice %arg2[%dma_wait3A, %dma_wait3A_6, %dma_wait3A_7, %dma_wait3A_8] : memref<2x96x256x512xf32, #tpu.memory_space<hbm>> -> memref<1x2x64x136xf32, #tpu.memory_space<hbm>>
    %dma_wait3A_10 = tpu.memref_squeeze %dma_wait3A_9 : memref<1x2x64x136xf32, #tpu.memory_space<hbm>> -> memref<2x64x136xf32, #tpu.memory_space<hbm>>
    %dma_wait3A_11 = arith.constant 0 : i32
    %dma_wait3A_12 = arith.constant 0 : i32
    %dma_wait3A_13 = arith.constant 0 : i32
    %dma_wait3A_14 = tpu.memref_slice %arg2[%dma_wait3A, %dma_wait3A_11, %dma_wait3A_12, %dma_wait3A_13] : memref<2x96x256x512xf32, #tpu.memory_space<hbm>> -> memref<1x2x64x136xf32, #tpu.memory_space<hbm>>
    %dma_wait3A_15 = tpu.memref_squeeze %dma_wait3A_14 : memref<1x2x64x136xf32, #tpu.memory_space<hbm>> -> memref<2x64x136xf32, #tpu.memory_space<hbm>>
    tpu.wait_dma2 semaphore(%arg11 : memref<!tpu.dma_semaphore, #tpu.memory_space<semaphore_mem>>) src(%dma_wait3A_15 : memref<2x64x136xf32, #tpu.memory_space<hbm>>) dst(%arg7 : memref<2x64x136xf32, #tpu.memory_space<vmem>>)
    %mul3A_16 = arith.constant 4 : i32
    %mul3A_17 = arith.muli %add3A, %mul3A_16 : i32
    %add3A_18 = arith.constant 3 : i32
    %add3A_19 = arith.addi %mul3A_17, %add3A_18 : i32
    %jit3A = arith.constant 64 : i32
    %div3A = arith.divsi %add3A_19, %jit3A : i32
    %sign3A = arith.constant 0 : i32
    %sign3A_20 = arith.cmpi sgt, %add3A_19, %sign3A : i32
    %sign3A_21 = arith.extui %sign3A_20 : i1 to i32
    %sign3A_22 = arith.constant 0 : i32
    %sign3A_23 = arith.cmpi slt, %add3A_19, %sign3A_22 : i32
    %sign3A_24 = arith.extui %sign3A_23 : i1 to i32
    %sign3A_25 = arith.subi %sign3A_21, %sign3A_24 : i32
    %sign3A_26 = arith.constant 0 : i32
    %sign3A_27 = arith.cmpi sgt, %jit3A, %sign3A_26 : i32
    %sign3A_28 = arith.extui %sign3A_27 : i1 to i32
    %sign3A_29 = arith.constant 0 : i32
    %sign3A_30 = arith.cmpi slt, %jit3A, %sign3A_29 : i32
    %sign3A_31 = arith.extui %sign3A_30 : i1 to i32
    %sign3A_32 = arith.subi %sign3A_28, %sign3A_31 : i32
    %ne3A = arith.cmpi ne, %sign3A_25, %sign3A_32 : i32
    %rem3A = arith.remsi %add3A_19, %jit3A : i32
    %ne3A_33 = arith.constant 0 : i32
    %ne3A_34 = arith.cmpi ne, %rem3A, %ne3A_33 : i32
    %and3A = arith.andi %ne3A, %ne3A_34 : i1
    %sub3A = arith.constant 1 : i32
    %sub3A_35 = arith.subi %div3A, %sub3A : i32
    %select_n3A = arith.select %and3A, %sub3A_35, %div3A : i32
    %jit3A_36 = arith.constant 64 : i32
    %eq3A = arith.constant 0 : i32
    %eq3A_37 = arith.cmpi eq, %jit3A_36, %eq3A : i32
    %jit3A_38 = arith.constant 1 : i32
    %select_n3A_39 = arith.select %eq3A_37, %jit3A_38, %jit3A_36 : i32
    %rem3A_40 = arith.remsi %add3A_19, %select_n3A_39 : i32
    %ne3A_41 = arith.constant 0 : i32
    %ne3A_42 = arith.cmpi ne, %rem3A_40, %ne3A_41 : i32
    %lt3A = arith.constant 0 : i32
    %lt3A_43 = arith.cmpi slt, %rem3A_40, %lt3A : i32
    %lt3A_44 = arith.constant 0 : i32
    %lt3A_45 = arith.cmpi slt, %select_n3A_39, %lt3A_44 : i32
    %ne3A_46 = arith.xori %lt3A_43, %lt3A_45 : i1
    %and3A_47 = arith.andi %ne3A_46, %ne3A_42 : i1
    %add3A_48 = arith.addi %rem3A_40, %select_n3A_39 : i32
    %select_n3A_49 = arith.select %and3A_47, %add3A_48, %rem3A_40 : i32
    %get3A = arith.index_cast %add3A_19 : i32 to index
    %get3A_50 = arith.constant 0 : index
    %get3A_51 = tpu.vector_load %arg5[%get3A, %get3A_50] {strides = array<i32>} : memref<128x16xi32, #tpu.memory_space<vmem>>, vector<1x16xi32>,
    %get3A_52 = vector.shape_cast %get3A_51 : vector<1x16xi32> to vector<16xi32>
    %slice3A = vector.extract_strided_slice %get3A_52 {offsets = [0], sizes = [1], strides = [1]} : vector<16xi32> to vector<1xi32>
    %squeeze3A = vector.extract %slice3A[0] : i32 from vector<1xi32>
    %slice3A_53 = vector.extract_strided_slice %get3A_52 {offsets = [1], sizes = [1], strides = [1]} : vector<16xi32> to vector<1xi32>
    %squeeze3A_54 = vector.extract %slice3A_53[0] : i32 from vector<1xi32>
    %slice3A_55 = vector.extract_strided_slice %get3A_52 {offsets = [2], sizes = [1], strides = [1]} : vector<16xi32> to vector<1xi32>
    %squeeze3A_56 = vector.extract %slice3A_55[0] : i32 from vector<1xi32>
    %jit3A_57 = arith.constant 4 : i32
    %div3A_58 = arith.divsi %squeeze3A_56, %jit3A_57 : i32
    %sign3A_59 = arith.constant 0 : i32
    %sign3A_60 = arith.cmpi sgt, %squeeze3A_56, %sign3A_59 : i32
    %sign3A_61 = arith.extui %sign3A_60 : i1 to i32
    %sign3A_62 = arith.constant 0 : i32
    %sign3A_63 = arith.cmpi slt, %squeeze3A_56, %sign3A_62 : i32
    %sign3A_64 = arith.extui %sign3A_63 : i1 to i32
    %sign3A_65 = arith.subi %sign3A_61, %sign3A_64 : i32
    %sign3A_66 = arith.constant 0 : i32
    %sign3A_67 = arith.cmpi sgt, %jit3A_57, %sign3A_66 : i32
    %sign3A_68 = arith.extui %sign3A_67 : i1 to i32
    %sign3A_69 = arith.constant 0 : i32
    %sign3A_70 = arith.cmpi slt, %jit3A_57, %sign3A_69 : i32
    %sign3A_71 = arith.extui %sign3A_70 : i1 to i32
    %sign3A_72 = arith.subi %sign3A_68, %sign3A_71 : i32
    %ne3A_73 = arith.cmpi ne, %sign3A_65, %sign3A_72 : i32
    %rem3A_74 = arith.remsi %squeeze3A_56, %jit3A_57 : i32
    %ne3A_75 = arith.constant 0 : i32
    %ne3A_76 = arith.cmpi ne, %rem3A_74, %ne3A_75 : i32
    %and3A_77 = arith.andi %ne3A_73, %ne3A_76 : i1
    %sub3A_78 = arith.constant 1 : i32
    %sub3A_79 = arith.subi %div3A_58, %sub3A_78 : i32
    %select_n3A_80 = arith.select %and3A_77, %sub3A_79, %div3A_58 : i32
    %mul3A_81 = arith.constant 8 : i32
    %mul3A_82 = arith.muli %select_n3A_80, %mul3A_81 : i32
    %multiple_of3A = tpu.assume_multiple %mul3A_82, 8 : i32
    %mul3A_83 = arith.constant 2 : i32
    %mul3A_84 = arith.muli %squeeze3A_56, %mul3A_83 : i32
    %sub3A_85 = arith.subi %mul3A_84, %multiple_of3A : i32
    %eq3A_86 = arith.constant 0 : i32
    %eq3A_87 = arith.cmpi eq, %sub3A_85, %eq3A_86 : i32
    %convert_element_type3A = arith.extui %eq3A_87 : i1 to i32
    %cond3A = arith.constant 0 : i32
    %cond3A_88 = arith.cmpi ne, %convert_element_type3A, %cond3A : i32
    scf.if %cond3A_88 {
      %dma_start3A = arith.constant 0 : i32
      %dma_start3A_118 = arith.constant 0 : i32
      %dma_start3A_119 = arith.constant 0 : i32
      %dma_start3A_120 = tpu.memref_slice %arg7[%dma_start3A, %dma_start3A_118, %dma_start3A_119] : memref<2x64x136xf32, #tpu.memory_space<vmem>> -> memref<2x64x128xf32, #tpu.memory_space<vmem>>
      %dma_start3A_121 = arith.constant 30 : i32
      %dma_start3A_122 = arith.constant 0 : i32
      %dma_start3A_123 = arith.constant 0 : i32
      %dma_start3A_124 = tpu.memref_slice %arg4[%select_n3A, %select_n3A_49, %dma_start3A_121, %dma_start3A_122, %dma_start3A_123] : memref<2x64x32x64x128xf32, #tpu.memory_space<hbm>> -> memref<1x1x2x64x128xf32, #tpu.memory_space<hbm>>
      %dma_start3A_125 = tpu.memref_squeeze %dma_start3A_124 : memref<1x1x2x64x128xf32, #tpu.memory_space<hbm>> -> memref<2x64x128xf32, #tpu.memory_space<hbm>>
      %dma_start3A_126 = arith.constant 30 : i32
      %dma_start3A_127 = arith.constant 0 : i32
      %dma_start3A_128 = arith.constant 0 : i32
      %dma_start3A_129 = tpu.memref_slice %arg4[%select_n3A, %select_n3A_49, %dma_start3A_126, %dma_start3A_127, %dma_start3A_128] : memref<2x64x32x64x128xf32, #tpu.memory_space<hbm>> -> memref<1x1x2x64x128xf32, #tpu.memory_space<hbm>>
      %dma_start3A_130 = tpu.memref_squeeze %dma_start3A_129 : memref<1x1x2x64x128xf32, #tpu.memory_space<hbm>> -> memref<2x64x128xf32, #tpu.memory_space<hbm>>
      %dma_start3A_131 = arith.constant 0 : i32
      %dma_start3A_132 = arith.constant 0 : i32
      %dma_start3A_133 = arith.constant 0 : i32
      %dma_start3A_134 = tpu.memref_slice %arg7[%dma_start3A_131, %dma_start3A_132, %dma_start3A_133] : memref<2x64x136xf32, #tpu.memory_space<vmem>> -> memref<2x64x128xf32, #tpu.memory_space<vmem>>
      tpu.enqueue_dma source(%dma_start3A_134 : memref<2x64x128xf32, #tpu.memory_space<vmem>>) target(%dma_start3A_130 : memref<2x64x128xf32, #tpu.memory_space<hbm>>) target_semaphore(%arg13 : memref<!tpu.dma_semaphore, #tpu.memory_space<semaphore_mem>>)
    } else {
    }
    %ne3A_89 = arith.constant 0 : i32
    %ne3A_90 = arith.cmpi ne, %sub3A_85, %ne3A_89 : i32
    %convert_element_type3A_91 = arith.extui %ne3A_90 : i1 to i32
    %cond3A_92 = arith.constant 0 : i32
    %cond3A_93 = arith.cmpi ne, %convert_element_type3A_91, %cond3A_92 : i32
    scf.if %cond3A_93 {
      %parallel_loop3A = arith.constant 0 : i32
      %parallel_loop3A_118 = arith.constant 128 : i32
      %parallel_loop3A_119 = arith.constant 1 : i32
      scf.for %parallel_loop3A_129 = %parallel_loop3A to %parallel_loop3A_118 step %parallel_loop3A_119  : i32 {
        %parallel_loop3A_130 = arith.constant 64 : i32
        %parallel_loop3A_131 = arith.divsi %parallel_loop3A_129, %parallel_loop3A_130 : i32
        %parallel_loop3A_132 = arith.constant 0 : i32
        %parallel_loop3A_133 = arith.cmpi sgt, %parallel_loop3A_129, %parallel_loop3A_132 : i32
        %parallel_loop3A_134 = arith.extui %parallel_loop3A_133 : i1 to i32
        %parallel_loop3A_135 = arith.constant 0 : i32
        %parallel_loop3A_136 = arith.cmpi slt, %parallel_loop3A_129, %parallel_loop3A_135 : i32
        %parallel_loop3A_137 = arith.extui %parallel_loop3A_136 : i1 to i32
        %parallel_loop3A_138 = arith.subi %parallel_loop3A_134, %parallel_loop3A_137 : i32
        %parallel_loop3A_139 = arith.constant 0 : i32
        %parallel_loop3A_140 = arith.cmpi sgt, %parallel_loop3A_130, %parallel_loop3A_139 : i32
        %parallel_loop3A_141 = arith.extui %parallel_loop3A_140 : i1 to i32
        %parallel_loop3A_142 = arith.constant 0 : i32
        %parallel_loop3A_143 = arith.cmpi slt, %parallel_loop3A_130, %parallel_loop3A_142 : i32
        %parallel_loop3A_144 = arith.extui %parallel_loop3A_143 : i1 to i32
        %parallel_loop3A_145 = arith.subi %parallel_loop3A_141, %parallel_loop3A_144 : i32
        %parallel_loop3A_146 = arith.cmpi ne, %parallel_loop3A_138, %parallel_loop3A_145 : i32
        %parallel_loop3A_147 = arith.remsi %parallel_loop3A_129, %parallel_loop3A_130 : i32
        %parallel_loop3A_148 = arith.constant 0 : i32
        %parallel_loop3A_149 = arith.cmpi ne, %parallel_loop3A_147, %parallel_loop3A_148 : i32
        %parallel_loop3A_150 = arith.andi %parallel_loop3A_146, %parallel_loop3A_149 : i1
        %parallel_loop3A_151 = arith.constant 1 : i32
        %parallel_loop3A_152 = arith.subi %parallel_loop3A_131, %parallel_loop3A_151 : i32
        %parallel_loop3A_153 = arith.select %parallel_loop3A_150, %parallel_loop3A_152, %parallel_loop3A_131 : i32
        %parallel_loop3A_154 = arith.constant 64 : i32
        %parallel_loop3A_155 = arith.constant 0 : i32
        %parallel_loop3A_156 = arith.cmpi eq, %parallel_loop3A_154, %parallel_loop3A_155 : i32
        %parallel_loop3A_157 = arith.constant 1 : i32
        %parallel_loop3A_158 = arith.select %parallel_loop3A_156, %parallel_loop3A_157, %parallel_loop3A_154 : i32
        %parallel_loop3A_159 = arith.remsi %parallel_loop3A_129, %parallel_loop3A_158 : i32
        %parallel_loop3A_160 = arith.constant 0 : i32
        %parallel_loop3A_161 = arith.cmpi ne, %parallel_loop3A_159, %parallel_loop3A_160 : i32
        %parallel_loop3A_162 = arith.constant 0 : i32
        %parallel_loop3A_163 = arith.cmpi slt, %parallel_loop3A_159, %parallel_loop3A_162 : i32
        %parallel_loop3A_164 = arith.constant 0 : i32
        %parallel_loop3A_165 = arith.cmpi slt, %parallel_loop3A_158, %parallel_loop3A_164 : i32
        %parallel_loop3A_166 = arith.xori %parallel_loop3A_163, %parallel_loop3A_165 : i1
        %parallel_loop3A_167 = arith.andi %parallel_loop3A_166, %parallel_loop3A_161 : i1
        %parallel_loop3A_168 = arith.addi %parallel_loop3A_159, %parallel_loop3A_158 : i32
        %parallel_loop3A_169 = arith.select %parallel_loop3A_167, %parallel_loop3A_168, %parallel_loop3A_159 : i32
        %parallel_loop3A_170 = arith.constant 0 : i32
        %parallel_loop3A_171 = arith.addi %sub3A_85, %parallel_loop3A_170 : i32
        %parallel_loop3A_172 = arith.index_cast %parallel_loop3A_153 : i32 to index
        %parallel_loop3A_173 = arith.index_cast %parallel_loop3A_169 : i32 to index
        %parallel_loop3A_174 = arith.index_cast %parallel_loop3A_171 : i32 to index
        %parallel_loop3A_175 = tpu.vector_load %arg7[%parallel_loop3A_172, %parallel_loop3A_173, %parallel_loop3A_174] {strides = array<i32>} : memref<2x64x136xf32, #tpu.memory_space<vmem>>, vector<1x1x16xf32>,
        %parallel_loop3A_176 = vector.shape_cast %parallel_loop3A_175 : vector<1x1x16xf32> to vector<16xf32>
        %parallel_loop3A_177 = arith.index_cast %parallel_loop3A_153 : i32 to index
        %parallel_loop3A_178 = arith.index_cast %parallel_loop3A_169 : i32 to index
        %parallel_loop3A_179 = arith.constant 0 : index
        %parallel_loop3A_180 = tpu.vector_load %arg9[%parallel_loop3A_177, %parallel_loop3A_178, %parallel_loop3A_179] {strides = array<i32>} : memref<2x64x128xf32, #tpu.memory_space<vmem>>, vector<1x1x16xf32>,
        %parallel_loop3A_181 = vector.shape_cast %parallel_loop3A_180 : vector<1x1x16xf32> to vector<16xf32>
        %parallel_loop3A_182 = vector.shape_cast %parallel_loop3A_176 : vector<16xf32> to vector<1x1x16xf32>
        tpu.vector_store %arg9[%parallel_loop3A_177, %parallel_loop3A_178, %parallel_loop3A_179], %parallel_loop3A_182 {strides = array<i32>} : memref<2x64x128xf32, #tpu.memory_space<vmem>>, vector<1x1x16xf32>,
        %parallel_loop3A_183 = arith.constant 16 : i32
        %parallel_loop3A_184 = arith.addi %sub3A_85, %parallel_loop3A_183 : i32
        %parallel_loop3A_185 = arith.index_cast %parallel_loop3A_153 : i32 to index
        %parallel_loop3A_186 = arith.index_cast %parallel_loop3A_169 : i32 to index
        %parallel_loop3A_187 = arith.index_cast %parallel_loop3A_184 : i32 to index
        %parallel_loop3A_188 = tpu.vector_load %arg7[%parallel_loop3A_185, %parallel_loop3A_186, %parallel_loop3A_187] {strides = array<i32>} : memref<2x64x136xf32, #tpu.memory_space<vmem>>, vector<1x1x16xf32>,
        %parallel_loop3A_189 = vector.shape_cast %parallel_loop3A_188 : vector<1x1x16xf32> to vector<16xf32>
        %parallel_loop3A_190 = arith.index_cast %parallel_loop3A_153 : i32 to index
        %parallel_loop3A_191 = arith.index_cast %parallel_loop3A_169 : i32 to index
        %parallel_loop3A_192 = arith.constant 16 : index
        %parallel_loop3A_193 = tpu.vector_load %arg9[%parallel_loop3A_190, %parallel_loop3A_191, %parallel_loop3A_192] {strides = array<i32>} : memref<2x64x128xf32, #tpu.memory_space<vmem>>, vector<1x1x16xf32>,
        %parallel_loop3A_194 = vector.shape_cast %parallel_loop3A_193 : vector<1x1x16xf32> to vector<16xf32>
        %parallel_loop3A_195 = vector.shape_cast %parallel_loop3A_189 : vector<16xf32> to vector<1x1x16xf32>
        tpu.vector_store %arg9[%parallel_loop3A_190, %parallel_loop3A_191, %parallel_loop3A_192], %parallel_loop3A_195 {strides = array<i32>} : memref<2x64x128xf32, #tpu.memory_space<vmem>>, vector<1x1x16xf32>,
        %parallel_loop3A_196 = arith.constant 32 : i32
        %parallel_loop3A_197 = arith.addi %sub3A_85, %parallel_loop3A_196 : i32
        %parallel_loop3A_198 = arith.index_cast %parallel_loop3A_153 : i32 to index
        %parallel_loop3A_199 = arith.index_cast %parallel_loop3A_169 : i32 to index
        %parallel_loop3A_200 = arith.index_cast %parallel_loop3A_197 : i32 to index
        %parallel_loop3A_201 = tpu.vector_load %arg7[%parallel_loop3A_198, %parallel_loop3A_199, %parallel_loop3A_200] {strides = array<i32>} : memref<2x64x136xf32, #tpu.memory_space<vmem>>, vector<1x1x16xf32>,
        %parallel_loop3A_202 = vector.shape_cast %parallel_loop3A_201 : vector<1x1x16xf32> to vector<16xf32>
        %parallel_loop3A_203 = arith.index_cast %parallel_loop3A_153 : i32 to index
        %parallel_loop3A_204 = arith.index_cast %parallel_loop3A_169 : i32 to index
        %parallel_loop3A_205 = arith.constant 32 : index
        %parallel_loop3A_206 = tpu.vector_load %arg9[%parallel_loop3A_203, %parallel_loop3A_204, %parallel_loop3A_205] {strides = array<i32>} : memref<2x64x128xf32, #tpu.memory_space<vmem>>, vector<1x1x16xf32>,
        %parallel_loop3A_207 = vector.shape_cast %parallel_loop3A_206 : vector<1x1x16xf32> to vector<16xf32>
        %parallel_loop3A_208 = vector.shape_cast %parallel_loop3A_202 : vector<16xf32> to vector<1x1x16xf32>
        tpu.vector_store %arg9[%parallel_loop3A_203, %parallel_loop3A_204, %parallel_loop3A_205], %parallel_loop3A_208 {strides = array<i32>} : memref<2x64x128xf32, #tpu.memory_space<vmem>>, vector<1x1x16xf32>,
        %parallel_loop3A_209 = arith.constant 48 : i32
        %parallel_loop3A_210 = arith.addi %sub3A_85, %parallel_loop3A_209 : i32
        %parallel_loop3A_211 = arith.index_cast %parallel_loop3A_153 : i32 to index
        %parallel_loop3A_212 = arith.index_cast %parallel_loop3A_169 : i32 to index
        %parallel_loop3A_213 = arith.index_cast %parallel_loop3A_210 : i32 to index
        %parallel_loop3A_214 = tpu.vector_load %arg7[%parallel_loop3A_211, %parallel_loop3A_212, %parallel_loop3A_213] {strides = array<i32>} : memref<2x64x136xf32, #tpu.memory_space<vmem>>, vector<1x1x16xf32>,
        %parallel_loop3A_215 = vector.shape_cast %parallel_loop3A_214 : vector<1x1x16xf32> to vector<16xf32>
        %parallel_loop3A_216 = arith.index_cast %parallel_loop3A_153 : i32 to index
        %parallel_loop3A_217 = arith.index_cast %parallel_loop3A_169 : i32 to index
        %parallel_loop3A_218 = arith.constant 48 : index
        %parallel_loop3A_219 = tpu.vector_load %arg9[%parallel_loop3A_216, %parallel_loop3A_217, %parallel_loop3A_218] {strides = array<i32>} : memref<2x64x128xf32, #tpu.memory_space<vmem>>, vector<1x1x16xf32>,
        %parallel_loop3A_220 = vector.shape_cast %parallel_loop3A_219 : vector<1x1x16xf32> to vector<16xf32>
        %parallel_loop3A_221 = vector.shape_cast %parallel_loop3A_215 : vector<16xf32> to vector<1x1x16xf32>
        tpu.vector_store %arg9[%parallel_loop3A_216, %parallel_loop3A_217, %parallel_loop3A_218], %parallel_loop3A_221 {strides = array<i32>} : memref<2x64x128xf32, #tpu.memory_space<vmem>>, vector<1x1x16xf32>,
        %parallel_loop3A_222 = arith.constant 64 : i32
        %parallel_loop3A_223 = arith.addi %sub3A_85, %parallel_loop3A_222 : i32
        %parallel_loop3A_224 = arith.index_cast %parallel_loop3A_153 : i32 to index
        %parallel_loop3A_225 = arith.index_cast %parallel_loop3A_169 : i32 to index
        %parallel_loop3A_226 = arith.index_cast %parallel_loop3A_223 : i32 to index
        %parallel_loop3A_227 = tpu.vector_load %arg7[%parallel_loop3A_224, %parallel_loop3A_225, %parallel_loop3A_226] {strides = array<i32>} : memref<2x64x136xf32, #tpu.memory_space<vmem>>, vector<1x1x16xf32>,
        %parallel_loop3A_228 = vector.shape_cast %parallel_loop3A_227 : vector<1x1x16xf32> to vector<16xf32>
        %parallel_loop3A_229 = arith.index_cast %parallel_loop3A_153 : i32 to index
        %parallel_loop3A_230 = arith.index_cast %parallel_loop3A_169 : i32 to index
        %parallel_loop3A_231 = arith.constant 64 : index
        %parallel_loop3A_232 = tpu.vector_load %arg9[%parallel_loop3A_229, %parallel_loop3A_230, %parallel_loop3A_231] {strides = array<i32>} : memref<2x64x128xf32, #tpu.memory_space<vmem>>, vector<1x1x16xf32>,
        %parallel_loop3A_233 = vector.shape_cast %parallel_loop3A_232 : vector<1x1x16xf32> to vector<16xf32>
        %parallel_loop3A_234 = vector.shape_cast %parallel_loop3A_228 : vector<16xf32> to vector<1x1x16xf32>
        tpu.vector_store %arg9[%parallel_loop3A_229, %parallel_loop3A_230, %parallel_loop3A_231], %parallel_loop3A_234 {strides = array<i32>} : memref<2x64x128xf32, #tpu.memory_space<vmem>>, vector<1x1x16xf32>,
        %parallel_loop3A_235 = arith.constant 80 : i32
        %parallel_loop3A_236 = arith.addi %sub3A_85, %parallel_loop3A_235 : i32
        %parallel_loop3A_237 = arith.index_cast %parallel_loop3A_153 : i32 to index
        %parallel_loop3A_238 = arith.index_cast %parallel_loop3A_169 : i32 to index
        %parallel_loop3A_239 = arith.index_cast %parallel_loop3A_236 : i32 to index
        %parallel_loop3A_240 = tpu.vector_load %arg7[%parallel_loop3A_237, %parallel_loop3A_238, %parallel_loop3A_239] {strides = array<i32>} : memref<2x64x136xf32, #tpu.memory_space<vmem>>, vector<1x1x16xf32>,
        %parallel_loop3A_241 = vector.shape_cast %parallel_loop3A_240 : vector<1x1x16xf32> to vector<16xf32>
        %parallel_loop3A_242 = arith.index_cast %parallel_loop3A_153 : i32 to index
        %parallel_loop3A_243 = arith.index_cast %parallel_loop3A_169 : i32 to index
        %parallel_loop3A_244 = arith.constant 80 : index
        %parallel_loop3A_245 = tpu.vector_load %arg9[%parallel_loop3A_242, %parallel_loop3A_243, %parallel_loop3A_244] {strides = array<i32>} : memref<2x64x128xf32, #tpu.memory_space<vmem>>, vector<1x1x16xf32>,
        %parallel_loop3A_246 = vector.shape_cast %parallel_loop3A_245 : vector<1x1x16xf32> to vector<16xf32>
        %parallel_loop3A_247 = vector.shape_cast %parallel_loop3A_241 : vector<16xf32> to vector<1x1x16xf32>
        tpu.vector_store %arg9[%parallel_loop3A_242, %parallel_loop3A_243, %parallel_loop3A_244], %parallel_loop3A_247 {strides = array<i32>} : memref<2x64x128xf32, #tpu.memory_space<vmem>>, vector<1x1x16xf32>,
        %parallel_loop3A_248 = arith.constant 96 : i32
        %parallel_loop3A_249 = arith.addi %sub3A_85, %parallel_loop3A_248 : i32
        %parallel_loop3A_250 = arith.index_cast %parallel_loop3A_153 : i32 to index
        %parallel_loop3A_251 = arith.index_cast %parallel_loop3A_169 : i32 to index
        %parallel_loop3A_252 = arith.index_cast %parallel_loop3A_249 : i32 to index
        %parallel_loop3A_253 = tpu.vector_load %arg7[%parallel_loop3A_250, %parallel_loop3A_251, %parallel_loop3A_252] {strides = array<i32>} : memref<2x64x136xf32, #tpu.memory_space<vmem>>, vector<1x1x16xf32>,
        %parallel_loop3A_254 = vector.shape_cast %parallel_loop3A_253 : vector<1x1x16xf32> to vector<16xf32>
        %parallel_loop3A_255 = arith.index_cast %parallel_loop3A_153 : i32 to index
        %parallel_loop3A_256 = arith.index_cast %parallel_loop3A_169 : i32 to index
        %parallel_loop3A_257 = arith.constant 96 : index
        %parallel_loop3A_258 = tpu.vector_load %arg9[%parallel_loop3A_255, %parallel_loop3A_256, %parallel_loop3A_257] {strides = array<i32>} : memref<2x64x128xf32, #tpu.memory_space<vmem>>, vector<1x1x16xf32>,
        %parallel_loop3A_259 = vector.shape_cast %parallel_loop3A_258 : vector<1x1x16xf32> to vector<16xf32>
        %parallel_loop3A_260 = vector.shape_cast %parallel_loop3A_254 : vector<16xf32> to vector<1x1x16xf32>
        tpu.vector_store %arg9[%parallel_loop3A_255, %parallel_loop3A_256, %parallel_loop3A_257], %parallel_loop3A_260 {strides = array<i32>} : memref<2x64x128xf32, #tpu.memory_space<vmem>>, vector<1x1x16xf32>,
        %parallel_loop3A_261 = arith.constant 112 : i32
        %parallel_loop3A_262 = arith.addi %sub3A_85, %parallel_loop3A_261 : i32
        %parallel_loop3A_263 = arith.index_cast %parallel_loop3A_153 : i32 to index
        %parallel_loop3A_264 = arith.index_cast %parallel_loop3A_169 : i32 to index
        %parallel_loop3A_265 = arith.index_cast %parallel_loop3A_262 : i32 to index
        %parallel_loop3A_266 = tpu.vector_load %arg7[%parallel_loop3A_263, %parallel_loop3A_264, %parallel_loop3A_265] {strides = array<i32>} : memref<2x64x136xf32, #tpu.memory_space<vmem>>, vector<1x1x16xf32>,
        %parallel_loop3A_267 = vector.shape_cast %parallel_loop3A_266 : vector<1x1x16xf32> to vector<16xf32>
        %parallel_loop3A_268 = arith.index_cast %parallel_loop3A_153 : i32 to index
        %parallel_loop3A_269 = arith.index_cast %parallel_loop3A_169 : i32 to index
        %parallel_loop3A_270 = arith.constant 112 : index
        %parallel_loop3A_271 = tpu.vector_load %arg9[%parallel_loop3A_268, %parallel_loop3A_269, %parallel_loop3A_270] {strides = array<i32>} : memref<2x64x128xf32, #tpu.memory_space<vmem>>, vector<1x1x16xf32>,
        %parallel_loop3A_272 = vector.shape_cast %parallel_loop3A_271 : vector<1x1x16xf32> to vector<16xf32>
        %parallel_loop3A_273 = vector.shape_cast %parallel_loop3A_267 : vector<16xf32> to vector<1x1x16xf32>
        tpu.vector_store %arg9[%parallel_loop3A_268, %parallel_loop3A_269, %parallel_loop3A_270], %parallel_loop3A_273 {strides = array<i32>} : memref<2x64x128xf32, #tpu.memory_space<vmem>>, vector<1x1x16xf32>,
      } {sc.loop_unroll_factor = 2 : i64, sc.parallel_access}
      %dma_start3A = arith.constant 30 : i32
      %dma_start3A_120 = arith.constant 0 : i32
      %dma_start3A_121 = arith.constant 0 : i32
      %dma_start3A_122 = tpu.memref_slice %arg4[%select_n3A, %select_n3A_49, %dma_start3A, %dma_start3A_120, %dma_start3A_121] : memref<2x64x32x64x128xf32, #tpu.memory_space<hbm>> -> memref<1x1x2x64x128xf32, #tpu.memory_space<hbm>>
      %dma_start3A_123 = tpu.memref_squeeze %dma_start3A_122 : memref<1x1x2x64x128xf32, #tpu.memory_space<hbm>> -> memref<2x64x128xf32, #tpu.memory_space<hbm>>
      %dma_start3A_124 = arith.constant 30 : i32
      %dma_start3A_125 = arith.constant 0 : i32
      %dma_start3A_126 = arith.constant 0 : i32
      %dma_start3A_127 = tpu.memref_slice %arg4[%select_n3A, %select_n3A_49, %dma_start3A_124, %dma_start3A_125, %dma_start3A_126] : memref<2x64x32x64x128xf32, #tpu.memory_space<hbm>> -> memref<1x1x2x64x128xf32, #tpu.memory_space<hbm>>
      %dma_start3A_128 = tpu.memref_squeeze %dma_start3A_127 : memref<1x1x2x64x128xf32, #tpu.memory_space<hbm>> -> memref<2x64x128xf32, #tpu.memory_space<hbm>>
      tpu.enqueue_dma source(%arg9 : memref<2x64x128xf32, #tpu.memory_space<vmem>>) target(%dma_start3A_128 : memref<2x64x128xf32, #tpu.memory_space<hbm>>) target_semaphore(%arg13 : memref<!tpu.dma_semaphore, #tpu.memory_space<semaphore_mem>>)
    } else {
    }
    %dma_wait3A_94 = arith.constant 0 : i32
    %dma_wait3A_95 = arith.constant 0 : i32
    %dma_wait3A_96 = arith.constant 0 : i32
    %dma_wait3A_97 = arith.constant 0 : i32
    %dma_wait3A_98 = arith.constant 0 : i32
    %dma_wait3A_99 = tpu.memref_slice %arg4[%dma_wait3A_94, %dma_wait3A_95, %dma_wait3A_96, %dma_wait3A_97, %dma_wait3A_98] : memref<2x64x32x64x128xf32, #tpu.memory_space<hbm>> -> memref<1x1x2x64x128xf32, #tpu.memory_space<hbm>>
    %dma_wait3A_100 = tpu.memref_squeeze %dma_wait3A_99 : memref<1x1x2x64x128xf32, #tpu.memory_space<hbm>> -> memref<2x64x128xf32, #tpu.memory_space<hbm>>
    %dma_wait3A_101 = arith.constant 0 : i32
    %dma_wait3A_102 = arith.constant 0 : i32
    %dma_wait3A_103 = arith.constant 0 : i32
    %dma_wait3A_104 = tpu.memref_slice %arg4[%dma_wait3A_94, %dma_wait3A_95, %dma_wait3A_101, %dma_wait3A_102, %dma_wait3A_103] : memref<2x64x32x64x128xf32, #tpu.memory_space<hbm>> -> memref<1x1x2x64x128xf32, #tpu.memory_space<hbm>>
    %dma_wait3A_105 = tpu.memref_squeeze %dma_wait3A_104 : memref<1x1x2x64x128xf32, #tpu.memory_space<hbm>> -> memref<2x64x128xf32, #tpu.memory_space<hbm>>
    tpu.wait_dma2 semaphore(%arg12 : memref<!tpu.dma_semaphore, #tpu.memory_space<semaphore_mem>>) src(%arg8 : memref<2x64x128xf32, #tpu.memory_space<vmem>>) dst(%dma_wait3A_105 : memref<2x64x128xf32, #tpu.memory_space<hbm>>)
    %dma_wait3A_106 = arith.constant 0 : i32
    %dma_wait3A_107 = arith.constant 0 : i32
    %dma_wait3A_108 = arith.constant 0 : i32
    %dma_wait3A_109 = arith.constant 0 : i32
    %dma_wait3A_110 = arith.constant 0 : i32
    %dma_wait3A_111 = tpu.memref_slice %arg4[%dma_wait3A_106, %dma_wait3A_107, %dma_wait3A_108, %dma_wait3A_109, %dma_wait3A_110] : memref<2x64x32x64x128xf32, #tpu.memory_space<hbm>> -> memref<1x1x2x64x128xf32, #tpu.memory_space<hbm>>
    %dma_wait3A_112 = tpu.memref_squeeze %dma_wait3A_111 : memref<1x1x2x64x128xf32, #tpu.memory_space<hbm>> -> memref<2x64x128xf32, #tpu.memory_space<hbm>>
    %dma_wait3A_113 = arith.constant 0 : i32
    %dma_wait3A_114 = arith.constant 0 : i32
    %dma_wait3A_115 = arith.constant 0 : i32
    %dma_wait3A_116 = tpu.memref_slice %arg4[%dma_wait3A_106, %dma_wait3A_107, %dma_wait3A_113, %dma_wait3A_114, %dma_wait3A_115] : memref<2x64x32x64x128xf32, #tpu.memory_space<hbm>> -> memref<1x1x2x64x128xf32, #tpu.memory_space<hbm>>
    %dma_wait3A_117 = tpu.memref_squeeze %dma_wait3A_116 : memref<1x1x2x64x128xf32, #tpu.memory_space<hbm>> -> memref<2x64x128xf32, #tpu.memory_space<hbm>>
    tpu.wait_dma2 semaphore(%arg13 : memref<!tpu.dma_semaphore, #tpu.memory_space<semaphore_mem>>) src(%arg9 : memref<2x64x128xf32, #tpu.memory_space<vmem>>) dst(%dma_wait3A_117 : memref<2x64x128xf32, #tpu.memory_space<hbm>>)
    return
  }
}

</mosaic_0001>

<sc_bundles>
// kernel: kernel.3.cloned.1.call-start
scs
__scs_entry_jumppad:
0x0: {  	(pc) =	sbr.rel $0x88, $3  }
0x1: {  	(tag) =	ssettag $0x0;
	lr =	simm.s32 $0x1  }
0x2: {  	[smem:$0x3F9F] =	sst lr;
	_ =	strace $0xD0000000  }
0x3: {  	_ = 	snop  }
0x4: {  	_ = 	snop  }
0x5: {  	_ = 	snop  }
0x6: {  	_ = 	snop  }
0x7: {  	_ = 	snop  }
__scs_overlays_trampoline_lowered:
0x8: {  	[smem:$0x3FAE] =	sst s0  }
0x9: {  	[smem:$0x3FAF] =	sst s1  }
0xa: {  	[smem:$0x3FB0] =	sst s2  }
0xb: {  	[smem:$0x3FB1] =	sst s3  }
0xc: {  	[smem:$0x3FB2] =	sst s4  }
0xd: {  	[smem:$0x3FB3] =	sst s5  }
0xe: {  	[smem:$0x3FB4] =	sst s6  }
0xf: {  	[smem:$0x3FB5] =	sst s7  }
0x10: {  	[smem:$0x3FB6] =	sst s8  }
0x11: {  	[smem:$0x3FB7] =	sst s9;
	s0 =	simm.s32 @!p0 $0x0  }
0x12: {  	s1 =	sld [smem:$0x3F9D];
	s0 =	simm.s32 @p0 $0x1  }
0x13: {  	[smem:$0x3FB8] =	sst s0;
	s0 =	simm.s32 @!p1 $0x0  }
0x14: {  	s2 =	sld [smem:$0x3F9C];
	s0 =	simm.s32 @p1 $0x1  }
0x15: {  	[smem:$0x3FB9] =	sst s0;
	s0 =	simm.s32 @!p2 $0x0  }
0x16: {  	s3 =	sld [smem:$0x3FDB];
	s0 =	simm.s32 @p2 $0x1  }
0x17: {  	s4 =	simm.s32 $0x1BF5;
	[smem:$0x3FBB] =	sst s0  }
0x18: {  	s0 =	sld [smem:$0x3F9E];
	_ =	swait.ge [sflag:s4], $0x0  }
0x19: {  	s7 =	sld [smem:$0x3F9F]  }
0x1a: {  	s8 =	sadd.s32 $0xFFFFE003, lr  }
0x1b: {  	s9 =	sadd.s32 $0xFFFFFEF7, lr;
	s5 =	simm.s32 $0xFFFFFFFF;
	p2 =	slt.u32 s8, $0xFFFFF086  }
0x1c: {  	p1 =	slt.u32 s9, $0xF7A;
	s5 =	simm.s32 @!p2 $0x0  }
0x1d: {  	s5 =	simm.s32 @p1 $0x1;
	p0 =	seq.s32 s7, s2  }
0x1e: {  	s7 =	smul.u32 @!p0 $0xF7A, s2;
	p2 =	seq.s32 @!p0 s5, $0x0  }
0x1f: {  	s9 =	smul.u32 $0xF7A, s1;
	s8 =	simm.s32 @!p0 $0x1BF5;
	p2 =	por !p2, p0  }
0x20: {  	[sflag:s8] =	ssyncset.s32 @!p0 $0xFFFFF086;
	s6 =	sadd.s32 @!p0 s3, s7;
	s7 =	simm.s32 @!p0 $0x108  }
0x21: {  	s3 =	sadd.s32 s3, s9;
	s6 =	sadd.s32 @!p0 $0x88, s6;
	s7 =	simm.s32 @p2 $0x1082  }
0x22: {  	[simem:s7], [sflag:s8] =	dma.local @!p0 [hbm:s6], $0xF7A  }
0x23: {  	s9 =	sor.u32 $0xD0000000, s2;
	s6 =	simm.s32 $0x108;
	_ =	swait.ge @!p0 [sflag:s8], $0x0  }
0x24: {  	s3 =	sadd.s32 $0x88, s3;
	s6 =	simm.s32 @!p1 $0x1082;
	[sflag:s4] =	ssyncset.s32 $0xFFFFF086  }
0x25: {  	[simem:s6], [sflag:s4] =	dma.local [hbm:s3], $0xF7A  }
0x26: {  	[smem:$0x3F9F] =	sst s1;
	(tag) =	ssettag s2;
	_ =	strace s9  }
0x27: {  	s1 =	sld [smem:$0x3FAF]  }
0x28: {  	s2 =	sld [smem:$0x3FB0]  }
0x29: {  	s4 =	sld [smem:$0x3FB2]  }
0x2a: {  	p0 =	seq.s32 s5, $0x0;
	s5 =	sld [smem:$0x3FB3]  }
0x2b: {  	s6 =	sld [smem:$0x3FB4]  }
0x2c: {  	s7 =	sld [smem:$0x3FB5]  }
0x2d: {  	s3 =	simm.s32 $0x108;
	s8 =	sld [smem:$0x3FB6]  }
0x2e: {  	s3 =	simm.s32 @!p0 $0x1082;
	s9 =	sld [smem:$0x3FB7]  }
0x2f: {  	lr =	sadd.s32 s0, s3;
	s0 =	sld [smem:$0x3FAE]  }
0x30: {  	s3 =	sld [smem:$0x3FB1]  }
0x31: {  	[smem:$0x3FBA] =	sst s10  }
0x32: {  	s10 =	sld [smem:$0x3FB8];
	_ =	sdelay $0x3  }
0x33: {  	p0 =	seq.s32 s10, $0x1;
	s10 =	sld [smem:$0x3FBA];
	_ =	sdelay $0x3  }
0x34: {  	[smem:$0x3FBA] =	sst s10  }
0x35: {  	s10 =	sld [smem:$0x3FB9];
	_ =	sdelay $0x3  }
0x36: {  	p1 =	seq.s32 s10, $0x1;
	s10 =	sld [smem:$0x3FBA];
	_ =	sdelay $0x3  }
0x37: {  	[smem:$0x3FBA] =	sst s10  }
0x38: {  	s10 =	sld [smem:$0x3FBB]  }
0x39: {  	_ = 	snop;
	(pc) =	sbr.ind lr, $3  }
0x3a: {  	_ = 	snop  }
0x3b: {  	_ = 	snop  }
0x3c: {  	p2 =	seq.s32 s10, $0x1;
	s10 =	sld [smem:$0x3FBA]  }
0x3d: {  	_ =	shalt  }
0x3e: {  	_ =	shalt  }
0x3f: {  	_ =	shalt  }
0x40: {  	_ =	shalt  }
0x41: {  	_ =	shalt  }
0x42: {  	_ =	shalt  }
0x43: {  	_ =	shalt  }
0x44: {  	_ =	shalt  }
0x45: {  	_ =	shalt  }
0x46: {  	_ =	shalt  }
0x47: {  	_ =	shalt  }
0x48: {  	_ =	shalt  }
0x49: {  	_ =	shalt  }
0x4a: {  	_ =	shalt  }
0x4b: {  	_ =	shalt  }
0x4c: {  	_ =	shalt  }
0x4d: {  	_ =	shalt  }
0x4e: {  	_ =	shalt  }
0x4f: {  	_ =	shalt  }
0x50: {  	_ =	shalt  }
0x51: {  	_ =	shalt  }
0x52: {  	_ =	shalt  }
0x53: {  	_ =	shalt  }
0x54: {  	_ =	shalt  }
0x55: {  	_ =	shalt  }
0x56: {  	_ =	shalt  }
0x57: {  	_ =	shalt  }
0x58: {  	_ =	shalt  }
0x59: {  	_ =	shalt  }
0x5a: {  	_ =	shalt  }
0x5b: {  	_ =	shalt  }
0x5c: {  	_ =	shalt  }
0x5d: {  	_ =	shalt  }
0x5e: {  	_ =	shalt  }
0x5f: {  	_ =	shalt  }
0x60: {  	_ =	shalt  }
0x61: {  	_ =	shalt  }
0x62: {  	_ =	shalt  }
0x63: {  	_ =	shalt  }
0x64: {  	_ =	shalt  }
0x65: {  	_ =	shalt  }
0x66: {  	_ =	shalt  }
0x67: {  	_ =	shalt  }
0x68: {  	_ =	shalt  }
0x69: {  	_ =	shalt  }
0x6a: {  	_ =	shalt  }
0x6b: {  	_ =	shalt  }
0x6c: {  	_ =	shalt  }
0x6d: {  	_ =	shalt  }
0x6e: {  	_ =	shalt  }
0x6f: {  	_ =	shalt  }
0x70: {  	_ =	shalt  }
0x71: {  	_ =	shalt  }
0x72: {  	_ =	shalt  }
0x73: {  	_ =	shalt  }
0x74: {  	_ =	shalt  }
0x75: {  	_ =	shalt  }
0x76: {  	_ =	shalt  }
0x77: {  	_ =	shalt  }
0x78: {  	_ =	shalt  }
0x79: {  	_ =	shalt  }
0x7a: {  	_ =	shalt  }
0x7b: {  	_ =	shalt  }
0x7c: {  	_ =	shalt  }
0x7d: {  	_ =	shalt  }
0x7e: {  	_ =	shalt  }
0x7f: {  	_ =	shalt  }
0x80: {  	_ =	shalt  }
0x81: {  	_ =	shalt  }
0x82: {  	_ =	shalt  }
0x83: {  	_ =	shalt  }
0x84: {  	_ =	shalt  }
0x85: {  	_ =	shalt  }
0x86: {  	_ =	shalt  }
0x87: {  	_ =	shalt  }
.Lfunc_end0:
.L_simem_size_0:
called_computation.4_lowered:
.L_overlay_start_0:
0x88: {  	s2 =	sld [smem:$0x3FD9]  }
0x89: {  	s3 =	sld [smem:$0x3FFE];
	_ =	sdelay $0x1  }
0x8a: {  	s1 =	srdreg.scid  }
0x8b: {  	s0 =	sand.u32 $0x1, s1  }
0x8c: {  	s17 =	sshll.u32 s0, $0xA;
	s2 =	sadd.s32 s3, s2  }
0x8d: {  	s2 =	sadd.s32 s2, s17  }
0x8e: {  	[smem:$0x3FC6] =	sst s2  }
0x8f: {  	_ = 	snop  }
0x90: {  	s2 =	sld [smem:$0x3FD0];
	(tm) =	ssettm $0x1  }
0x91: {  	s18 =	sld [smem:$0x3FFB];
	_ =	sdelay $0x3  }
0x92: {  	_ =	strace s18  }
0x93: {  	s3 =	sld [smem:$0x3FFC];
	_ =	sdelay $0x3  }
0x94: {  	_ =	strace s3  }
0x95: {  	s3 =	sld [smem:$0x3FFD];
	_ =	sdelay $0x3  }
0x96: {  	_ =	strace s3  }
0x97: {  	_ =	strace $0x8FFFFFFF  }
0x98: {  	s19 =	sld [smem:$0x3FDB];
	_ =	sdelay $0x1  }
0x99: {  	s4 =	simm.s32 $_scs_section_size  }
0x9a: {  	s5 =	simm.s32 $_size__tile_overlayer_lowered;
	s6 =	simm.s32 $_tile_overlayer_lowered  }
0x9b: {  	s22 =	simm.s32 $0x1BFF;
	s21 =	sshll.u32 s6, $0x1;
	s3 =	sadd.s32 s4, s19  }
0x9c: {  	s7 =	simm.s32 $0x0;
	s20 =	sshll.u32 s5, $0x1;
	s5 =	sadd.s32 s21, s3  }
0x9d: {  	[timem:s7], [sflag:s22] =	dma.local [hbm:s5], s20  }
0x9e: {  	_ =	swait.ge [sflag:s22], s20  }
0x9f: {  	s4 =	ssub.s32 $0x0, s20;
	[sflag:s22] =	ssyncset.done $0x0  }
0xa0: {  	[sflag:s22] =	ssyncadd.s32 s4;
	_ =	sdelay $0x1  }
0xa1: {  	s23 =	simm.s32 $0x1B8B  }
0xa2: {  	_ =	swait.ge [sflag:s23], $0x1  }
0xa3: {  	[sflag:s23] =	ssyncset.done $0x0  }
0xa4: {  	s25 =	simm.s32 $0x1B8E;
	s24 =	sld [smem:$0x3FFE];
	[sflag:s23] =	ssyncadd.s32 $0xFFFFFFFF  }
0xa5: {  	s26 =	simm.s32 $execute0_lowered;
	[smem:$0x3FD2] =	sst s25  }
0xa6: {  	s5 =	sshll.u32 s26, $0x1;
	_ =	strace $0x8000004C;
	[dreg:$0x1] =	wrdreg $0xFFFFFFFF  }
0xa7: {  	s28 =	simm.s32 $_size_execute0_lowered;
	s3 =	sadd.s32 s3, s5;
	[dreg:$0x0] =	wrdreg $0x0  }
0xa8: {  	s5 =	sshll.u32 s28, $0x1;
	[dreg:$0x2] =	wrdreg s3  }
0xa9: {  	[dreg:$0x3] =	wrdreg s5  }
0xaa: {  	[dreg:$0x4] =	wrdreg $0xC0  }
0xab: {  	_ =	task [dreg:s7], $0x5FFFF  }
0xac: {  	[dreg:$0x1] =	wrdreg $0xFFFFFFFF  }
0xad: {  	[dreg:$0x0] =	wrdreg $0x60  }
0xae: {  	[dreg:$0x2] =	wrdreg s24  }
0xaf: {  	[dreg:$0x3] =	wrdreg s2  }
0xb0: {  	[dreg:$0x4] =	wrdreg $0x9  }
0xb1: {  	_ =	task.clear_ibuf [dreg:s7], $0x5FFFF;
	_ =	strace $0x9000004C  }
0xb2: {  	s29 =	simm.s32 $0x9;
	_ =	strace $0x8000004E  }
0xb3: {  	_ =	swait.ge [sflag:s29], $0x1  }
0xb4: {  	[sflag:s29] =	ssyncadd.s32 $0xFFFFFFFF  }
0xb5: {  	_ =	strace $0x9000004E  }
0xb6: {  	_ =	sfence  }
0xb7: {  	s30 =	sld [smem:$0x0];
	_ =	sdelay $0x2  }
0xb8: {  	s31 =	sshll.u32 s1, $0xD;
	s1 =	sshrl.u32 s1, $0x2  }
0xb9: {  	s3 =	sand.u32 $0x4000, s31;
	s1 =	sadd.s32 s1, s30  }
0xba: {  	s0 =	sor.u32 s3, s0;
	s1 =	sshll.u32 s1, $0x11  }
0xbb: {  	s0 =	sor.u32 s1, s0  }
0xbc: {  	s0 =	sadd.s32 $0x8F2B, s0  }
0xbd: {  	[sflag:s0] =	ssyncadd.remote.s32 $0x1  }
0xbe: {  	_ =	sfence.sel $0xFFFF  }
0xbf: {  	[dreg:$0x0] =	wrdreg $0xFFFFFFFF;
	(pc) =	sbr.abs _section_cstart, $3  }
0xc0: {  	[dreg:$0x1] =	wrdreg $0xFFFFFFFF  }
0xc1: {  	_ =	task.clear_ibuf [dreg:s7], $0x2FFFF;
	_ =	strace $0x9FFFFFFF  }
0xc2: {  	(tm) =	ssettm $0x7FFFFFFF  }
0xc3: {  	_ =	shalt  }
tec
execute0_lowered:
.L_overlay_start_1:
0x0: {  	(tag) =	ssettag $0x1  }
0x1: {  	s0 =	rddreg [dreg:$0x0]  }
0x2: {  	s6 =	rddreg [dreg:$0x1];
	s1 =	srdreg.scid;
	s7 =	simm.s32 $0x0  }
0x3: {  	s4 =	stileid.u32;
	s1 =	sand.u32 $0x1, s1;
	[smem:$0x7FF] =	sst s7  }
0x4: {  	s2 =	sshll.u32 s4, $0x3;
	s5 =	sadd.s32 $0x301600, s0;
	s0 =	sadd.s32 $0x601600, s0  }
0x5: {  	s22 =	sshrl.u32 s4, $0x3;
	_ =	strace $0x8000004D;
	[dreg:$0x8] =	wrdreg s5  }
0x6: {  	s3 =	sshll.u32 s1, $0x2;
	[dreg:$0xa] =	wrdreg s0;
	s1 =	ssub.s32 $0x2, s1  }
0x7: {  	s23 =	sshll.u32 s22, $0x15;
	s0 =	smul.u32 $0xC00000, s22;
	s2 =	sor.u32 s3, s2  }
0x8: {  	s25 =	sshrl.u32 s1, $0x1;
	s6 =	sadd.s32 s6, s23;
	[dreg:$0x9] =	wrdreg s2  }
0x9: {  	s2 =	sor.u32 $0x3, s2;
	s1 =	ssub.s32 s1, s25;
	[dreg:$0xc] =	wrdreg s0  }
.Ltmp0:
0xa: {  	[dreg:$0xb] =	wrdreg s6;
	s24 =	sshll.u32 s2, $0xF;
	(pc) =	sbr.rel .LBB2_1-.Ltmp0, $4  }
0xb: {  	s2 =	sshll.u32 s2, $0x6;
	s30 =	smax.u32 s1, $0x1;
	s26 =	sand.u32 $0x1F8000, s24  }
0xc: {  	[dreg:$0xe] =	wrdreg s30;
	s31 =	sshrl.u32 s2, $0x2;
	s28 =	sadd.s32 s26, s6  }
0xd: {  	[dreg:$0xf] =	wrdreg s31;
	s29 =	sadd.s32 $0x7800, s28  }
0xe: {  	s2 =	simm.s32 $0x0;
	[dreg:$0xd] =	wrdreg s29  }
.LBB2_26:
0xf: {  	s0 =	simm.s32 $0x3  }
0x10: {  	_ =	swait.ge [sflag:s0], $0x4000  }
0x11: {  	[sflag:s0] =	ssyncset.done $0x0  }
0x12: {  	s1 =	simm.s32 $0x4;
	[sflag:s0] =	ssyncadd.s32 $0xFFFFC000  }
0x13: {  	_ =	swait.ge [sflag:s1], $0x4000  }
0x14: {  	s2 =	sadd.s32 $0x1, s2;
	s31 =	rddreg [dreg:$0xe]  }
0x15: {  	p0 =	sne.s32 s2, s31  }
.Ltmp1:
0x16: {  	_ = 	snop;
	(pc) =	sbr.rel @!p0 .LBB2_27-.Ltmp1, $3  }
0x17: {  	_ =	sdelay $0x1  }
0x18: {  	[sflag:s1] =	ssyncset.done $0x0  }
0x19: {  	[sflag:s1] =	ssyncadd.s32 $0xFFFFC000  }
.LBB2_1:
0x1a: {  	[dreg:$0x10] =	wrdreg s2  }
.Ltmp2:
0x1b: {  	s0 =	rddreg [dreg:$0xa];
	s31 =	simm.s32 $0x5;
	(pc) =	sbr.rel .LBB2_2-.Ltmp2, $4  }
0x1c: {  	[tilespmem:s7], [sflag:$0x5] =	stream.linear.gather [hbm4b:s0+s7], $0x800, $0x38;
	[tilespmem:$0x11000] =	vst v63  }
0x1d: {  	_ =	swait.ge [sflag:s31], $0x800  }
0x1e: {  	[sflag:s31] =	ssyncset.done $0x0  }
0x1f: {  	s6 =	simm.s32 $0x0;
	[sflag:s31] =	ssyncadd.s32 $0xFFFFF800  }
.LBB2_18:
0x20: {  	s6 =	sadd.s32 $0x1, s6  }
0x21: {  	p0 =	sne.s32 s6, $0x20  }
.Ltmp3:
0x22: {  	_ = 	snop;
	(pc) =	sbr.rel @!p0 .LBB2_19-.Ltmp3, $1  }
0x23: {  	_ =	sdelay $0x3  }
.LBB2_2:
0x24: {  	p0 =	seq.s32 s6, $0x0  }
0x25: {  	s0 =	simm.s32 @!p0 $0x3  }
0x26: {  	_ =	swait.ge @!p0 [sflag:s0], $0x4000  }
0x27: {  	s1 =	sshrl.u32 s6, $0x3;
	s2 =	rddreg [dreg:$0x9]  }
0x28: {  	s8 =	sor.u32 s2, s1  }
0x29: {  	[sflag:s0] =	ssyncset.done @!p0 $0x0;
	s1 =	sshll.u32 s8, $0x6  }
0x2a: {  	[sflag:s0] =	ssyncadd.s32 @!p0 $0xFFFFC000;
	s9 =	sshrl.u32 s1, $0x2  }
0x2b: {  	v0 =	vld [tilespmem:s9+$0x0];
	_ =	sdelay $0x4  }
0x2c: {  	(v2sf) =	vpush v0, $0x0  }
0x2d: {  	(v2sf) =	vpush v0, $0x1  }
0x2e: {  	(v2sf) =	vpush v0, $0x2;
	_ =	sdelay $0xc  }
0x2f: {  	s22 =	sshll.u32 s6, $0x2;
	s21 =	spop (v2sf)  }
0x30: {  	s11 =	sand.u32 $0x1C, s22;
	s23 =	spop (v2sf)  }
0x31: {  	s4 =	rddreg [dreg:$0xc];
	s0 =	sadd.s32 s11, s21;
	s24 =	spop (v2sf)  }
0x32: {  	s0 =	sshll.u32 s0, $0x11;
	s2 =	sshll.u32 s23, $0x9;
	s3 =	sand.u32 $0x3, s24  }
0x33: {  	s25 =	sshra.s32 s24, $0x1F;
	p2 =	slt.s32 s24, $0x1;
	p1 =	sne.s32 s3, $0x0  }
0x34: {  	s2 =	sadd.s32 s4, s2;
	s3 =	sshrl.u32 s25, $0x1E;
	p1 =	por !p2, !p1  }
0x35: {  	s1 =	sadd.s32 s3, s24;
	s3 =	simm.s32 $0x1;
	p1 =	por !p1, !p1  }
0x36: {  	s0 =	sadd.s32 s0, s2;
	s1 =	sshrl.u32 s1, $0x2;
	s3 =	simm.s32 @!p1 $0x0  }
0x37: {  	s0 =	sshrl.u32 s0, $0x3;
	s1 =	ssub.s32 s1, s3  }
0x38: {  	s28 =	simm.s32 $0x88;
	s29 =	simm.s32 $0x200;
	s0 =	sadd.s32 s0, s1  }
.Ltmp4:
0x39: {  	s26 =	rddreg [dreg:$0x8];
	s0 =	sand.u32 $0x1FFFFFFF, s0;
	(pc) =	sbr.rel @p0 .LBB2_11-.Ltmp4, $4  }
0x3a: {  	s30 =	simm.s32 $0x800;
	s31 =	simm.s32 $0x2A00;
	s0 =	sadd.s32 s26, s0  }
0x3b: {  	[tilespmem:s30], [sflag:$0x1] =	stream.strided.gather [hbm4b:s0+s28], $0x2200, s29, s28, $0x38;
	[tilespmem:$0x11000] =	vst v63  }
0x3c: {  	s10 =	sshll.u32 s6, $0x1;
	[dreg:$0x11] =	wrdreg s6;
	s0 =	sadd.s32 $0x4000, s0  }
0x3d: {  	[tilespmem:s31], [sflag:$0x1] =	stream.strided.gather [hbm4b:s0+s28], $0x2200, s29, s28, $0x38;
	[tilespmem:$0x11000] =	vst v63  }
0x3e: {  	s3 =	simm.s32 $0x2  }
0x3f: {  	s1 =	sadd.s32 $0xFFFFFFFF, s10;
	_ =	swait.ge [sflag:s3], $0x4400  }
0x40: {  	s0 =	sshrl.u32 s1, $0x4;
	s2 =	rddreg [dreg:$0x9]  }
0x41: {  	s2 =	sadd.s32 s2, s0  }
0x42: {  	[sflag:s3] =	ssyncset.done $0x0;
	s0 =	sshll.u32 s2, $0x6  }
0x43: {  	[sflag:s3] =	ssyncadd.s32 $0xFFFFBC00;
	s0 =	sshra.s32 s0, $0x2  }
0x44: {  	v0 =	vld [tilespmem:s0+$0x0];
	_ =	sdelay $0x4  }
0x45: {  	(v2sf) =	vpush v0, $0x2;
	_ =	sdelay $0xe  }
0x46: {  	s25 =	spop (v2sf)  }
0x47: {  	s26 =	sand.u32 $0x3, s25  }
0x48: {  	s4 =	sshra.s32 s25, $0x1F;
	p0 =	slt.s32 s25, $0x1;
	p1 =	sne.s32 s26, $0x0  }
0x49: {  	s28 =	sshrl.u32 s4, $0x1E;
	p0 =	por !p0, !p1  }
0x4a: {  	s4 =	simm.s32 $0x1;
	s3 =	sadd.s32 s28, s25;
	p0 =	por !p0, !p0  }
0x4b: {  	s3 =	sshrl.u32 s3, $0x2;
	s4 =	simm.s32 @!p0 $0x0  }
0x4c: {  	s3 =	ssub.s32 s4, s3  }
0x4d: {  	s0 =	sshll.u32 s25, $0x1;
	s3 =	sshll.u32 s3, $0x3  }
0x4e: {  	s29 =	sshll.u32 s1, $0x1;
	s1 =	sadd.s32 s0, s3  }
0x4f: {  	p0 =	seq.s32 s1, $0x0  }
.Ltmp5:
0x50: {  	_ = 	snop;
	(pc) =	sbr.rel @p0 .LBB2_7-.Ltmp5, $4  }
0x51: {  	_ = 	snop  }
0x52: {  	s5 =	sshrl.u32 s2, $0x6;
	s2 =	sand.u32 $0x3F, s2  }
0x53: {  	s30 =	sand.u32 $0x1E, s29;
	s31 =	sshll.u32 s5, $0x18;
	s2 =	sshll.u32 s2, $0x12  }
0x54: {  	s2 =	sor.u32 s2, s31;
	s3 =	sshll.u32 s30, $0xD  }
0x55: {  	[dreg:$0x19] =	wrdreg s2  }
0x56: {  	[dreg:$0x18] =	wrdreg s3  }
0x57: {  	[dreg:$0x15] =	wrdreg s11;
	s26 =	simm.s32 $0x0  }
0x58: {  	[dreg:$0x14] =	wrdreg s10;
	s30 =	simm.s32 $0x0;
	s31 =	sand.u32 $0x3E, s26  }
0x59: {  	s0 =	sand.u32 $0x6, s0;
	s6 =	smul.u32 $0x8800, s30;
	s7 =	sor.u32 $0x1, s31  }
0x5a: {  	[dreg:$0x12] =	wrdreg s8;
	v0 =	vmov s0;
	s8 =	smul.u32 $0x220, s7  }
0x5b: {  	[dreg:$0x13] =	wrdreg s9;
	s0 =	sshra.s32 s6, $0x2  }
0x5c: {  	s17 =	sand.u32 $0xFFFFFFF8, s1;
	s4 =	sadd.s32 $0x4C00, s0;
	s9 =	sshrl.u32 s8, $0x2  }
0x5d: {  	s1 =	sadd.s32 $0x70, s17;
	s12 =	smul.u32 $0x220, s31;
	s0 =	sadd.s32 s9, s4  }
0x5e: {  	[dreg:$0x3] =	wrdreg s1;
	s5 =	sadd.s32 s17, s0  }
0x5f: {  	s13 =	simm.s32 $0x0;
	s3 =	sshrl.u32 s12, $0x2;
	v1 =	vld.idx.msk [tilespmem:v0+s5+$0x0 ss:$0x1], $0xffff  }
0x60: {  	s19 =	simm.s32 $0x2;
	s21 =	simm.s32 $0x0;
	s8 =	sadd.s32 s3, s4  }
0x61: {  	s16 =	sadd.s32 $0x10, s17;
	s14 =	sand.u32 $0x3FFFE000, s13;
	s4 =	sadd.s32 s17, s8  }
0x62: {  	s1 =	sshll.u32 s7, $0x7;
	s3 =	sadd.s32 $0xD000, s14;
	v2 =	vld.idx.msk [tilespmem:v0+s4+$0x0 ss:$0x1], $0xffff;
	s4 =	sand.u32 $0x3E, s19  }
0x63: {  	s22 =	smul.u32 $0x8800, s21;
	s12 =	sadd.s32 s1, s3;
	s23 =	sor.u32 $0x1, s4  }
0x64: {  	s18 =	sadd.s32 s16, s0;
	s24 =	smul.u32 $0x220, s23;
	[tilespmem:s12+$0x0] =	vst v1  }
0x65: {  	s2 =	sshll.u32 s31, $0x7;
	s1 =	sshra.s32 s22, $0x2;
	v1 =	vld.idx.msk [tilespmem:v0+s18+$0x0 ss:$0x1], $0xffff  }
0x66: {  	s1 =	sadd.s32 $0x4C00, s1;
	s18 =	sadd.s32 s2, s3;
	s2 =	sshrl.u32 s24, $0x2  }
0x67: {  	s26 =	sadd.s32 s16, s8;
	s30 =	smul.u32 $0x220, s4;
	[tilespmem:s18+$0x0] =	vst v2;
	s21 =	sadd.s32 s2, s1  }
0x68: {  	v2 =	vld.idx.msk [tilespmem:v0+s26+$0x0 ss:$0x1], $0xffff;
	s7 =	sadd.s32 s17, s21  }
0x69: {  	s15 =	sadd.s32 $0x20, s17;
	s5 =	sshrl.u32 s30, $0x2;
	v3 =	vld.idx.msk [tilespmem:v0+s7+$0x0 ss:$0x1], $0xffff  }
0x6a: {  	s6 =	simm.s32 $0x100;
	s31 =	sadd.s32 s15, s0;
	s2 =	sadd.s32 s5, s1;
	[tilespmem:s12+$0x10] =	vst v1  }
0x6b: {  	s5 =	sand.u32 $0x3FFFE000, s6;
	s9 =	sadd.s32 s17, s2;
	v1 =	vld.idx.msk [tilespmem:v0+s31+$0x0 ss:$0x1], $0xffff  }
0x6c: {  	s3 =	sshll.u32 s23, $0x7;
	s13 =	sadd.s32 $0xD000, s5;
	v4 =	vld.idx.msk [tilespmem:v0+s9+$0x0 ss:$0x1], $0xffff  }
0x6d: {  	s25 =	sadd.s32 $0x30, s17;
	s7 =	sadd.s32 s15, s8;
	s23 =	sadd.s32 s3, s13;
	[tilespmem:s18+$0x10] =	vst v2  }
0x6e: {  	s22 =	simm.s32 $0x4;
	s14 =	sadd.s32 s25, s0;
	s19 =	sadd.s32 s16, s21;
	v2 =	vld.idx.msk [tilespmem:v0+s7+$0x0 ss:$0x1], $0xffff;
	[tilespmem:s23+$0x0] =	vst v3  }
0x6f: {  	s4 =	sshll.u32 s4, $0x7;
	s26 =	simm.s32 $0x0;
	s3 =	sand.u32 $0x3E, s22;
	v3 =	vld.idx.msk [tilespmem:v0+s19+$0x0 ss:$0x1], $0xffff  }
0x70: {  	s24 =	sadd.s32 s4, s13;
	s1 =	smul.u32 $0x8800, s26;
	s5 =	sor.u32 $0x1, s3;
	[tilespmem:s12+$0x20] =	vst v1  }
0x71: {  	s6 =	sadd.s32 s16, s2;
	s31 =	smul.u32 $0x220, s5;
	[tilespmem:s24+$0x0] =	vst v4;
	v1 =	vld.idx.msk [tilespmem:v0+s14+$0x0 ss:$0x1], $0xffff  }
0x72: {  	s1 =	sshra.s32 s1, $0x2;
	v4 =	vld.idx.msk [tilespmem:v0+s6+$0x0 ss:$0x1], $0xffff  }
0x73: {  	s30 =	sadd.s32 s25, s8;
	s1 =	sadd.s32 $0x4C00, s1;
	s7 =	sshrl.u32 s31, $0x2;
	[tilespmem:s18+$0x20] =	vst v2  }
0x74: {  	s13 =	smul.u32 $0x220, s3;
	s19 =	sadd.s32 s7, s1;
	s14 =	sadd.s32 s15, s21;
	v2 =	vld.idx.msk [tilespmem:v0+s30+$0x0 ss:$0x1], $0xffff;
	[tilespmem:s23+$0x10] =	vst v3  }
0x75: {  	s11 =	sadd.s32 $0x40, s17;
	s22 =	sadd.s32 s17, s19;
	v3 =	vld.idx.msk [tilespmem:v0+s14+$0x0 ss:$0x1], $0xffff  }
0x76: {  	s9 =	sadd.s32 s11, s0;
	s26 =	sshrl.u32 s13, $0x2;
	v5 =	vld.idx.msk [tilespmem:v0+s22+$0x0 ss:$0x1], $0xffff;
	[tilespmem:s12+$0x30] =	vst v1  }
0x77: {  	s31 =	simm.s32 $0x200;
	s6 =	sadd.s32 s15, s2;
	s22 =	sadd.s32 s26, s1;
	[tilespmem:s24+$0x10] =	vst v4;
	v1 =	vld.idx.msk [tilespmem:v0+s9+$0x0 ss:$0x1], $0xffff  }
0x78: {  	s7 =	sand.u32 $0x3FFFE000, s31;
	v4 =	vld.idx.msk [tilespmem:v0+s6+$0x0 ss:$0x1], $0xffff;
	s9 =	sadd.s32 s17, s22  }
0x79: {  	s13 =	sadd.s32 $0xD000, s7;
	s30 =	sadd.s32 s11, s8;
	s14 =	sshll.u32 s5, $0x7;
	[tilespmem:s18+$0x30] =	vst v2;
	v6 =	vld.idx.msk [tilespmem:v0+s9+$0x0 ss:$0x1], $0xffff  }
0x7a: {  	s31 =	sadd.s32 s25, s21;
	s7 =	sadd.s32 s14, s13;
	v2 =	vld.idx.msk [tilespmem:v0+s30+$0x0 ss:$0x1], $0xffff;
	[tilespmem:s23+$0x20] =	vst v3  }
0x7b: {  	s20 =	sadd.s32 $0x50, s17;
	[tilespmem:s7+$0x0] =	vst v5;
	s30 =	sadd.s32 s16, s19;
	v3 =	vld.idx.msk [tilespmem:v0+s31+$0x0 ss:$0x1], $0xffff  }
0x7c: {  	s3 =	sshll.u32 s3, $0x7;
	s26 =	sadd.s32 s20, s0;
	v5 =	vld.idx.msk [tilespmem:v0+s30+$0x0 ss:$0x1], $0xffff;
	[tilespmem:s12+$0x40] =	vst v1  }
0x7d: {  	s5 =	sadd.s32 s3, s13;
	s14 =	simm.s32 $0x6;
	s13 =	simm.s32 $0x0;
	[tilespmem:s24+$0x20] =	vst v4;
	v1 =	vld.idx.msk [tilespmem:v0+s26+$0x0 ss:$0x1], $0xffff  }
0x7e: {  	s1 =	smul.u32 $0x8800, s13;
	s30 =	sadd.s32 s25, s2;
	s26 =	sand.u32 $0x3E, s14;
	[tilespmem:s5+$0x0] =	vst v6  }
0x7f: {  	s6 =	sadd.s32 s20, s8;
	v4 =	vld.idx.msk [tilespmem:v0+s30+$0x0 ss:$0x1], $0xffff;
	[tilespmem:s18+$0x40] =	vst v2;
	s9 =	sor.u32 $0x1, s26  }
0x80: {  	s28 =	sadd.s32 s11, s21;
	s1 =	sshra.s32 s1, $0x2;
	v2 =	vld.idx.msk [tilespmem:v0+s6+$0x0 ss:$0x1], $0xffff;
	s31 =	smul.u32 $0x220, s9;
	[tilespmem:s23+$0x30] =	vst v3  }
0x81: {  	s10 =	sadd.s32 $0x60, s17;
	s13 =	sadd.s32 s16, s22;
	s1 =	sadd.s32 $0x4C00, s1;
	[tilespmem:s7+$0x10] =	vst v5;
	v5 =	vld.idx.msk [tilespmem:v0+s28+$0x0 ss:$0x1], $0xffff  }
0x82: {  	s30 =	smul.u32 $0x220, s26;
	s6 =	sadd.s32 s10, s0;
	s4 =	sshrl.u32 s31, $0x2;
	[tilespmem:s12+$0x50] =	vst v1;
	v1 =	vld.idx.msk [tilespmem:v0+s13+$0x0 ss:$0x1], $0xffff  }
0x83: {  	s31 =	sadd.s32 s15, s19;
	s13 =	sadd.s32 s4, s1;
	v7 =	vld.idx.msk [tilespmem:v0+s6+$0x0 ss:$0x1], $0xffff  }
0x84: {  	s3 =	sshrl.u32 s30, $0x2;
	[tilespmem:s24+$0x30] =	vst v4;
	v8 =	vld.idx.msk [tilespmem:v0+s31+$0x0 ss:$0x1], $0xffff;
	s28 =	sadd.s32 s17, s13  }
0x85: {  	s4 =	sadd.s32 s3, s1;
	v9 =	vld.idx.msk [tilespmem:v0+s28+$0x0 ss:$0x1], $0xffff;
	[tilespmem:s18+$0x50] =	vst v2;
	s28 =	sadd.s32 s10, s8  }
0x86: {  	s29 =	simm.s32 $0x300;
	v3 =	vld.idx.msk [tilespmem:v0+s28+$0x0 ss:$0x1], $0xffff;
	s28 =	sadd.s32 s17, s4;
	[tilespmem:s23+$0x40] =	vst v5  }
0x87: {  	s26 =	sshll.u32 s26, $0x7;
	s30 =	sshll.u32 s9, $0x7;
	s3 =	sadd.s32 s11, s2;
	v6 =	vld.idx.msk [tilespmem:v0+s28+$0x0 ss:$0x1], $0xffff;
	[tilespmem:s5+$0x10] =	vst v1  }
0x88: {  	s31 =	sadd.s32 s15, s22;
	s6 =	sand.u32 $0x3FFFE000, s29;
	s29 =	sadd.s32 s20, s21;
	v1 =	vld.idx.msk [tilespmem:v0+s3+$0x0 ss:$0x1], $0xffff;
	[tilespmem:s12+$0x60] =	vst v7  }
0x89: {  	s1 =	sadd.s32 $0xD000, s6;
	s28 =	sadd.s32 s16, s13;
	v2 =	vld.idx.msk [tilespmem:v0+s29+$0x0 ss:$0x1], $0xffff;
	s6 =	rddreg [dreg:$0x3]  }
0x8a: {  	v4 =	vld.idx.msk [tilespmem:v0+s31+$0x0 ss:$0x1], $0xffff;
	[tilespmem:s7+$0x20] =	vst v8;
	s9 =	sadd.s32 s6, s8;
	s8 =	sadd.s32 s30, s1;
	s30 =	sadd.s32 s25, s19  }
0x8b: {  	s29 =	sadd.s32 s20, s2;
	s3 =	sadd.s32 s6, s0;
	s0 =	sadd.s32 s10, s21;
	[tilespmem:s8+$0x0] =	vst v9;
	v5 =	vld.idx.msk [tilespmem:v0+s30+$0x0 ss:$0x1], $0xffff  }
.LBB2_5:
0x8c: {  	s14 =	sadd.s32 $0x2, s14;
	[tilespmem:s18+$0x60] =	vst v3  }
0x8d: {  	s26 =	sadd.s32 s26, s1;
	s6 =	sadd.s32 s25, s22;
	v3 =	vld.idx.msk [tilespmem:v0+s3+$0x0 ss:$0x1], $0xffff;
	s30 =	smov.u32 s21;
	[tilespmem:s24+$0x40] =	vst v1  }
0x8e: {  	s21 =	smov.u32 s19;
	s19 =	smov.u32 s13;
	v7 =	vld.idx.msk [tilespmem:v0+s28+$0x0 ss:$0x1], $0xffff;
	s13 =	sshrl.u32 s14, $0x6;
	[tilespmem:s26+$0x0] =	vst v6  }
0x8f: {  	s31 =	sand.u32 $0x3E, s14;
	s3 =	sshll.u32 s14, $0x7;
	s13 =	smul.u32 $0x8800, s13;
	v1 =	vld.idx.msk [tilespmem:v0+s9+$0x0 ss:$0x1], $0xffff;
	[tilespmem:s5+$0x20] =	vst v4  }
0x90: {  	s1 =	sand.u32 $0x3FFFE000, s3;
	s3 =	sor.u32 $0x1, s31;
	s28 =	smul.u32 $0x220, s31;
	[tilespmem:s23+$0x50] =	vst v2;
	v4 =	vld.idx.msk [tilespmem:v0+s29+$0x0 ss:$0x1], $0xffff  }
0x91: {  	p0 =	slt.u32 s14, $0x7E;
	s1 =	sadd.s32 $0xD000, s1;
	s9 =	smul.u32 $0x220, s3;
	[tilespmem:s7+$0x30] =	vst v5;
	v6 =	vld.idx.msk [tilespmem:v0+s6+$0x0 ss:$0x1], $0xffff  }
0x92: {  	s3 =	sshll.u32 s3, $0x7;
	s13 =	sshra.s32 s13, $0x2;
	s29 =	sadd.s32 s16, s4;
	v5 =	vld.idx.msk [tilespmem:v0+s0+$0x0 ss:$0x1], $0xffff  }
0x93: {  	s28 =	sshrl.u32 s28, $0x2;
	s6 =	sadd.s32 $0x4C00, s13;
	[tilespmem:s12+$0x70] =	vst v3;
	s9 =	sshrl.u32 s9, $0x2;
	v2 =	vld.idx.msk [tilespmem:v0+s29+$0x0 ss:$0x1], $0xffff  }
0x94: {  	[tilespmem:s8+$0x10] =	vst v7;
	s29 =	sadd.s32 s11, s21;
	s0 =	sadd.s32 s28, s6;
	s13 =	sadd.s32 s9, s6  }
0x95: {  	s9 =	sadd.s32 s15, s19;
	v7 =	vld.idx.msk [tilespmem:v0+s29+$0x0 ss:$0x1], $0xffff;
	s6 =	sadd.s32 s11, s22;
	[tilespmem:s18+$0x70] =	vst v1;
	s18 =	smov.u32 s24  }
0x96: {  	s12 =	sadd.s32 s17, s13;
	s28 =	sadd.s32 s16, s13;
	v8 =	vld.idx.msk [tilespmem:v0+s9+$0x0 ss:$0x1], $0xffff;
	s24 =	smov.u32 s5;
	[tilespmem:s18+$0x50] =	vst v4  }
0x97: {  	s9 =	sadd.s32 s17, s0;
	v9 =	vld.idx.msk [tilespmem:v0+s12+$0x0 ss:$0x1], $0xffff;
	s12 =	sadd.s32 s10, s2;
	s5 =	smov.u32 s26;
	[tilespmem:s24+$0x30] =	vst v6  }
0x98: {  	s26 =	smov.u32 s22;
	s22 =	smov.u32 s4;
	s4 =	smov.u32 s0;
	v3 =	vld.idx.msk [tilespmem:v0+s12+$0x0 ss:$0x1], $0xffff;
	[tilespmem:s5+$0x10] =	vst v2  }
.Ltmp6:
0x99: {  	[tilespmem:s23+$0x60] =	vst v5;
	s12 =	smov.u32 s23;
	s23 =	smov.u32 s7;
	v1 =	vld.idx.msk [tilespmem:v0+s6+$0x0 ss:$0x1], $0xffff;
	(pc) =	sbr.rel @p0 .LBB2_5-.Ltmp6, $4  }
0x9a: {  	s0 =	sadd.s32 s20, s21;
	s29 =	sadd.s32 s15, s22;
	s7 =	smov.u32 s8;
	v6 =	vld.idx.msk [tilespmem:v0+s9+$0x0 ss:$0x1], $0xffff;
	[tilespmem:s23+$0x40] =	vst v7  }
0x9b: {  	s8 =	sadd.s32 s3, s1;
	v4 =	vld.idx.msk [tilespmem:v0+s29+$0x0 ss:$0x1], $0xffff;
	s29 =	rddreg [dreg:$0x3];
	s6 =	sadd.s32 s25, s19;
	[tilespmem:s7+$0x20] =	vst v8  }
0x9c: {  	s9 =	sadd.s32 s29, s2;
	s2 =	smov.u32 s26;
	s3 =	sadd.s32 s29, s30;
	v2 =	vld.idx.msk [tilespmem:v0+s0+$0x0 ss:$0x1], $0xffff;
	[tilespmem:s8+$0x0] =	vst v9  }
0x9d: {  	s26 =	sshll.u32 s31, $0x7;
	s29 =	sadd.s32 s20, s2;
	s0 =	sadd.s32 s10, s21;
	v5 =	vld.idx.msk [tilespmem:v0+s6+$0x0 ss:$0x1], $0xffff  }
0x9e: {  	_ =	sdelay $0x2  }
0x9f: {  	s1 =	sadd.s32 s26, s1  }
0xa0: {  	v7 =	vld.idx.msk [tilespmem:v0+s28+$0x0 ss:$0x1], $0xffff;
	s6 =	sadd.s32 s16, s4;
	[tilespmem:s1+$0x0] =	vst v6  }
0xa1: {  	v6 =	vld.idx.msk [tilespmem:v0+s6+$0x0 ss:$0x1], $0xffff;
	_ =	sdelay $0x3  }
0xa2: {  	s30 =	sadd.s32 s15, s13;
	[tilespmem:s8+$0x10] =	vst v7  }
0xa3: {  	s31 =	sadd.s32 s15, s4;
	v7 =	vld.idx.msk [tilespmem:v0+s30+$0x0 ss:$0x1], $0xffff;
	[tilespmem:s1+$0x10] =	vst v6  }
0xa4: {  	v6 =	vld.idx.msk [tilespmem:v0+s31+$0x0 ss:$0x1], $0xffff;
	_ =	sdelay $0x1  }
0xa5: {  	[tilespmem:s18+$0x60] =	vst v3  }
0xa6: {  	s14 =	sadd.s32 s25, s22;
	[tilespmem:s5+$0x20] =	vst v4  }
0xa7: {  	s15 =	sadd.s32 s25, s13;
	v4 =	vld.idx.msk [tilespmem:v0+s14+$0x0 ss:$0x1], $0xffff;
	[tilespmem:s8+$0x20] =	vst v7  }
0xa8: {  	s16 =	sadd.s32 s25, s4;
	v7 =	vld.idx.msk [tilespmem:v0+s15+$0x0 ss:$0x1], $0xffff;
	[tilespmem:s1+$0x20] =	vst v6  }
0xa9: {  	[tilespmem:s24+$0x40] =	vst v1;
	v6 =	vld.idx.msk [tilespmem:v0+s16+$0x0 ss:$0x1], $0xffff  }
0xaa: {  	v8 =	vld.idx.msk [tilespmem:v0+s3+$0x0 ss:$0x1], $0xffff;
	[tilespmem:s23+$0x50] =	vst v2  }
0xab: {  	s17 =	sadd.s32 s11, s19;
	v3 =	vld.idx.msk [tilespmem:v0+s9+$0x0 ss:$0x1], $0xffff;
	[tilespmem:s7+$0x30] =	vst v5  }
0xac: {  	s25 =	sadd.s32 s11, s22;
	v5 =	vld.idx.msk [tilespmem:v0+s17+$0x0 ss:$0x1], $0xffff;
	[tilespmem:s5+$0x30] =	vst v4  }
0xad: {  	s26 =	sadd.s32 s11, s13;
	v4 =	vld.idx.msk [tilespmem:v0+s25+$0x0 ss:$0x1], $0xffff;
	[tilespmem:s8+$0x30] =	vst v7  }
0xae: {  	s28 =	sadd.s32 s11, s4;
	v7 =	vld.idx.msk [tilespmem:v0+s26+$0x0 ss:$0x1], $0xffff;
	[tilespmem:s1+$0x30] =	vst v6  }
0xaf: {  	[tilespmem:s12+$0x70] =	vst v8;
	v61 =	vld.idx.msk [tilespmem:v0+s28+$0x0 ss:$0x1], $0xffff  }
0xb0: {  	v1 =	vld.idx.msk [tilespmem:v0+s29+$0x0 ss:$0x1], $0xffff;
	[tilespmem:s18+$0x70] =	vst v3  }
0xb1: {  	v2 =	vld.idx.msk [tilespmem:v0+s0+$0x0 ss:$0x1], $0xffff;
	s30 =	sadd.s32 s20, s19;
	[tilespmem:s7+$0x40] =	vst v5  }
0xb2: {  	s31 =	sadd.s32 s20, s22;
	v5 =	vld.idx.msk [tilespmem:v0+s30+$0x0 ss:$0x1], $0xffff;
	[tilespmem:s5+$0x40] =	vst v4  }
0xb3: {  	s6 =	sadd.s32 s20, s13;
	v4 =	vld.idx.msk [tilespmem:v0+s31+$0x0 ss:$0x1], $0xffff;
	[tilespmem:s8+$0x40] =	vst v7  }
0xb4: {  	s9 =	sadd.s32 s20, s4;
	v62 =	vld.idx.msk [tilespmem:v0+s6+$0x0 ss:$0x1], $0xffff;
	[tilespmem:s1+$0x40] =	vst v61  }
0xb5: {  	[tilespmem:s24+$0x50] =	vst v1;
	v3 =	vld.idx.msk [tilespmem:v0+s9+$0x0 ss:$0x1], $0xffff  }
0xb6: {  	[tilespmem:s23+$0x60] =	vst v2  }
0xb7: {  	s11 =	sadd.s32 s10, s2;
	[tilespmem:s7+$0x50] =	vst v5  }
0xb8: {  	s12 =	sadd.s32 s10, s19;
	v1 =	vld.idx.msk [tilespmem:v0+s11+$0x0 ss:$0x1], $0xffff;
	[tilespmem:s5+$0x50] =	vst v4  }
0xb9: {  	s14 =	sadd.s32 s10, s22;
	v5 =	vld.idx.msk [tilespmem:v0+s12+$0x0 ss:$0x1], $0xffff;
	[tilespmem:s8+$0x50] =	vst v62  }
0xba: {  	s15 =	sadd.s32 s10, s13;
	v4 =	vld.idx.msk [tilespmem:v0+s14+$0x0 ss:$0x1], $0xffff;
	[tilespmem:s1+$0x50] =	vst v3  }
0xbb: {  	s16 =	sadd.s32 s10, s4;
	v6 =	vld.idx.msk [tilespmem:v0+s15+$0x0 ss:$0x1], $0xffff;
	s17 =	rddreg [dreg:$0x3]  }
0xbc: {  	v3 =	vld.idx.msk [tilespmem:v0+s16+$0x0 ss:$0x1], $0xffff;
	s18 =	sadd.s32 s17, s21  }
0xbd: {  	[tilespmem:s24+$0x60] =	vst v1;
	s20 =	sadd.s32 s17, s2;
	v2 =	vld.idx.msk [tilespmem:v0+s18+$0x0 ss:$0x1], $0xffff  }
0xbe: {  	[tilespmem:s7+$0x60] =	vst v5;
	s21 =	sadd.s32 s17, s19;
	v1 =	vld.idx.msk [tilespmem:v0+s20+$0x0 ss:$0x1], $0xffff  }
0xbf: {  	[tilespmem:s5+$0x60] =	vst v4;
	s22 =	sadd.s32 s17, s22;
	v5 =	vld.idx.msk [tilespmem:v0+s21+$0x0 ss:$0x1], $0xffff  }
0xc0: {  	v4 =	vld.idx.msk [tilespmem:v0+s22+$0x0 ss:$0x1], $0xffff;
	[tilespmem:s8+$0x60] =	vst v6  }
0xc1: {  	[tilespmem:s1+$0x60] =	vst v3  }
0xc2: {  	[tilespmem:s23+$0x70] =	vst v2  }
0xc3: {  	s25 =	sadd.s32 s17, s13;
	[tilespmem:s24+$0x70] =	vst v1  }
0xc4: {  	s26 =	sadd.s32 s17, s4;
	v6 =	vld.idx.msk [tilespmem:v0+s25+$0x0 ss:$0x1], $0xffff;
	[tilespmem:s7+$0x70] =	vst v5  }
0xc5: {  	v63 =	vld.idx.msk [tilespmem:v0+s26+$0x0 ss:$0x1], $0xffff;
	[tilespmem:s5+$0x70] =	vst v4  }
0xc6: {  	s28 =	rddreg [dreg:$0x18]  }
0xc7: {  	s29 =	rddreg [dreg:$0x19]  }
0xc8: {  	s0 =	sor.u32 s28, s29  }
0xc9: {  	s30 =	rddreg [dreg:$0x1];
	[tilespmem:s8+$0x70] =	vst v6;
	s0 =	sshrl.u32 s0, $0x3  }
0xca: {  	s31 =	simm.s32 $0xD000;
	s7 =	simm.s32 $0x0;
	[tilespmem:s1+$0x70] =	vst v63;
	s0 =	sadd.s32 s30, s0  }
0xcb: {  	[hbm4b:s0+s7] =	stream.linear.scatter [tilespmem:s31], [sflag:$0x4], $0x4000, $0x38;
	[tilespmem:$0x11000] =	vst v63  }
.Ltmp7:
0xcc: {  	s6 =	rddreg [dreg:$0x11];
	(pc) =	sbr.rel .LBB2_10-.Ltmp7, $4  }
0xcd: {  	s8 =	rddreg [dreg:$0x12]  }
0xce: {  	s9 =	rddreg [dreg:$0x13]  }
0xcf: {  	s10 =	rddreg [dreg:$0x14]  }
0xd0: {  	s11 =	rddreg [dreg:$0x15]  }
.LBB2_7:
0xd1: {  	s0 =	sor.u32 s3, s2  }
0xd2: {  	s1 =	rddreg [dreg:$0x1];
	s0 =	sshrl.u32 s0, $0x3  }
0xd3: {  	s2 =	simm.s32 $0x10;
	s0 =	sadd.s32 s1, s0  }
0xd4: {  	s3 =	simm.s32 $0x4C88;
	s1 =	simm.s32 $0x4C00;
	s4 =	sadd.s32 $0x0, s0  }
.LBB2_8:
0xd5: {  	[hbm4b:s4+s7] =	stream.linear.scatter [tilespmem:s1], [sflag:$0x4], $0x80, $0x38;
	[tilespmem:$0x11000] =	vst v63  }
0xd6: {  	s4 =	smov.u32 s2;
	s1 =	smov.u32 s3;
	p0 =	seq.s32 s2, $0x7F0  }
.Ltmp8:
0xd7: {  	s2 =	sadd.s32 $0x10, s2;
	(pc) =	sbr.rel @!p0 .LBB2_8-.Ltmp8, $2  }
0xd8: {  	_ =	sdelay $0x2  }
0xd9: {  	s3 =	sadd.s32 $0x88, s3;
	s4 =	sadd.s32 s4, s0  }
0xda: {  	[hbm4b:s4+s7] =	stream.linear.scatter [tilespmem:s1], [sflag:$0x4], $0x80, $0x38;
	[tilespmem:$0x11000] =	vst v63  }
.LBB2_10:
0xdb: {  	s0 =	simm.s32 $0x4  }
0xdc: {  	_ =	swait.ge [sflag:s0], $0x4000  }
0xdd: {  	[sflag:s0] =	ssyncset.done $0x0  }
0xde: {  	[sflag:s0] =	ssyncadd.s32 $0xFFFFC000  }
.LBB2_11:
0xdf: {  	v0 =	vld [tilespmem:s9+$0x0];
	_ =	sdelay $0x4  }
0xe0: {  	(v2sf) =	vpush v0, $0x0  }
0xe1: {  	(v2sf) =	vpush v0, $0x1  }
0xe2: {  	(v2sf) =	vpush v0, $0x2;
	_ =	sdelay $0xc  }
0xe3: {  	s0 =	spop (v2sf)  }
0xe4: {  	s3 =	rddreg [dreg:$0xc];
	s1 =	spop (v2sf)  }
0xe5: {  	s0 =	sadd.s32 s11, s0;
	s1 =	sshll.u32 s1, $0x9;
	s2 =	spop (v2sf)  }
0xe6: {  	s0 =	sshll.u32 s0, $0x11;
	s1 =	sadd.s32 s3, s1;
	s15 =	sand.u32 $0x3, s2  }
0xe7: {  	s16 =	sshra.s32 s2, $0x1F;
	p1 =	slt.s32 s2, $0x1;
	p0 =	sne.s32 s15, $0x0  }
0xe8: {  	s0 =	sadd.s32 s1, s0;
	s17 =	sshrl.u32 s16, $0x1E;
	p0 =	por !p1, !p0  }
0xe9: {  	s1 =	sadd.s32 s17, s2;
	s2 =	simm.s32 $0x1;
	p0 =	por !p0, !p0  }
0xea: {  	s0 =	sadd.s32 $0x40000, s0;
	s1 =	sshrl.u32 s1, $0x2;
	s2 =	simm.s32 @!p0 $0x0  }
0xeb: {  	s0 =	sshrl.u32 s0, $0x3;
	s1 =	ssub.s32 s1, s2  }
0xec: {  	s0 =	sadd.s32 s0, s1  }
0xed: {  	s18 =	rddreg [dreg:$0x8];
	s19 =	simm.s32 $0x88;
	s0 =	sand.u32 $0x1FFFFFFF, s0  }
0xee: {  	s20 =	simm.s32 $0x200;
	s21 =	simm.s32 $0x4C00;
	s0 =	sadd.s32 s18, s0  }
0xef: {  	[tilespmem:s21], [sflag:$0x2] =	stream.strided.gather [hbm4b:s0+s19], $0x2200, s20, s19, $0x38;
	[tilespmem:$0x11000] =	vst v63  }
0xf0: {  	s22 =	simm.s32 $0x6E00;
	s23 =	simm.s32 $0x1;
	s0 =	sadd.s32 $0x4000, s0  }
0xf1: {  	[tilespmem:s22], [sflag:$0x2] =	stream.strided.gather [hbm4b:s0+s19], $0x2200, s20, s19, $0x38;
	[tilespmem:$0x11000] =	vst v63  }
0xf2: {  	_ =	swait.ge [sflag:s23], $0x4400  }
0xf3: {  	[sflag:s23] =	ssyncset.done $0x0  }
0xf4: {  	[sflag:s23] =	ssyncadd.s32 $0xFFFFBC00  }
0xf5: {  	v63 =	vld [tilespmem:s9+$0x0];
	_ =	sdelay $0x4  }
0xf6: {  	(v2sf) =	vpush v63, $0x2;
	_ =	sdelay $0xe  }
0xf7: {  	s24 =	spop (v2sf)  }
0xf8: {  	s25 =	sand.u32 $0x3, s24  }
0xf9: {  	s26 =	sshra.s32 s24, $0x1F;
	p5 =	slt.s32 s24, $0x1;
	p6 =	sne.s32 s25, $0x0  }
0xfa: {  	s28 =	sshrl.u32 s26, $0x1E;
	p0 =	por !p5, !p6  }
0xfb: {  	s2 =	simm.s32 $0x1;
	s1 =	sadd.s32 s28, s24;
	p0 =	por !p0, !p0  }
0xfc: {  	s1 =	sshrl.u32 s1, $0x2;
	s2 =	simm.s32 @!p0 $0x0  }
0xfd: {  	s1 =	ssub.s32 s2, s1  }
0xfe: {  	s0 =	sshll.u32 s24, $0x1;
	s1 =	sshll.u32 s1, $0x3  }
0xff: {  	s1 =	sadd.s32 s0, s1  }
0x100: {  	p0 =	seq.s32 s1, $0x0  }
.Ltmp9:
0x101: {  	_ = 	snop;
	(pc) =	sbr.rel @p0 .LBB2_15-.Ltmp9, $4  }
0x102: {  	_ = 	snop  }
0x103: {  	s29 =	sand.u32 $0xE, s10  }
0x104: {  	s30 =	sand.u32 $0x3F, s8;
	s31 =	rddreg [dreg:$0xb];
	s2 =	sshll.u32 s29, $0xB  }
0x105: {  	s4 =	sshll.u32 s30, $0xF;
	s2 =	sadd.s32 s2, s31  }
0x106: {  	s22 =	simm.s32 $0x0  }
0x107: {  	[dreg:$0x17] =	wrdreg s2;
	s3 =	simm.s32 $0x0;
	s2 =	sand.u32 $0x3E, s22  }
0x108: {  	s14 =	sand.u32 $0x6, s0;
	s3 =	smul.u32 $0x8800, s3;
	s23 =	sor.u32 $0x1, s2  }
0x109: {  	[dreg:$0x16] =	wrdreg s4;
	s17 =	sand.u32 $0xFFFFFFF8, s1;
	v0 =	vmov s14;
	s5 =	smul.u32 $0x220, s23  }
0x10a: {  	s18 =	sadd.s32 $0x50, s17;
	s19 =	sadd.s32 $0x60, s17;
	s3 =	sshra.s32 s3, $0x2  }
0x10b: {  	[dreg:$0x7] =	wrdreg s18;
	s3 =	sadd.s32 $0x800, s3;
	s5 =	sshrl.u32 s5, $0x2  }
0x10c: {  	s20 =	sadd.s32 $0x70, s17;
	[dreg:$0x6] =	wrdreg s19;
	s24 =	sadd.s32 s5, s3  }
0x10d: {  	[dreg:$0x4] =	wrdreg s20;
	s7 =	smul.u32 $0x220, s2;
	s5 =	sadd.s32 s17, s24  }
0x10e: {  	v1 =	vld.idx.msk [tilespmem:v0+s5+$0x0 ss:$0x1], $0xffff  }
0x10f: {  	s25 =	simm.s32 $0x0;
	s7 =	sshrl.u32 s7, $0x2  }
0x110: {  	s26 =	sand.u32 $0x3FFFE000, s25;
	s8 =	sadd.s32 s7, s3  }
0x111: {  	s4 =	sshll.u32 s23, $0x7;
	s28 =	sadd.s32 s17, s8;
	s3 =	sadd.s32 $0x9000, s26  }
0x112: {  	s16 =	sadd.s32 $0x10, s17;
	v2 =	vld.idx.msk [tilespmem:v0+s28+$0x0 ss:$0x1], $0xffff;
	s12 =	sadd.s32 s4, s3  }
0x113: {  	s0 =	simm.s32 $0x2;
	s30 =	sadd.s32 s16, s24;
	[tilespmem:s12+$0x0] =	vst v1  }
0x114: {  	s1 =	simm.s32 $0x0;
	s5 =	sand.u32 $0x3E, s0;
	v1 =	vld.idx.msk [tilespmem:v0+s30+$0x0 ss:$0x1], $0xffff  }
0x115: {  	s2 =	sshll.u32 s2, $0x7;
	s4 =	smul.u32 $0x8800, s1;
	s6 =	sor.u32 $0x1, s5  }
0x116: {  	s18 =	sadd.s32 s2, s3;
	s13 =	smul.u32 $0x220, s6  }
0x117: {  	s14 =	sadd.s32 s16, s8;
	s2 =	sshra.s32 s4, $0x2;
	[tilespmem:s18+$0x0] =	vst v2  }
0x118: {  	s15 =	sadd.s32 $0x20, s17;
	s2 =	sadd.s32 $0x800, s2;
	s4 =	sshrl.u32 s13, $0x2;
	v2 =	vld.idx.msk [tilespmem:v0+s14+$0x0 ss:$0x1], $0xffff  }
0x119: {  	s20 =	sadd.s32 s15, s24;
	s11 =	sadd.s32 s4, s2;
	[tilespmem:s12+$0x10] =	vst v1  }
0x11a: {  	s19 =	smul.u32 $0x220, s5;
	s9 =	sadd.s32 s17, s11;
	v1 =	vld.idx.msk [tilespmem:v0+s20+$0x0 ss:$0x1], $0xffff  }
0x11b: {  	v3 =	vld.idx.msk [tilespmem:v0+s9+$0x0 ss:$0x1], $0xffff  }
0x11c: {  	s21 =	sadd.s32 $0x30, s17;
	s23 =	simm.s32 $0x100;
	s22 =	sshrl.u32 s19, $0x2  }
0x11d: {  	s7 =	sand.u32 $0x3FFFE000, s23;
	s25 =	sadd.s32 s15, s8;
	s2 =	sadd.s32 s22, s2;
	[tilespmem:s18+$0x10] =	vst v2  }
0x11e: {  	s28 =	sadd.s32 $0x9000, s7;
	s3 =	sshll.u32 s6, $0x7;
	s26 =	sadd.s32 s17, s2;
	v2 =	vld.idx.msk [tilespmem:v0+s25+$0x0 ss:$0x1], $0xffff  }
0x11f: {  	s30 =	sadd.s32 s21, s24;
	v4 =	vld.idx.msk [tilespmem:v0+s26+$0x0 ss:$0x1], $0xffff;
	s20 =	sadd.s32 s3, s28;
	[tilespmem:s12+$0x20] =	vst v1  }
0x120: {  	s0 =	sadd.s32 s16, s11;
	[tilespmem:s20+$0x0] =	vst v3;
	v1 =	vld.idx.msk [tilespmem:v0+s30+$0x0 ss:$0x1], $0xffff  }
0x121: {  	s1 =	simm.s32 $0x4;
	s5 =	sshll.u32 s5, $0x7;
	v3 =	vld.idx.msk [tilespmem:v0+s0+$0x0 ss:$0x1], $0xffff  }
0x122: {  	s23 =	sadd.s32 s5, s28;
	s6 =	simm.s32 $0x0;
	s3 =	sand.u32 $0x3E, s1  }
0x123: {  	s4 =	smul.u32 $0x8800, s6;
	s9 =	sadd.s32 s21, s8;
	s7 =	sor.u32 $0x1, s3;
	[tilespmem:s18+$0x20] =	vst v2  }
0x124: {  	s10 =	sadd.s32 $0x40, s17;
	s13 =	sadd.s32 s16, s2;
	[tilespmem:s23+$0x0] =	vst v4;
	s14 =	smul.u32 $0x220, s7;
	v2 =	vld.idx.msk [tilespmem:v0+s9+$0x0 ss:$0x1], $0xffff  }
0x125: {  	s22 =	sadd.s32 s10, s24;
	s4 =	sshra.s32 s4, $0x2;
	v4 =	vld.idx.msk [tilespmem:v0+s13+$0x0 ss:$0x1], $0xffff;
	[tilespmem:s12+$0x30] =	vst v1  }
0x126: {  	s26 =	sadd.s32 s15, s11;
	s4 =	sadd.s32 $0x800, s4;
	s19 =	sshrl.u32 s14, $0x2;
	[tilespmem:s20+$0x10] =	vst v3;
	v1 =	vld.idx.msk [tilespmem:v0+s22+$0x0 ss:$0x1], $0xffff  }
0x127: {  	s25 =	smul.u32 $0x220, s3;
	s19 =	sadd.s32 s19, s4;
	v3 =	vld.idx.msk [tilespmem:v0+s26+$0x0 ss:$0x1], $0xffff  }
0x128: {  	s28 =	sadd.s32 s17, s19  }
0x129: {  	s1 =	simm.s32 $0x200;
	s0 =	sadd.s32 s10, s8;
	s30 =	sshrl.u32 s25, $0x2;
	v5 =	vld.idx.msk [tilespmem:v0+s28+$0x0 ss:$0x1], $0xffff;
	[tilespmem:s18+$0x30] =	vst v2  }
0x12a: {  	s6 =	sadd.s32 s15, s2;
	s13 =	sand.u32 $0x3FFFE000, s1;
	[tilespmem:s23+$0x10] =	vst v4;
	v2 =	vld.idx.msk [tilespmem:v0+s0+$0x0 ss:$0x1], $0xffff;
	s22 =	sadd.s32 s30, s4  }
0x12b: {  	s25 =	sadd.s32 $0x9000, s13;
	v4 =	vld.idx.msk [tilespmem:v0+s6+$0x0 ss:$0x1], $0xffff;
	s14 =	sadd.s32 s17, s22;
	[tilespmem:s12+$0x40] =	vst v1  }
0x12c: {  	s26 =	sshll.u32 s7, $0x7;
	s0 =	sadd.s32 s21, s11;
	v6 =	vld.idx.msk [tilespmem:v0+s14+$0x0 ss:$0x1], $0xffff;
	s6 =	rddreg [dreg:$0x7];
	[tilespmem:s20+$0x20] =	vst v3  }
0x12d: {  	s3 =	sshll.u32 s3, $0x7;
	s7 =	sadd.s32 s26, s25;
	s28 =	sadd.s32 s6, s24;
	v3 =	vld.idx.msk [tilespmem:v0+s0+$0x0 ss:$0x1], $0xffff  }
0x12e: {  	s30 =	sadd.s32 s16, s19;
	s4 =	simm.s32 $0x0;
	s14 =	simm.s32 $0x6;
	[tilespmem:s7+$0x0] =	vst v5;
	v1 =	vld.idx.msk [tilespmem:v0+s28+$0x0 ss:$0x1], $0xffff  }
0x12f: {  	s5 =	sadd.s32 s3, s25;
	s3 =	smul.u32 $0x8800, s4;
	s26 =	sand.u32 $0x3E, s14;
	[tilespmem:s18+$0x40] =	vst v2;
	v5 =	vld.idx.msk [tilespmem:v0+s30+$0x0 ss:$0x1], $0xffff  }
0x130: {  	s13 =	sadd.s32 s21, s2;
	s4 =	smul.u32 $0x220, s26;
	[tilespmem:s23+$0x20] =	vst v4;
	s28 =	sor.u32 $0x1, s26  }
0x131: {  	s3 =	sshra.s32 s3, $0x2;
	s1 =	sadd.s32 s6, s8;
	[tilespmem:s5+$0x0] =	vst v6;
	v4 =	vld.idx.msk [tilespmem:v0+s13+$0x0 ss:$0x1], $0xffff;
	s25 =	smul.u32 $0x220, s28  }
0x132: {  	s3 =	sadd.s32 $0x800, s3;
	s30 =	sadd.s32 s16, s22;
	v2 =	vld.idx.msk [tilespmem:v0+s1+$0x0 ss:$0x1], $0xffff;
	s1 =	rddreg [dreg:$0x6];
	[tilespmem:s20+$0x30] =	vst v3  }
0x133: {  	s4 =	sshrl.u32 s4, $0x2;
	s9 =	sshrl.u32 s25, $0x2;
	s25 =	sadd.s32 s10, s11;
	[tilespmem:s12+$0x50] =	vst v1;
	v1 =	vld.idx.msk [tilespmem:v0+s30+$0x0 ss:$0x1], $0xffff  }
0x134: {  	s4 =	sadd.s32 s4, s3;
	s0 =	sadd.s32 s1, s24;
	[tilespmem:s7+$0x10] =	vst v5;
	v5 =	vld.idx.msk [tilespmem:v0+s25+$0x0 ss:$0x1], $0xffff  }
0x135: {  	s29 =	sadd.s32 s17, s4;
	v7 =	vld.idx.msk [tilespmem:v0+s0+$0x0 ss:$0x1], $0xffff  }
0x136: {  	v6 =	vld.idx.msk [tilespmem:v0+s29+$0x0 ss:$0x1], $0xffff;
	s13 =	sadd.s32 s9, s3;
	[tilespmem:s23+$0x30] =	vst v4;
	s30 =	sadd.s32 s15, s19  }
0x137: {  	[tilespmem:s18+$0x50] =	vst v2;
	s0 =	sadd.s32 s17, s13;
	v8 =	vld.idx.msk [tilespmem:v0+s30+$0x0 ss:$0x1], $0xffff  }
0x138: {  	s26 =	sshll.u32 s26, $0x7;
	s25 =	sadd.s32 s1, s8;
	v9 =	vld.idx.msk [tilespmem:v0+s0+$0x0 ss:$0x1], $0xffff;
	[tilespmem:s5+$0x10] =	vst v1  }
0x139: {  	s29 =	sadd.s32 s21, s19;
	s30 =	simm.s32 $0x300;
	v3 =	vld.idx.msk [tilespmem:v0+s25+$0x0 ss:$0x1], $0xffff;
	s0 =	sadd.s32 s10, s2;
	[tilespmem:s20+$0x40] =	vst v5  }
0x13a: {  	s3 =	sshll.u32 s28, $0x7;
	s28 =	sadd.s32 s15, s22;
	s25 =	sand.u32 $0x3FFFE000, s30;
	v1 =	vld.idx.msk [tilespmem:v0+s0+$0x0 ss:$0x1], $0xffff;
	[tilespmem:s12+$0x60] =	vst v7  }
0x13b: {  	s30 =	sadd.s32 s6, s11;
	s25 =	sadd.s32 $0x9000, s25;
	v4 =	vld.idx.msk [tilespmem:v0+s28+$0x0 ss:$0x1], $0xffff;
	s0 =	rddreg [dreg:$0x4]  }
0x13c: {  	s31 =	sadd.s32 s16, s13;
	v2 =	vld.idx.msk [tilespmem:v0+s30+$0x0 ss:$0x1], $0xffff;
	[tilespmem:s7+$0x20] =	vst v8;
	s9 =	sadd.s32 s0, s8;
	s8 =	sadd.s32 s3, s25  }
0x13d: {  	s3 =	sadd.s32 s0, s24;
	v5 =	vld.idx.msk [tilespmem:v0+s29+$0x0 ss:$0x1], $0xffff;
	s29 =	sadd.s32 s6, s2;
	s24 =	sadd.s32 s1, s11;
	[tilespmem:s8+$0x0] =	vst v9  }
.LBB2_13:
0x13e: {  	s14 =	sadd.s32 $0x2, s14;
	s26 =	sadd.s32 s26, s25;
	s0 =	sadd.s32 s21, s22;
	[tilespmem:s18+$0x60] =	vst v3  }
0x13f: {  	v3 =	vld.idx.msk [tilespmem:v0+s3+$0x0 ss:$0x1], $0xffff;
	s30 =	smov.u32 s11;
	s11 =	smov.u32 s19;
	s19 =	smov.u32 s13;
	[tilespmem:s23+$0x40] =	vst v1  }
0x140: {  	v7 =	vld.idx.msk [tilespmem:v0+s31+$0x0 ss:$0x1], $0xffff;
	s13 =	sshrl.u32 s14, $0x6;
	s28 =	sand.u32 $0x3E, s14;
	s25 =	sshll.u32 s14, $0x7;
	[tilespmem:s26+$0x0] =	vst v6  }
0x141: {  	s31 =	smul.u32 $0x8800, s13;
	s1 =	sand.u32 $0x3FFFE000, s25;
	s6 =	sor.u32 $0x1, s28;
	v1 =	vld.idx.msk [tilespmem:v0+s9+$0x0 ss:$0x1], $0xffff;
	[tilespmem:s5+$0x20] =	vst v4  }
0x142: {  	p0 =	slt.u32 s14, $0x7E;
	s25 =	sadd.s32 $0x9000, s1;
	s9 =	smul.u32 $0x220, s6;
	[tilespmem:s20+$0x50] =	vst v2;
	v4 =	vld.idx.msk [tilespmem:v0+s29+$0x0 ss:$0x1], $0xffff  }
0x143: {  	s3 =	sshll.u32 s6, $0x7;
	s1 =	sshra.s32 s31, $0x2;
	s29 =	smul.u32 $0x220, s28;
	v6 =	vld.idx.msk [tilespmem:v0+s0+$0x0 ss:$0x1], $0xffff;
	[tilespmem:s7+$0x30] =	vst v5  }
0x144: {  	s31 =	sadd.s32 s16, s4;
	s6 =	sadd.s32 $0x800, s1;
	s9 =	sshrl.u32 s9, $0x2;
	v5 =	vld.idx.msk [tilespmem:v0+s24+$0x0 ss:$0x1], $0xffff;
	[tilespmem:s12+$0x70] =	vst v3  }
0x145: {  	v2 =	vld.idx.msk [tilespmem:v0+s31+$0x0 ss:$0x1], $0xffff;
	s1 =	sadd.s32 s10, s11;
	[tilespmem:s8+$0x10] =	vst v7;
	s12 =	sadd.s32 s10, s22;
	s29 =	sshrl.u32 s29, $0x2  }
0x146: {  	s13 =	sadd.s32 s9, s6;
	s9 =	sadd.s32 s15, s19;
	v7 =	vld.idx.msk [tilespmem:v0+s1+$0x0 ss:$0x1], $0xffff;
	s0 =	sadd.s32 s29, s6  }
0x147: {  	s6 =	sadd.s32 s17, s13;
	v8 =	vld.idx.msk [tilespmem:v0+s9+$0x0 ss:$0x1], $0xffff;
	s29 =	rddreg [dreg:$0x7];
	[tilespmem:s18+$0x70] =	vst v1;
	s18 =	smov.u32 s23  }
0x148: {  	s31 =	sadd.s32 s16, s13;
	s23 =	smov.u32 s5;
	v9 =	vld.idx.msk [tilespmem:v0+s6+$0x0 ss:$0x1], $0xffff;
	s6 =	rddreg [dreg:$0x6];
	[tilespmem:s18+$0x50] =	vst v4  }
0x149: {  	s1 =	sadd.s32 s17, s0;
	s5 =	smov.u32 s26;
	s24 =	sadd.s32 s6, s2;
	[tilespmem:s23+$0x30] =	vst v6  }
0x14a: {  	v3 =	vld.idx.msk [tilespmem:v0+s24+$0x0 ss:$0x1], $0xffff;
	s24 =	smov.u32 s22;
	s22 =	smov.u32 s4;
	[tilespmem:s5+$0x10] =	vst v2;
	s4 =	smov.u32 s0  }
.Ltmp10:
0x14b: {  	[tilespmem:s20+$0x60] =	vst v5;
	v1 =	vld.idx.msk [tilespmem:v0+s12+$0x0 ss:$0x1], $0xffff;
	s12 =	smov.u32 s20;
	s20 =	smov.u32 s7;
	(pc) =	sbr.rel @p0 .LBB2_13-.Ltmp10, $4  }
0x14c: {  	s26 =	sadd.s32 s15, s22;
	v6 =	vld.idx.msk [tilespmem:v0+s1+$0x0 ss:$0x1], $0xffff;
	s7 =	smov.u32 s8;
	s1 =	rddreg [dreg:$0x4];
	[tilespmem:s20+$0x40] =	vst v7  }
0x14d: {  	s8 =	sadd.s32 s3, s25;
	v4 =	vld.idx.msk [tilespmem:v0+s26+$0x0 ss:$0x1], $0xffff;
	s26 =	sadd.s32 s29, s11;
	s9 =	sadd.s32 s1, s2;
	[tilespmem:s7+$0x20] =	vst v8  }
0x14e: {  	s2 =	smov.u32 s24;
	s24 =	sadd.s32 s21, s19;
	s3 =	sadd.s32 s1, s30;
	v2 =	vld.idx.msk [tilespmem:v0+s26+$0x0 ss:$0x1], $0xffff;
	[tilespmem:s8+$0x0] =	vst v9  }
0x14f: {  	s29 =	sadd.s32 s29, s2;
	s26 =	sshll.u32 s28, $0x7;
	v5 =	vld.idx.msk [tilespmem:v0+s24+$0x0 ss:$0x1], $0xffff;
	s24 =	sadd.s32 s6, s11  }
0x150: {  	_ =	sdelay $0x2  }
0x151: {  	s14 =	sadd.s32 s26, s25  }
0x152: {  	v7 =	vld.idx.msk [tilespmem:v0+s31+$0x0 ss:$0x1], $0xffff;
	s0 =	sadd.s32 s16, s4;
	[tilespmem:s14+$0x0] =	vst v6  }
0x153: {  	v6 =	vld.idx.msk [tilespmem:v0+s0+$0x0 ss:$0x1], $0xffff;
	_ =	sdelay $0x3  }
0x154: {  	s1 =	sadd.s32 s15, s13;
	[tilespmem:s8+$0x10] =	vst v7  }
0x155: {  	s6 =	sadd.s32 s15, s4;
	v7 =	vld.idx.msk [tilespmem:v0+s1+$0x0 ss:$0x1], $0xffff;
	[tilespmem:s14+$0x10] =	vst v6  }
0x156: {  	v6 =	vld.idx.msk [tilespmem:v0+s6+$0x0 ss:$0x1], $0xffff  }
0x157: {  	[tilespmem:s18+$0x60] =	vst v3  }
0x158: {  	v8 =	vld.idx.msk [tilespmem:v0+s3+$0x0 ss:$0x1], $0xffff;
	[tilespmem:s23+$0x40] =	vst v1  }
0x159: {  	s15 =	sadd.s32 s21, s22;
	v3 =	vld.idx.msk [tilespmem:v0+s9+$0x0 ss:$0x1], $0xffff;
	[tilespmem:s5+$0x20] =	vst v4  }
0x15a: {  	s16 =	sadd.s32 s21, s13;
	v4 =	vld.idx.msk [tilespmem:v0+s15+$0x0 ss:$0x1], $0xffff;
	[tilespmem:s8+$0x20] =	vst v7  }
0x15b: {  	s17 =	sadd.s32 s21, s4;
	v7 =	vld.idx.msk [tilespmem:v0+s16+$0x0 ss:$0x1], $0xffff;
	[tilespmem:s14+$0x20] =	vst v6  }
0x15c: {  	s21 =	sadd.s32 s10, s19;
	[tilespmem:s7+$0x30] =	vst v5;
	v6 =	vld.idx.msk [tilespmem:v0+s17+$0x0 ss:$0x1], $0xffff  }
0x15d: {  	[tilespmem:s12+$0x70] =	vst v8;
	v5 =	vld.idx.msk [tilespmem:v0+s21+$0x0 ss:$0x1], $0xffff  }
0x15e: {  	[tilespmem:s18+$0x70] =	vst v3  }
0x15f: {  	s25 =	sadd.s32 s10, s22;
	[tilespmem:s5+$0x30] =	vst v4  }
0x160: {  	s26 =	sadd.s32 s10, s13;
	v4 =	vld.idx.msk [tilespmem:v0+s25+$0x0 ss:$0x1], $0xffff;
	[tilespmem:s8+$0x30] =	vst v7  }
0x161: {  	s28 =	sadd.s32 s10, s4;
	v7 =	vld.idx.msk [tilespmem:v0+s26+$0x0 ss:$0x1], $0xffff;
	[tilespmem:s14+$0x30] =	vst v6  }
0x162: {  	[tilespmem:s7+$0x40] =	vst v5;
	v61 =	vld.idx.msk [tilespmem:v0+s28+$0x0 ss:$0x1], $0xffff  }
0x163: {  	v1 =	vld.idx.msk [tilespmem:v0+s29+$0x0 ss:$0x1], $0xffff;
	s1 =	rddreg [dreg:$0x7];
	[tilespmem:s20+$0x50] =	vst v2  }
0x164: {  	s30 =	sadd.s32 s1, s19;
	v2 =	vld.idx.msk [tilespmem:v0+s24+$0x0 ss:$0x1], $0xffff  }
0x165: {  	[tilespmem:s5+$0x40] =	vst v4;
	s31 =	sadd.s32 s1, s22;
	v5 =	vld.idx.msk [tilespmem:v0+s30+$0x0 ss:$0x1], $0xffff  }
0x166: {  	s3 =	sadd.s32 s1, s13;
	v4 =	vld.idx.msk [tilespmem:v0+s31+$0x0 ss:$0x1], $0xffff;
	[tilespmem:s8+$0x40] =	vst v7  }
0x167: {  	s6 =	sadd.s32 s1, s4;
	v62 =	vld.idx.msk [tilespmem:v0+s3+$0x0 ss:$0x1], $0xffff;
	[tilespmem:s14+$0x40] =	vst v61  }
0x168: {  	[tilespmem:s23+$0x50] =	vst v1;
	v3 =	vld.idx.msk [tilespmem:v0+s6+$0x0 ss:$0x1], $0xffff  }
0x169: {  	s9 =	rddreg [dreg:$0x6];
	[tilespmem:s20+$0x60] =	vst v2  }
0x16a: {  	s10 =	sadd.s32 s9, s2;
	[tilespmem:s7+$0x50] =	vst v5  }
0x16b: {  	s12 =	sadd.s32 s9, s19;
	[tilespmem:s5+$0x50] =	vst v4;
	v1 =	vld.idx.msk [tilespmem:v0+s10+$0x0 ss:$0x1], $0xffff  }
0x16c: {  	s15 =	sadd.s32 s9, s22;
	v5 =	vld.idx.msk [tilespmem:v0+s12+$0x0 ss:$0x1], $0xffff;
	[tilespmem:s8+$0x50] =	vst v62  }
0x16d: {  	s16 =	sadd.s32 s9, s13;
	v4 =	vld.idx.msk [tilespmem:v0+s15+$0x0 ss:$0x1], $0xffff;
	[tilespmem:s14+$0x50] =	vst v3  }
0x16e: {  	s17 =	sadd.s32 s9, s4;
	v6 =	vld.idx.msk [tilespmem:v0+s16+$0x0 ss:$0x1], $0xffff;
	s18 =	rddreg [dreg:$0x4]  }
0x16f: {  	v3 =	vld.idx.msk [tilespmem:v0+s17+$0x0 ss:$0x1], $0xffff;
	s21 =	sadd.s32 s18, s11  }
0x170: {  	s24 =	sadd.s32 s18, s2;
	[tilespmem:s23+$0x60] =	vst v1;
	v2 =	vld.idx.msk [tilespmem:v0+s21+$0x0 ss:$0x1], $0xffff  }
0x171: {  	[tilespmem:s7+$0x60] =	vst v5;
	s25 =	sadd.s32 s18, s19;
	v1 =	vld.idx.msk [tilespmem:v0+s24+$0x0 ss:$0x1], $0xffff  }
0x172: {  	s26 =	sadd.s32 s18, s22;
	[tilespmem:s5+$0x60] =	vst v4;
	v5 =	vld.idx.msk [tilespmem:v0+s25+$0x0 ss:$0x1], $0xffff  }
0x173: {  	s28 =	sadd.s32 s18, s13;
	v4 =	vld.idx.msk [tilespmem:v0+s26+$0x0 ss:$0x1], $0xffff;
	[tilespmem:s8+$0x60] =	vst v6  }
0x174: {  	s1 =	sadd.s32 s18, s4;
	v6 =	vld.idx.msk [tilespmem:v0+s28+$0x0 ss:$0x1], $0xffff;
	[tilespmem:s14+$0x60] =	vst v3  }
0x175: {  	v63 =	vld.idx.msk [tilespmem:v0+s1+$0x0 ss:$0x1], $0xffff;
	[tilespmem:s20+$0x70] =	vst v2  }
0x176: {  	[tilespmem:s23+$0x70] =	vst v1  }
0x177: {  	[tilespmem:s7+$0x70] =	vst v5  }
0x178: {  	[tilespmem:s5+$0x70] =	vst v4  }
0x179: {  	[tilespmem:s8+$0x70] =	vst v6  }
.Ltmp11:
0x17a: {  	[tilespmem:s14+$0x70] =	vst v63;
	(pc) =	sbr.rel .LBB2_18-.Ltmp11, $4  }
0x17b: {  	s29 =	rddreg [dreg:$0x16]  }
0x17c: {  	s31 =	simm.s32 $0x9000;
	s30 =	rddreg [dreg:$0x17]  }
0x17d: {  	s7 =	simm.s32 $0x0;
	s6 =	rddreg [dreg:$0x11];
	s0 =	sadd.s32 s29, s30  }
0x17e: {  	[hbm4b:s0+s7] =	stream.linear.scatter [tilespmem:s31], [sflag:$0x3], $0x4000, $0x38;
	[tilespmem:$0x11000] =	vst v63  }
.LBB2_15:
0x17f: {  	s0 =	sadd.s32 s4, s2;
	s1 =	simm.s32 $0x800  }
0x180: {  	s2 =	simm.s32 $0x10;
	s3 =	simm.s32 $0x888;
	s4 =	sadd.s32 $0x0, s0  }
.LBB2_16:
0x181: {  	[hbm4b:s4+s7] =	stream.linear.scatter [tilespmem:s1], [sflag:$0x3], $0x80, $0x38;
	[tilespmem:$0x11000] =	vst v63  }
0x182: {  	s4 =	smov.u32 s2;
	s1 =	smov.u32 s3;
	p0 =	seq.s32 s2, $0x7F0  }
.Ltmp12:
0x183: {  	s2 =	sadd.s32 $0x10, s2;
	(pc) =	sbr.rel @!p0 .LBB2_16-.Ltmp12, $2  }
0x184: {  	_ =	sdelay $0x2  }
0x185: {  	s3 =	sadd.s32 $0x88, s3;
	s4 =	sadd.s32 s4, s0  }
.Ltmp13:
0x186: {  	(pc) =	sbr.rel .LBB2_18-.Ltmp13, $2  }
0x187: {  	_ =	sdelay $0x2  }
0x188: {  	[hbm4b:s4+s7] =	stream.linear.scatter [tilespmem:s1], [sflag:$0x3], $0x80, $0x38;
	[tilespmem:$0x11000] =	vst v63  }
.LBB2_19:
0x189: {  	s0 =	simm.s32 $0x2  }
0x18a: {  	_ =	swait.ge [sflag:s0], $0x4400  }
0x18b: {  	[sflag:s0] =	ssyncset.done $0x0  }
0x18c: {  	s29 =	rddreg [dreg:$0xf];
	[sflag:s0] =	ssyncadd.s32 $0xFFFFBC00  }
0x18d: {  	v0 =	vld [tilespmem:s29+$0x0];
	_ =	sdelay $0x4  }
0x18e: {  	(v2sf) =	vpush v0, $0x2;
	_ =	sdelay $0xe  }
0x18f: {  	s30 =	spop (v2sf)  }
0x190: {  	s1 =	sand.u32 $0x3, s30  }
0x191: {  	s2 =	sshra.s32 s30, $0x1F;
	p0 =	slt.s32 s30, $0x1;
	p1 =	sne.s32 s1, $0x0  }
0x192: {  	s31 =	sshrl.u32 s2, $0x1E;
	p0 =	por !p0, !p1  }
0x193: {  	s2 =	simm.s32 $0x1;
	s1 =	sadd.s32 s31, s30;
	p0 =	por !p0, !p0  }
0x194: {  	s1 =	sshrl.u32 s1, $0x2;
	s2 =	simm.s32 @!p0 $0x0  }
0x195: {  	s1 =	ssub.s32 s2, s1  }
0x196: {  	s0 =	sshll.u32 s30, $0x1;
	s1 =	sshll.u32 s1, $0x3  }
0x197: {  	s1 =	sadd.s32 s0, s1  }
0x198: {  	p0 =	seq.s32 s1, $0x0  }
.Ltmp14:
0x199: {  	_ = 	snop;
	(pc) =	sbr.rel @p0 .LBB2_23-.Ltmp14, $1  }
0x19a: {  	_ =	sdelay $0x3  }
0x19b: {  	s2 =	sand.u32 $0x6, s0;
	s31 =	simm.s32 $0x0  }
0x19c: {  	s3 =	simm.s32 $0x0;
	v0 =	vmov s2;
	s2 =	sand.u32 $0x3E, s31  }
0x19d: {  	s3 =	smul.u32 $0x8800, s3;
	s4 =	sor.u32 $0x1, s2  }
0x19e: {  	s5 =	smul.u32 $0x220, s4  }
0x19f: {  	s17 =	sand.u32 $0xFFFFFFF8, s1;
	s3 =	sshra.s32 s3, $0x2  }
0x1a0: {  	s7 =	smul.u32 $0x220, s2;
	s3 =	sadd.s32 $0x4C00, s3;
	s5 =	sshrl.u32 s5, $0x2  }
0x1a1: {  	s29 =	sadd.s32 $0x70, s17;
	s24 =	sadd.s32 s5, s3  }
0x1a2: {  	[dreg:$0x5] =	wrdreg s29;
	s7 =	sshrl.u32 s7, $0x2;
	s5 =	sadd.s32 s17, s24  }
0x1a3: {  	s8 =	sadd.s32 s7, s3;
	v1 =	vld.idx.msk [tilespmem:v0+s5+$0x0 ss:$0x1], $0xffff  }
0x1a4: {  	s0 =	simm.s32 $0x0;
	s11 =	simm.s32 $0x2;
	s7 =	sadd.s32 s17, s8  }
0x1a5: {  	s13 =	simm.s32 $0x0;
	s16 =	sadd.s32 $0x10, s17;
	v2 =	vld.idx.msk [tilespmem:v0+s7+$0x0 ss:$0x1], $0xffff;
	s5 =	sand.u32 $0x3FFFE000, s0  }
0x1a6: {  	s4 =	sshll.u32 s4, $0x7;
	s3 =	sadd.s32 $0xD000, s5;
	s5 =	sand.u32 $0x3E, s11  }
0x1a7: {  	s14 =	smul.u32 $0x8800, s13;
	s12 =	sadd.s32 s4, s3;
	s19 =	sor.u32 $0x1, s5  }
0x1a8: {  	s2 =	sshll.u32 s2, $0x7;
	s9 =	sadd.s32 s16, s24;
	s20 =	smul.u32 $0x220, s19;
	[tilespmem:s12+$0x0] =	vst v1  }
0x1a9: {  	s18 =	sadd.s32 s2, s3;
	s2 =	sshra.s32 s14, $0x2;
	v1 =	vld.idx.msk [tilespmem:v0+s9+$0x0 ss:$0x1], $0xffff  }
0x1aa: {  	s22 =	sadd.s32 s16, s8;
	s2 =	sadd.s32 $0x4C00, s2;
	[tilespmem:s18+$0x0] =	vst v2;
	s4 =	sshrl.u32 s20, $0x2  }
0x1ab: {  	v2 =	vld.idx.msk [tilespmem:v0+s22+$0x0 ss:$0x1], $0xffff;
	s11 =	sadd.s32 s4, s2  }
0x1ac: {  	s9 =	sadd.s32 s17, s11  }
0x1ad: {  	s15 =	sadd.s32 $0x20, s17;
	s23 =	smul.u32 $0x220, s5;
	v3 =	vld.idx.msk [tilespmem:v0+s9+$0x0 ss:$0x1], $0xffff  }
0x1ae: {  	s29 =	simm.s32 $0x100;
	s25 =	sadd.s32 s15, s24;
	[tilespmem:s12+$0x10] =	vst v1  }
0x1af: {  	s31 =	sadd.s32 s15, s8;
	s7 =	sand.u32 $0x3FFFE000, s29;
	s26 =	sshrl.u32 s23, $0x2;
	v1 =	vld.idx.msk [tilespmem:v0+s25+$0x0 ss:$0x1], $0xffff  }
0x1b0: {  	s7 =	sadd.s32 $0xD000, s7;
	s3 =	sshll.u32 s19, $0x7;
	s2 =	sadd.s32 s26, s2;
	[tilespmem:s18+$0x10] =	vst v2  }
0x1b1: {  	s21 =	sadd.s32 $0x30, s17;
	s20 =	sadd.s32 s3, s7;
	s0 =	sadd.s32 s17, s2;
	v2 =	vld.idx.msk [tilespmem:v0+s31+$0x0 ss:$0x1], $0xffff  }
0x1b2: {  	s14 =	simm.s32 $0x4;
	s19 =	simm.s32 $0x0;
	s13 =	sadd.s32 s16, s11;
	v4 =	vld.idx.msk [tilespmem:v0+s0+$0x0 ss:$0x1], $0xffff;
	[tilespmem:s20+$0x0] =	vst v3  }
0x1b3: {  	s5 =	sshll.u32 s5, $0x7;
	s3 =	sand.u32 $0x3E, s14;
	s4 =	smul.u32 $0x8800, s19;
	v3 =	vld.idx.msk [tilespmem:v0+s13+$0x0 ss:$0x1], $0xffff  }
0x1b4: {  	s23 =	sadd.s32 s5, s7;
	s7 =	sor.u32 $0x1, s3;
	s9 =	sadd.s32 s21, s24;
	[tilespmem:s12+$0x20] =	vst v1  }
0x1b5: {  	s4 =	sshra.s32 s4, $0x2;
	s25 =	smul.u32 $0x220, s7;
	v1 =	vld.idx.msk [tilespmem:v0+s9+$0x0 ss:$0x1], $0xffff  }
0x1b6: {  	s22 =	sadd.s32 s21, s8;
	s4 =	sadd.s32 $0x4C00, s4;
	[tilespmem:s18+$0x20] =	vst v2  }
0x1b7: {  	s31 =	smul.u32 $0x220, s3;
	[tilespmem:s23+$0x0] =	vst v4;
	s13 =	sadd.s32 s16, s2;
	s26 =	sshrl.u32 s25, $0x2;
	v2 =	vld.idx.msk [tilespmem:v0+s22+$0x0 ss:$0x1], $0xffff  }
0x1b8: {  	s0 =	sadd.s32 s15, s11;
	v4 =	vld.idx.msk [tilespmem:v0+s13+$0x0 ss:$0x1], $0xffff;
	s19 =	sadd.s32 s26, s4;
	[tilespmem:s20+$0x10] =	vst v3  }
0x1b9: {  	s10 =	sadd.s32 $0x40, s17;
	s14 =	sadd.s32 s17, s19;
	s22 =	sshrl.u32 s31, $0x2;
	v3 =	vld.idx.msk [tilespmem:v0+s0+$0x0 ss:$0x1], $0xffff  }
0x1ba: {  	s29 =	sadd.s32 s10, s24;
	v5 =	vld.idx.msk [tilespmem:v0+s14+$0x0 ss:$0x1], $0xffff;
	s22 =	sadd.s32 s22, s4;
	[tilespmem:s12+$0x30] =	vst v1  }
0x1bb: {  	s26 =	simm.s32 $0x200;
	s0 =	sadd.s32 s17, s22;
	v1 =	vld.idx.msk [tilespmem:v0+s29+$0x0 ss:$0x1], $0xffff  }
0x1bc: {  	s25 =	sadd.s32 s10, s8;
	s31 =	sand.u32 $0x3FFFE000, s26;
	v6 =	vld.idx.msk [tilespmem:v0+s0+$0x0 ss:$0x1], $0xffff;
	[tilespmem:s18+$0x30] =	vst v2  }
0x1bd: {  	s13 =	sadd.s32 $0xD000, s31;
	[tilespmem:s23+$0x10] =	vst v4;
	v2 =	vld.idx.msk [tilespmem:v0+s25+$0x0 ss:$0x1], $0xffff;
	s25 =	sshll.u32 s7, $0x7;
	s29 =	sadd.s32 s15, s2  }
0x1be: {  	s31 =	sadd.s32 s21, s11;
	s7 =	sadd.s32 s25, s13;
	v4 =	vld.idx.msk [tilespmem:v0+s29+$0x0 ss:$0x1], $0xffff;
	[tilespmem:s20+$0x20] =	vst v3  }
0x1bf: {  	s6 =	sadd.s32 $0x50, s17;
	s3 =	sshll.u32 s3, $0x7;
	s29 =	sadd.s32 s16, s19;
	[tilespmem:s7+$0x0] =	vst v5;
	v3 =	vld.idx.msk [tilespmem:v0+s31+$0x0 ss:$0x1], $0xffff  }
0x1c0: {  	s26 =	sadd.s32 s6, s24;
	s5 =	sadd.s32 s3, s13;
	v5 =	vld.idx.msk [tilespmem:v0+s29+$0x0 ss:$0x1], $0xffff;
	[tilespmem:s12+$0x40] =	vst v1  }
0x1c1: {  	s14 =	simm.s32 $0x6;
	s4 =	simm.s32 $0x0;
	[tilespmem:s5+$0x0] =	vst v6;
	v1 =	vld.idx.msk [tilespmem:v0+s26+$0x0 ss:$0x1], $0xffff  }
0x1c2: {  	s3 =	smul.u32 $0x8800, s4;
	s0 =	sadd.s32 s6, s8;
	[tilespmem:s18+$0x40] =	vst v2;
	s26 =	sand.u32 $0x3E, s14  }
0x1c3: {  	s25 =	sadd.s32 s21, s2;
	v2 =	vld.idx.msk [tilespmem:v0+s0+$0x0 ss:$0x1], $0xffff;
	[tilespmem:s23+$0x20] =	vst v4;
	s28 =	sor.u32 $0x1, s26  }
0x1c4: {  	s3 =	sshra.s32 s3, $0x2;
	v4 =	vld.idx.msk [tilespmem:v0+s25+$0x0 ss:$0x1], $0xffff;
	[tilespmem:s20+$0x30] =	vst v3;
	s25 =	sadd.s32 s10, s11;
	s29 =	smul.u32 $0x220, s28  }
0x1c5: {  	s1 =	sadd.s32 $0x60, s17;
	s3 =	sadd.s32 $0x4C00, s3;
	s31 =	sadd.s32 s16, s22;
	[tilespmem:s7+$0x10] =	vst v5;
	v5 =	vld.idx.msk [tilespmem:v0+s25+$0x0 ss:$0x1], $0xffff  }
0x1c6: {  	s0 =	sadd.s32 s1, s24;
	s9 =	sshrl.u32 s29, $0x2;
	s29 =	smul.u32 $0x220, s26;
	[tilespmem:s12+$0x50] =	vst v1;
	v1 =	vld.idx.msk [tilespmem:v0+s31+$0x0 ss:$0x1], $0xffff  }
0x1c7: {  	s13 =	sadd.s32 s9, s3;
	s31 =	sadd.s32 s15, s19;
	v7 =	vld.idx.msk [tilespmem:v0+s0+$0x0 ss:$0x1], $0xffff  }
0x1c8: {  	[tilespmem:s18+$0x50] =	vst v2;
	s0 =	sadd.s32 s17, s13;
	v8 =	vld.idx.msk [tilespmem:v0+s31+$0x0 ss:$0x1], $0xffff;
	s4 =	sshrl.u32 s29, $0x2  }
0x1c9: {  	s29 =	sadd.s32 s1, s8;
	[tilespmem:s23+$0x30] =	vst v4;
	v9 =	vld.idx.msk [tilespmem:v0+s0+$0x0 ss:$0x1], $0xffff;
	s4 =	sadd.s32 s4, s3  }
0x1ca: {  	s30 =	sadd.s32 s21, s19;
	v3 =	vld.idx.msk [tilespmem:v0+s29+$0x0 ss:$0x1], $0xffff;
	[tilespmem:s20+$0x40] =	vst v5;
	s29 =	sadd.s32 s17, s4  }
0x1cb: {  	s26 =	sshll.u32 s26, $0x7;
	s31 =	simm.s32 $0x300;
	s0 =	sadd.s32 s10, s2;
	v6 =	vld.idx.msk [tilespmem:v0+s29+$0x0 ss:$0x1], $0xffff;
	[tilespmem:s5+$0x10] =	vst v1  }
0x1cc: {  	s31 =	sand.u32 $0x3FFFE000, s31;
	s3 =	sshll.u32 s28, $0x7;
	v1 =	vld.idx.msk [tilespmem:v0+s0+$0x0 ss:$0x1], $0xffff;
	s0 =	sadd.s32 s15, s22;
	[tilespmem:s12+$0x60] =	vst v7  }
0x1cd: {  	s25 =	sadd.s32 $0xD000, s31;
	s31 =	sadd.s32 s6, s11;
	v4 =	vld.idx.msk [tilespmem:v0+s0+$0x0 ss:$0x1], $0xffff;
	s0 =	rddreg [dreg:$0x5]  }
0x1ce: {  	s28 =	sadd.s32 s16, s13;
	v2 =	vld.idx.msk [tilespmem:v0+s31+$0x0 ss:$0x1], $0xffff;
	[tilespmem:s7+$0x20] =	vst v8;
	s9 =	sadd.s32 s0, s8;
	s8 =	sadd.s32 s3, s25  }
0x1cf: {  	s3 =	sadd.s32 s0, s24;
	v5 =	vld.idx.msk [tilespmem:v0+s30+$0x0 ss:$0x1], $0xffff;
	s30 =	sadd.s32 s6, s2;
	s24 =	sadd.s32 s1, s11;
	[tilespmem:s8+$0x0] =	vst v9  }
.LBB2_21:
0x1d0: {  	s14 =	sadd.s32 $0x2, s14;
	[tilespmem:s18+$0x60] =	vst v3  }
0x1d1: {  	s31 =	sadd.s32 s26, s25;
	s0 =	sadd.s32 s21, s22;
	v3 =	vld.idx.msk [tilespmem:v0+s3+$0x0 ss:$0x1], $0xffff;
	s26 =	smov.u32 s11;
	[tilespmem:s23+$0x40] =	vst v1  }
0x1d2: {  	s11 =	smov.u32 s19;
	s19 =	smov.u32 s13;
	v7 =	vld.idx.msk [tilespmem:v0+s28+$0x0 ss:$0x1], $0xffff;
	s13 =	sshrl.u32 s14, $0x6;
	[tilespmem:s31+$0x0] =	vst v6  }
0x1d3: {  	s29 =	sand.u32 $0x3E, s14;
	s25 =	sshll.u32 s14, $0x7;
	p0 =	slt.u32 s14, $0x7E;
	v1 =	vld.idx.msk [tilespmem:v0+s9+$0x0 ss:$0x1], $0xffff;
	[tilespmem:s5+$0x20] =	vst v4  }
0x1d4: {  	s28 =	smul.u32 $0x8800, s13;
	s25 =	sand.u32 $0x3FFFE000, s25;
	s13 =	sor.u32 $0x1, s29;
	[tilespmem:s20+$0x50] =	vst v2;
	v4 =	vld.idx.msk [tilespmem:v0+s30+$0x0 ss:$0x1], $0xffff  }
0x1d5: {  	s25 =	sadd.s32 $0xD000, s25;
	s3 =	sshll.u32 s13, $0x7;
	s9 =	smul.u32 $0x220, s13;
	[tilespmem:s7+$0x30] =	vst v5;
	v6 =	vld.idx.msk [tilespmem:v0+s0+$0x0 ss:$0x1], $0xffff  }
0x1d6: {  	s13 =	sshra.s32 s28, $0x2;
	s28 =	smul.u32 $0x220, s29;
	s30 =	sadd.s32 s16, s4;
	v5 =	vld.idx.msk [tilespmem:v0+s24+$0x0 ss:$0x1], $0xffff  }
0x1d7: {  	s0 =	sadd.s32 $0x4C00, s13;
	[tilespmem:s12+$0x70] =	vst v3;
	s12 =	sadd.s32 s10, s22;
	s9 =	sshrl.u32 s9, $0x2;
	v2 =	vld.idx.msk [tilespmem:v0+s30+$0x0 ss:$0x1], $0xffff  }
0x1d8: {  	[tilespmem:s8+$0x10] =	vst v7;
	s30 =	sadd.s32 s10, s11;
	s28 =	sshrl.u32 s28, $0x2;
	s13 =	sadd.s32 s9, s0  }
0x1d9: {  	s9 =	sadd.s32 s15, s19;
	s0 =	sadd.s32 s28, s0;
	v7 =	vld.idx.msk [tilespmem:v0+s30+$0x0 ss:$0x1], $0xffff;
	[tilespmem:s18+$0x70] =	vst v1;
	s18 =	smov.u32 s23  }
0x1da: {  	s24 =	sadd.s32 s17, s13;
	s28 =	sadd.s32 s16, s13;
	v8 =	vld.idx.msk [tilespmem:v0+s9+$0x0 ss:$0x1], $0xffff;
	s23 =	smov.u32 s5;
	[tilespmem:s18+$0x50] =	vst v4  }
0x1db: {  	s9 =	sadd.s32 s17, s0;
	v9 =	vld.idx.msk [tilespmem:v0+s24+$0x0 ss:$0x1], $0xffff;
	s24 =	sadd.s32 s1, s2;
	s5 =	smov.u32 s31;
	[tilespmem:s23+$0x30] =	vst v6  }
0x1dc: {  	s31 =	smov.u32 s22;
	s22 =	smov.u32 s4;
	s4 =	smov.u32 s0;
	v3 =	vld.idx.msk [tilespmem:v0+s24+$0x0 ss:$0x1], $0xffff;
	[tilespmem:s5+$0x10] =	vst v2  }
.Ltmp15:
0x1dd: {  	[tilespmem:s20+$0x60] =	vst v5;
	v1 =	vld.idx.msk [tilespmem:v0+s12+$0x0 ss:$0x1], $0xffff;
	s12 =	smov.u32 s20;
	s20 =	smov.u32 s7;
	(pc) =	sbr.rel @p0 .LBB2_21-.Ltmp15, $4  }
0x1de: {  	s0 =	sadd.s32 s6, s11;
	s30 =	sadd.s32 s15, s22;
	v6 =	vld.idx.msk [tilespmem:v0+s9+$0x0 ss:$0x1], $0xffff;
	s7 =	smov.u32 s8;
	[tilespmem:s20+$0x40] =	vst v7  }
0x1df: {  	s24 =	sadd.s32 s1, s11;
	v4 =	vld.idx.msk [tilespmem:v0+s30+$0x0 ss:$0x1], $0xffff;
	s30 =	rddreg [dreg:$0x5];
	s8 =	sadd.s32 s3, s25;
	[tilespmem:s7+$0x20] =	vst v8  }
0x1e0: {  	s9 =	sadd.s32 s30, s2;
	s2 =	smov.u32 s31;
	s31 =	sadd.s32 s21, s19;
	v2 =	vld.idx.msk [tilespmem:v0+s0+$0x0 ss:$0x1], $0xffff;
	[tilespmem:s8+$0x0] =	vst v9  }
0x1e1: {  	s3 =	sadd.s32 s30, s26;
	s26 =	sshll.u32 s29, $0x7;
	s30 =	sadd.s32 s6, s2;
	v5 =	vld.idx.msk [tilespmem:v0+s31+$0x0 ss:$0x1], $0xffff  }
0x1e2: {  	_ =	sdelay $0x2  }
0x1e3: {  	s14 =	sadd.s32 s26, s25  }
0x1e4: {  	v7 =	vld.idx.msk [tilespmem:v0+s28+$0x0 ss:$0x1], $0xffff;
	s0 =	sadd.s32 s16, s4;
	[tilespmem:s14+$0x0] =	vst v6  }
0x1e5: {  	v6 =	vld.idx.msk [tilespmem:v0+s0+$0x0 ss:$0x1], $0xffff;
	_ =	sdelay $0x3  }
0x1e6: {  	s31 =	sadd.s32 s15, s13;
	[tilespmem:s8+$0x10] =	vst v7  }
0x1e7: {  	s15 =	sadd.s32 s15, s4;
	v7 =	vld.idx.msk [tilespmem:v0+s31+$0x0 ss:$0x1], $0xffff;
	[tilespmem:s14+$0x10] =	vst v6  }
0x1e8: {  	v6 =	vld.idx.msk [tilespmem:v0+s15+$0x0 ss:$0x1], $0xffff;
	_ =	sdelay $0x1  }
0x1e9: {  	[tilespmem:s18+$0x60] =	vst v3  }
0x1ea: {  	s16 =	sadd.s32 s21, s22;
	[tilespmem:s5+$0x20] =	vst v4  }
0x1eb: {  	s17 =	sadd.s32 s21, s13;
	v4 =	vld.idx.msk [tilespmem:v0+s16+$0x0 ss:$0x1], $0xffff;
	[tilespmem:s8+$0x20] =	vst v7  }
0x1ec: {  	s21 =	sadd.s32 s21, s4;
	v7 =	vld.idx.msk [tilespmem:v0+s17+$0x0 ss:$0x1], $0xffff;
	[tilespmem:s14+$0x20] =	vst v6  }
0x1ed: {  	[tilespmem:s23+$0x40] =	vst v1;
	v6 =	vld.idx.msk [tilespmem:v0+s21+$0x0 ss:$0x1], $0xffff  }
0x1ee: {  	v8 =	vld.idx.msk [tilespmem:v0+s3+$0x0 ss:$0x1], $0xffff;
	[tilespmem:s20+$0x50] =	vst v2  }
0x1ef: {  	s25 =	sadd.s32 s10, s19;
	v3 =	vld.idx.msk [tilespmem:v0+s9+$0x0 ss:$0x1], $0xffff;
	[tilespmem:s7+$0x30] =	vst v5  }
0x1f0: {  	s26 =	sadd.s32 s10, s22;
	v5 =	vld.idx.msk [tilespmem:v0+s25+$0x0 ss:$0x1], $0xffff;
	[tilespmem:s5+$0x30] =	vst v4  }
0x1f1: {  	s28 =	sadd.s32 s10, s13;
	v4 =	vld.idx.msk [tilespmem:v0+s26+$0x0 ss:$0x1], $0xffff;
	[tilespmem:s8+$0x30] =	vst v7  }
0x1f2: {  	s29 =	sadd.s32 s10, s4;
	v7 =	vld.idx.msk [tilespmem:v0+s28+$0x0 ss:$0x1], $0xffff;
	[tilespmem:s14+$0x30] =	vst v6  }
0x1f3: {  	[tilespmem:s12+$0x70] =	vst v8;
	v61 =	vld.idx.msk [tilespmem:v0+s29+$0x0 ss:$0x1], $0xffff  }
0x1f4: {  	v1 =	vld.idx.msk [tilespmem:v0+s30+$0x0 ss:$0x1], $0xffff;
	[tilespmem:s18+$0x70] =	vst v3  }
0x1f5: {  	v2 =	vld.idx.msk [tilespmem:v0+s24+$0x0 ss:$0x1], $0xffff;
	s31 =	sadd.s32 s6, s19;
	[tilespmem:s7+$0x40] =	vst v5  }
0x1f6: {  	s3 =	sadd.s32 s6, s22;
	v5 =	vld.idx.msk [tilespmem:v0+s31+$0x0 ss:$0x1], $0xffff;
	[tilespmem:s5+$0x40] =	vst v4  }
0x1f7: {  	s9 =	sadd.s32 s6, s13;
	v4 =	vld.idx.msk [tilespmem:v0+s3+$0x0 ss:$0x1], $0xffff;
	[tilespmem:s8+$0x40] =	vst v7  }
0x1f8: {  	s10 =	sadd.s32 s6, s4;
	v62 =	vld.idx.msk [tilespmem:v0+s9+$0x0 ss:$0x1], $0xffff;
	[tilespmem:s14+$0x40] =	vst v61  }
0x1f9: {  	[tilespmem:s23+$0x50] =	vst v1;
	v3 =	vld.idx.msk [tilespmem:v0+s10+$0x0 ss:$0x1], $0xffff  }
0x1fa: {  	[tilespmem:s20+$0x60] =	vst v2  }
0x1fb: {  	s12 =	sadd.s32 s1, s2;
	[tilespmem:s7+$0x50] =	vst v5  }
0x1fc: {  	v1 =	vld.idx.msk [tilespmem:v0+s12+$0x0 ss:$0x1], $0xffff;
	s15 =	sadd.s32 s1, s19;
	[tilespmem:s5+$0x50] =	vst v4  }
0x1fd: {  	s16 =	sadd.s32 s1, s22;
	v5 =	vld.idx.msk [tilespmem:v0+s15+$0x0 ss:$0x1], $0xffff;
	[tilespmem:s8+$0x50] =	vst v62  }
0x1fe: {  	s17 =	sadd.s32 s1, s13;
	v4 =	vld.idx.msk [tilespmem:v0+s16+$0x0 ss:$0x1], $0xffff;
	[tilespmem:s14+$0x50] =	vst v3  }
0x1ff: {  	s18 =	sadd.s32 s1, s4;
	v6 =	vld.idx.msk [tilespmem:v0+s17+$0x0 ss:$0x1], $0xffff;
	s21 =	rddreg [dreg:$0x5]  }
0x200: {  	v3 =	vld.idx.msk [tilespmem:v0+s18+$0x0 ss:$0x1], $0xffff;
	s24 =	sadd.s32 s21, s11  }
0x201: {  	[tilespmem:s23+$0x60] =	vst v1;
	s25 =	sadd.s32 s21, s2;
	v2 =	vld.idx.msk [tilespmem:v0+s24+$0x0 ss:$0x1], $0xffff  }
0x202: {  	[tilespmem:s7+$0x60] =	vst v5;
	s26 =	sadd.s32 s21, s19;
	v1 =	vld.idx.msk [tilespmem:v0+s25+$0x0 ss:$0x1], $0xffff  }
0x203: {  	[tilespmem:s5+$0x60] =	vst v4;
	s28 =	sadd.s32 s21, s22;
	v5 =	vld.idx.msk [tilespmem:v0+s26+$0x0 ss:$0x1], $0xffff  }
0x204: {  	s29 =	sadd.s32 s21, s13;
	v4 =	vld.idx.msk [tilespmem:v0+s28+$0x0 ss:$0x1], $0xffff;
	[tilespmem:s8+$0x60] =	vst v6  }
0x205: {  	s1 =	sadd.s32 s21, s4;
	v6 =	vld.idx.msk [tilespmem:v0+s29+$0x0 ss:$0x1], $0xffff;
	[tilespmem:s14+$0x60] =	vst v3  }
0x206: {  	v63 =	vld.idx.msk [tilespmem:v0+s1+$0x0 ss:$0x1], $0xffff;
	[tilespmem:s20+$0x70] =	vst v2  }
0x207: {  	[tilespmem:s23+$0x70] =	vst v1  }
0x208: {  	[tilespmem:s7+$0x70] =	vst v5  }
0x209: {  	[tilespmem:s5+$0x70] =	vst v4  }
.Ltmp16:
0x20a: {  	[tilespmem:s8+$0x70] =	vst v6;
	(pc) =	sbr.rel .LBB2_26-.Ltmp16, $4  }
0x20b: {  	[tilespmem:s14+$0x70] =	vst v63  }
0x20c: {  	s30 =	rddreg [dreg:$0xd]  }
0x20d: {  	s31 =	simm.s32 $0xD000;
	s7 =	simm.s32 $0x0;
	s2 =	rddreg [dreg:$0x10]  }
0x20e: {  	[hbm4b:s30+s7] =	stream.linear.scatter [tilespmem:s31], [sflag:$0x4], $0x4000, $0x38;
	[tilespmem:$0x11000] =	vst v63  }
.LBB2_23:
0x20f: {  	s0 =	simm.s32 $0x4C00;
	s4 =	rddreg [dreg:$0xd]  }
0x210: {  	s1 =	simm.s32 $0x10;
	s2 =	simm.s32 $0x4C88;
	s3 =	sadd.s32 $0x0, s4  }
.LBB2_24:
0x211: {  	[hbm4b:s3+s7] =	stream.linear.scatter [tilespmem:s0], [sflag:$0x4], $0x80, $0x38;
	[tilespmem:$0x11000] =	vst v63  }
0x212: {  	s3 =	smov.u32 s1;
	s0 =	smov.u32 s2;
	p0 =	seq.s32 s1, $0x7F0  }
.Ltmp17:
0x213: {  	s1 =	sadd.s32 $0x10, s1;
	(pc) =	sbr.rel @!p0 .LBB2_24-.Ltmp17, $2  }
0x214: {  	_ =	sdelay $0x2  }
0x215: {  	s2 =	sadd.s32 $0x88, s2;
	s3 =	sadd.s32 s3, s4  }
.Ltmp18:
0x216: {  	(pc) =	sbr.rel .LBB2_26-.Ltmp18, $3  }
0x217: {  	_ =	sdelay $0x1  }
0x218: {  	[hbm4b:s3+s7] =	stream.linear.scatter [tilespmem:s0], [sflag:$0x4], $0x80, $0x38;
	[tilespmem:$0x11000] =	vst v63  }
0x219: {  	s2 =	rddreg [dreg:$0x10]  }
.LBB2_27:
0x21a: {  	_ =	sfence.sel $0x180000  }
0x21b: {  	[bflag:$0x0] =	sbarrier.arrive $0xFFFF  }
0x21c: {  	_ =	strace $0x9000004D  }
0x21d: {  	s0 =	stileid.u32;
	[bflag:$0x2] =	sbarrier.arrive $0xFFFF  }
0x21e: {  	p0 =	sne.s32 s0, $0x0;
	s0 =	rddreg [dreg:$0x2]  }
0x21f: {  	s0 =	sadd.s32 @!p0 $0x100000, s0  }
0x220: {  	[sflag:s0] =	ssyncadd.tile.s32 @!p0 $0x1;
	_ =	shalt  }
.Lfunc_end2:
_tile_overlayer_lowered:
.L_overlay_start_2:
0x221: {  	(tag) =	ssettag $0x2  }
0x222: {  	s0 =	rddreg [dreg:$0x0];
	s2 =	stileid.u32  }
0x223: {  	s1 =	rddreg [dreg:$0x1];
	p0 =	sne.s32 s2, $0x0  }
0x224: {  	s3 =	rddreg [dreg:$0x2];
	[bflag:$0x3] =	sbarrier.arrive $0xFFFF;
	s2 =	simm.s32 @!p0 $0x1C05  }
0x225: {  	[timem:s3], [sflag:s2] =	dma.local @!p0 [hbm:s0], s1  }
0x226: {  	s0 =	simm.s32 @!p0 $0x5  }
0x227: {  	_ =	swait.ge @!p0 [sflag:s0], s1  }
0x228: {  	s1 =	ssub.s32 @!p0 $0x0, s1;
	[sflag:s0] =	ssyncset.done @!p0 $0x0  }
0x229: {  	[sflag:s0] =	ssyncadd.s32 @!p0 s1  }
0x22a: {  	[bflag:$0x3] =	sbarrier.arrive $0xFFFF  }
0x22b: {  	_ =	shalt  }

// kernel: sparse-core-data-format-call.1.cloned.1.call-start
scs
called_computation.1_lowered:
.L_overlay_start_0:
0x0: {  	s2 =	sld [smem:$0x3FD9]  }
0x1: {  	s3 =	sld [smem:$0x3FFE];
	_ =	sdelay $0x1  }
0x2: {  	s1 =	srdreg.scid  }
0x3: {  	s0 =	sand.u32 $0x1, s1  }
0x4: {  	s18 =	sshll.u32 s0, $0xA;
	s2 =	sadd.s32 s3, s2  }
0x5: {  	s2 =	sadd.s32 s2, s18  }
0x6: {  	[smem:$0x3FC6] =	sst s2  }
0x7: {  	_ = 	snop  }
0x8: {  	s2 =	sld [smem:$0x3FD0];
	(tm) =	ssettm $0x1  }
0x9: {  	s19 =	sld [smem:$0x3FFB];
	_ =	sdelay $0x3  }
0xa: {  	_ =	strace s19  }
0xb: {  	s3 =	sld [smem:$0x3FFC];
	_ =	sdelay $0x3  }
0xc: {  	_ =	strace s3  }
0xd: {  	s3 =	sld [smem:$0x3FFD];
	_ =	sdelay $0x3  }
0xe: {  	_ =	strace s3  }
0xf: {  	_ =	strace $0x8FFFFFFF  }
0x10: {  	s20 =	sld [smem:$0x3FDB];
	_ =	sdelay $0x1  }
0x11: {  	s4 =	simm.s32 $_scs_section_size  }
0x12: {  	s5 =	simm.s32 $_size__tile_overlayer_lowered;
	s6 =	simm.s32 $_tile_overlayer_lowered  }
0x13: {  	s23 =	simm.s32 $0x1BFF;
	s22 =	sshll.u32 s6, $0x1;
	s3 =	sadd.s32 s4, s20  }
0x14: {  	s7 =	simm.s32 $0x0;
	s21 =	sshll.u32 s5, $0x1;
	s5 =	sadd.s32 s22, s3  }
0x15: {  	[timem:s7], [sflag:s23] =	dma.local [hbm:s5], s21  }
0x16: {  	_ =	swait.ge [sflag:s23], s21  }
0x17: {  	s4 =	ssub.s32 $0x0, s21;
	[sflag:s23] =	ssyncset.done $0x0  }
0x18: {  	[sflag:s23] =	ssyncadd.s32 s4;
	_ =	sdelay $0x1  }
0x19: {  	s24 =	simm.s32 $0x1B8B  }
0x1a: {  	_ =	swait.ge [sflag:s24], $0x1  }
0x1b: {  	[sflag:s24] =	ssyncset.done $0x0  }
0x1c: {  	s26 =	simm.s32 $0x1B8E;
	s25 =	sld [smem:$0x3FFE];
	[sflag:s24] =	ssyncadd.s32 $0xFFFFFFFF  }
0x1d: {  	s27 =	simm.s32 $execute0_lowered;
	[smem:$0x3FD2] =	sst s26  }
0x1e: {  	s5 =	sshll.u32 s27, $0x1;
	_ =	strace $0x8000004F;
	[dreg:$0x1] =	wrdreg $0xFFFFFFFF  }
0x1f: {  	s28 =	simm.s32 $_size_execute0_lowered;
	s3 =	sadd.s32 s3, s5;
	[dreg:$0x0] =	wrdreg $0x0  }
0x20: {  	s5 =	sshll.u32 s28, $0x1;
	[dreg:$0x2] =	wrdreg s3  }
0x21: {  	[dreg:$0x3] =	wrdreg s5  }
0x22: {  	[dreg:$0x4] =	wrdreg $0xC0  }
0x23: {  	_ =	task [dreg:s7], $0x5FFFF  }
0x24: {  	[dreg:$0x1] =	wrdreg $0xFFFFFFFF  }
0x25: {  	[dreg:$0x0] =	wrdreg $0x60  }
0x26: {  	[dreg:$0x2] =	wrdreg s2  }
0x27: {  	[dreg:$0x3] =	wrdreg s25  }
0x28: {  	[dreg:$0x4] =	wrdreg $0x9  }
0x29: {  	_ =	task.clear_ibuf [dreg:s7], $0x5FFFF;
	_ =	strace $0x9000004F  }
0x2a: {  	s29 =	simm.s32 $0x9;
	_ =	strace $0x80000051  }
0x2b: {  	_ =	swait.ge [sflag:s29], $0x1  }
0x2c: {  	[sflag:s29] =	ssyncadd.s32 $0xFFFFFFFF  }
0x2d: {  	_ =	strace $0x90000051  }
0x2e: {  	_ =	sfence  }
0x2f: {  	s30 =	sld [smem:$0x0];
	_ =	sdelay $0x2  }
0x30: {  	s31 =	sshll.u32 s1, $0xD;
	s1 =	sshrl.u32 s1, $0x2  }
0x31: {  	s3 =	sand.u32 $0x4000, s31;
	s1 =	sadd.s32 s1, s30  }
0x32: {  	s0 =	sor.u32 s3, s0;
	s1 =	sshll.u32 s1, $0x11  }
0x33: {  	s0 =	sor.u32 s1, s0  }
0x34: {  	s0 =	sadd.s32 $0x8F2B, s0  }
0x35: {  	[sflag:s0] =	ssyncadd.remote.s32 $0x1  }
0x36: {  	_ =	sfence.sel $0xFFFF  }
0x37: {  	[dreg:$0x0] =	wrdreg $0xFFFFFFFF;
	(pc) =	sbr.abs _section_cstart, $3  }
0x38: {  	[dreg:$0x1] =	wrdreg $0xFFFFFFFF  }
0x39: {  	_ =	task.clear_ibuf [dreg:s7], $0x2FFFF;
	_ =	strace $0x9FFFFFFF  }
0x3a: {  	(tm) =	ssettm $0x7FFFFFFF  }
0x3b: {  	_ =	shalt  }
tec
execute0_lowered:
.L_overlay_start_1:
0x0: {  	(tag) =	ssettag $0x1  }
0x1: {  	s1 =	srdreg.scid;
	s2 =	rddreg [dreg:$0x0]  }
0x2: {  	s0 =	stileid.u32;
	s6 =	rddreg [dreg:$0x1]  }
0x3: {  	s31 =	simm.s32 $0x2;
	s15 =	simm.s32 $0x0;
	s1 =	sshll.u32 s1, $0x4  }
0x4: {  	s10 =	simm.s32 $0x1000;
	s16 =	simm.s32 $0x0;
	s1 =	sor.u32 s0, s1  }
0x5: {  	s17 =	simm.s32 $0x0;
	s3 =	sand.u32 $0x1, s0;
	s1 =	sand.u32 $0x1E, s1  }
0x6: {  	s11 =	simm.s32 $0x0;
	s5 =	ssub.s32 $0x2, s3;
	s4 =	ssub.s32 $0x40, s1  }
0x7: {  	s14 =	simm.s32 $0x0;
	s8 =	sshrl.u32 s5, $0x1;
	s7 =	sand.u32 $0x1E, s4  }
0x8: {  	s5 =	sand.u32 $0x1, s5;
	p0 =	sne.s32 s7, $0x0;
	s7 =	simm.s32 $0x1  }
0x9: {  	s8 =	sadd.s32 s5, s8;
	s9 =	sshrl.u32 s4, $0x5;
	s7 =	simm.s32 @!p0 $0x0  }
.Ltmp0:
0xa: {  	s5 =	simm.s32 $0x1;
	s7 =	sadd.s32 s7, s9;
	(pc) =	sbr.rel .LBB1_1-.Ltmp0, $4  }
0xb: {  	s4 =	rddreg [dreg:$0x2];
	_ =	strace $0x80000050;
	s7 =	smul.u32 s7, s8  }
0xc: {  	s6 =	sadd.s32 $0x1600, s6;
	s13 =	smov.u32 s3;
	[sflag:s5] =	ssyncpa.u1 $0x0  }
0xd: {  	s12 =	smov.u32 s1;
	[sflag:s31] =	ssyncpa.u1 $0x0;
	s7 =	sshll.u32 s7, $0x5  }
0xe: {  	p0 =	por $0x0, $0x0;
	s9 =	simm.s32 $0x40;
	s8 =	sor.u32 $0x1, s7  }
.LBB1_7:
0xf: {  	s18 =	sadd.s32 $0x1, s11  }
0x10: {  	s15 =	sadd.s32 $0x20, s12;
	s19 =	smov.u32 s12;
	p2 =	sgt.s32 s18, $0x1F  }
0x11: {  	s19 =	smov.u32 @p2 s15  }
0x12: {  	s21 =	smov.u32 s13;
	s15 =	sadd.s32 $0x2, s13;
	p3 =	sgt.s32 s19, $0x3F  }
0x13: {  	s21 =	smov.u32 @p3 s15  }
0x14: {  	s18 =	simm.s32 @p2 $0x0;
	p2 =	sgt.s32 s21, $0x1  }
0x15: {  	p1 =	slt.u32 s14, $0x2;
	s21 =	smov.u32 @p2 s3;
	p2 =	sne.s32 s14, s8  }
.Ltmp1:
0x16: {  	s20 =	simm.s32 @!p1 $0x2;
	(pc) =	sbr.rel @!p2 .LBB1_8-.Ltmp1, $4  }
0x17: {  	s16 =	smov.u32 s12;
	s17 =	smov.u32 s13;
	_ =	swait.ge @!p1 [sflag:s20], $0x4000  }
0x18: {  	p0 =	por !p0, !p0;
	[sflag:s20] =	ssyncset.done @!p1 $0x0;
	s19 =	smov.u32 @p3 s1  }
0x19: {  	s15 =	smov.u32 s11;
	[sflag:s20] =	ssyncadd.s32 @!p1 $0xFFFFC000;
	s11 =	smov.u32 s18  }
0x1a: {  	s12 =	smov.u32 s19;
	s14 =	sadd.s32 $0x1, s14;
	s13 =	smov.u32 s21  }
.LBB1_1:
0x1b: {  	p1 =	sge.u32 s14, s7  }
0x1c: {  	s31 =	sadd.s32 $0xFFFFFFFF, s14;
	s18 =	sxor.u32 @!p1 $0xFFFFFFFF, s14;
	s19 =	sshll.u32 @!p1 s13, $0x15  }
0x1d: {  	s20 =	sshll.u32 @!p1 s12, $0xF;
	s18 =	sshll.u32 @!p1 s18, $0xE;
	s19 =	sadd.s32 @!p1 s2, s19  }
0x1e: {  	s21 =	sshll.u32 @!p1 s11, $0xA;
	s18 =	sand.u32 @!p1 $0x4000, s18;
	s19 =	sadd.s32 @!p1 s20, s19  }
0x1f: {  	s20 =	simm.s32 @!p1 $0x2000;
	s19 =	sadd.s32 @!p1 s21, s19;
	s21 =	simm.s32 @!p1 $0x40000  }
0x20: {  	[tilespmem:s18], [sflag:$0x1] =	stream.strided.gather @!p1 [hbm4b:s19+s20], $0x4000, s21, s20, $0x38;
	[tilespmem:$0x10200] =	vst v63  }
0x21: {  	p1 =	sge.u32 s31, s7  }
.Ltmp2:
0x22: {  	_ = 	snop;
	(pc) =	sbr.rel @p1 .LBB1_7-.Ltmp2, $1  }
0x23: {  	_ =	sdelay $0x3  }
0x24: {  	s18 =	simm.s32 $0x1;
	s20 =	sand.u32 $0x1, s14  }
0x25: {  	_ =	swait.ge [sflag:s5], $0x4000;
	s18 =	simm.s32 @!p0 $0x0;
	s20 =	smul.u32 $0x10400, s20  }
0x26: {  	p2 =	por $0x1, $0x1;
	[sflag:s5] =	ssyncset.done $0x0;
	s19 =	smul.u32 $0x10400, s18  }
0x27: {  	s21 =	sshll.u32 s18, $0x10;
	[sflag:s5] =	ssyncadd.s32 $0xFFFFC000;
	s30 =	sshrl.u32 s20, $0x2  }
0x28: {  	s31 =	sshrl.u32 s21, $0x2;
	s21 =	simm.s32 $0x0;
	s19 =	sshrl.u32 s19, $0x2  }
0x29: {  	s18 =	sor.u32 $0x8000, s30;
	s20 =	sadd.s32 $0x40, s31;
	s19 =	sor.u32 $0x8000, s19  }
.LBB1_3:
0x2a: {  	s22 =	sshll.u32 s21, $0xD  }
0x2b: {  	s22 =	sand.u32 $0x3FFFE000, s22  }
0x2c: {  	s23 =	sadd.s32 s22, s20  }
0x2d: {  	s31 =	smul.u32 $0x8200, s21;
	v0 =	vld [tilespmem:s23+$0x30]  }
0x2e: {  	v1 =	vld [tilespmem:s23+$0xFFFFFFD0]  }
0x2f: {  	s21 =	sshra.s32 s31, $0x2;
	v5 =	vld [tilespmem:s23+$0xFFFFFFE0]  }
0x30: {  	s21 =	sadd.s32 s21, s19;
	v6 =	vld [tilespmem:s23+$0xFFFFFFF0]  }
0x31: {  	v2 =	vld [tilespmem:s23+$0x0];
	s22 =	sadd.s32 $0x0, s21  }
0x32: {  	v3 =	vld [tilespmem:s23+$0x10];
	[tilespmem:s22+$0x1C70 ss:$0x41] =	vst.msk $0xffff, v0  }
0x33: {  	v4 =	vld [tilespmem:s23+$0x20];
	[tilespmem:s22+$0x410 ss:$0x41] =	vst.msk $0xffff, v1  }
0x34: {  	v0 =	vld [tilespmem:s23+$0xFFFFFFC0];
	[tilespmem:s22+$0x820 ss:$0x41] =	vst.msk $0xffff, v5;
	s23 =	sadd.s32 $0x80, s23  }
0x35: {  	p1 =	por p2, p2;
	s24 =	simm.s32 $0x4;
	s25 =	simm.s32 $0x8;
	[tilespmem:s22+$0xC30 ss:$0x41] =	vst.msk $0xffff, v6;
	v1 =	vld [tilespmem:s23+$0x30]  }
.LBB1_4:
0x36: {  	p2 =	sne.s32 s25, $0xFC;
	v5 =	vld [tilespmem:s23+$0xFFFFFFD0];
	[tilespmem:s22+$0x1040 ss:$0x41] =	vst.msk $0xffff, v2  }
0x37: {  	v6 =	vld [tilespmem:s23+$0xFFFFFFE0];
	[tilespmem:s22+$0x1450 ss:$0x41] =	vst.msk $0xffff, v3  }
0x38: {  	s26 =	sshra.s32 s24, $0x2;
	s24 =	smov.u32 s25;
	v7 =	vld [tilespmem:s23+$0xFFFFFFF0];
	[tilespmem:s22+$0x1860 ss:$0x41] =	vst.msk $0xffff, v4  }
.Ltmp3:
0x39: {  	v2 =	vld [tilespmem:s23+$0x0];
	[tilespmem:s22+$0x0 ss:$0x41] =	vst.msk $0xffff, v0;
	s22 =	sadd.s32 s26, s21;
	(pc) =	sbr.rel @p2 .LBB1_4-.Ltmp3, $4  }
0x3a: {  	v3 =	vld [tilespmem:s23+$0x10];
	[tilespmem:s22+$0x1C70 ss:$0x41] =	vst.msk $0xffff, v1  }
0x3b: {  	[tilespmem:s22+$0x410 ss:$0x41] =	vst.msk $0xffff, v5;
	v4 =	vld [tilespmem:s23+$0x20]  }
0x3c: {  	v0 =	vld [tilespmem:s23+$0xFFFFFFC0];
	[tilespmem:s22+$0x820 ss:$0x41] =	vst.msk $0xffff, v6;
	s23 =	sadd.s32 $0x80, s23  }
0x3d: {  	s25 =	sadd.s32 $0x4, s25;
	v1 =	vld [tilespmem:s23+$0x30];
	[tilespmem:s22+$0xC30 ss:$0x41] =	vst.msk $0xffff, v7  }
0x3e: {  	v5 =	vld [tilespmem:s23+$0xFFFFFFD0];
	[tilespmem:s22+$0x1040 ss:$0x41] =	vst.msk $0xffff, v2  }
0x3f: {  	v58 =	vld [tilespmem:s23+$0xFFFFFFE0];
	[tilespmem:s22+$0x1450 ss:$0x41] =	vst.msk $0xffff, v3  }
0x40: {  	s24 =	sshra.s32 s24, $0x2;
	v59 =	vld [tilespmem:s23+$0xFFFFFFF0];
	[tilespmem:s22+$0x1860 ss:$0x41] =	vst.msk $0xffff, v4  }
0x41: {  	v60 =	vld [tilespmem:s23+$0x0];
	s21 =	sadd.s32 s24, s21;
	[tilespmem:s22+$0x0 ss:$0x41] =	vst.msk $0xffff, v0  }
0x42: {  	v61 =	vld [tilespmem:s23+$0x10];
	[tilespmem:s21+$0x1C70 ss:$0x41] =	vst.msk $0xffff, v1  }
0x43: {  	v62 =	vld [tilespmem:s23+$0x20];
	[tilespmem:s21+$0x410 ss:$0x41] =	vst.msk $0xffff, v5  }
0x44: {  	v63 =	vld [tilespmem:s23+$0xFFFFFFC0];
	[tilespmem:s21+$0x820 ss:$0x41] =	vst.msk $0xffff, v58  }
.Ltmp4:
0x45: {  	[tilespmem:s21+$0xC30 ss:$0x41] =	vst.msk $0xffff, v59;
	(pc) =	sbr.rel @p1 .LBB1_3-.Ltmp4, $4  }
0x46: {  	[tilespmem:s21+$0x1040 ss:$0x41] =	vst.msk $0xffff, v60  }
0x47: {  	[tilespmem:s21+$0x1450 ss:$0x41] =	vst.msk $0xffff, v61  }
0x48: {  	[tilespmem:s21+$0x1860 ss:$0x41] =	vst.msk $0xffff, v62  }
0x49: {  	p2 =	por $0x0, $0x0;
	[tilespmem:s21+$0x0 ss:$0x41] =	vst.msk $0xffff, v63;
	s21 =	simm.s32 $0x1  }
.Ltmp5:
0x4a: {  	s17 =	sshll.u32 s17, $0x16;
	(pc) =	sbr.rel .LBB1_7-.Ltmp5, $4  }
0x4b: {  	s16 =	sshll.u32 s16, $0x10;
	s15 =	sshll.u32 s15, $0x4;
	s17 =	sadd.s32 s6, s17  }
0x4c: {  	s15 =	sand.u32 $0x1F0, s15;
	s16 =	sadd.s32 s16, s17  }
0x4d: {  	s15 =	sadd.s32 s15, s16  }
0x4e: {  	[hbm4b:s15+s9] =	stream.strided.scatter [tilespmem:s18], [sflag:$0x2], $0x4000, s10, s9, $0x18;
	[tilespmem:$0x10200] =	vst v63  }
.LBB1_8:
0x4f: {  	_ =	sfence.sel $0x180000  }
0x50: {  	s1 =	simm.s32 $0x1;
	[bflag:$0x0] =	sbarrier.arrive $0xFFFF  }
0x51: {  	s31 =	simm.s32 $0x2;
	[sflag:s1] =	ssyncpa.u1 $0x1  }
0x52: {  	[sflag:s31] =	ssyncpa.u1 $0x1  }
0x53: {  	p0 =	sne.s32 s0, $0x0;
	_ =	strace $0x90000050  }
0x54: {  	s0 =	sadd.s32 @!p0 $0x100000, s4;
	[bflag:$0x2] =	sbarrier.arrive $0xFFFF  }
0x55: {  	[sflag:s0] =	ssyncadd.tile.s32 @!p0 $0x1;
	_ =	shalt  }
.Lfunc_end1:
_tile_overlayer_lowered:
.L_overlay_start_2:
0x56: {  	(tag) =	ssettag $0x2  }
0x57: {  	s0 =	rddreg [dreg:$0x0];
	s2 =	stileid.u32  }
0x58: {  	s1 =	rddreg [dreg:$0x1];
	p0 =	sne.s32 s2, $0x0  }
0x59: {  	s3 =	rddreg [dreg:$0x2];
	[bflag:$0x3] =	sbarrier.arrive $0xFFFF;
	s2 =	simm.s32 @!p0 $0x1C01  }
0x5a: {  	[timem:s3], [sflag:s2] =	dma.local @!p0 [hbm:s0], s1  }
0x5b: {  	s0 =	simm.s32 @!p0 $0x1  }
0x5c: {  	_ =	swait.ge @!p0 [sflag:s0], s1  }
0x5d: {  	s1 =	ssub.s32 @!p0 $0x0, s1;
	[sflag:s0] =	ssyncset.done @!p0 $0x0  }
0x5e: {  	[sflag:s0] =	ssyncadd.s32 @!p0 s1  }
0x5f: {  	[bflag:$0x3] =	sbarrier.arrive $0xFFFF  }
0x60: {  	_ =	shalt  }

// kernel: sparse-core-data-format-call.2.cloned.1.call-start
scs
called_computation.2_lowered:
.L_overlay_start_0:
0x0: {  	s1 =	sld [smem:$0x3FD9]  }
0x1: {  	s2 =	sld [smem:$0x3FFE];
	_ =	sdelay $0x1  }
0x2: {  	s3 =	srdreg.scid  }
0x3: {  	s0 =	sand.u32 $0x1, s3  }
0x4: {  	s17 =	sshll.u32 s0, $0xA;
	s1 =	sadd.s32 s2, s1  }
0x5: {  	s1 =	sadd.s32 s1, s17  }
0x6: {  	[smem:$0x3FC6] =	sst s1  }
0x7: {  	_ = 	snop  }
0x8: {  	(tm) =	ssettm $0x1  }
0x9: {  	s18 =	sld [smem:$0x3FFB];
	_ =	sdelay $0x3  }
0xa: {  	_ =	strace s18  }
0xb: {  	s1 =	sld [smem:$0x3FFC];
	_ =	sdelay $0x3  }
0xc: {  	_ =	strace s1  }
0xd: {  	s1 =	sld [smem:$0x3FFD];
	_ =	sdelay $0x3  }
0xe: {  	_ =	strace s1  }
0xf: {  	_ =	strace $0x8FFFFFFF  }
0x10: {  	s19 =	sld [smem:$0x3FDB];
	_ =	sdelay $0x1  }
0x11: {  	s20 =	simm.s32 $_scs_section_size  }
0x12: {  	s4 =	simm.s32 $_size__tile_overlayer_lowered;
	s5 =	simm.s32 $_tile_overlayer_lowered  }
0x13: {  	s23 =	simm.s32 $0x1BFF;
	s22 =	sshll.u32 s5, $0x1;
	s1 =	sadd.s32 s20, s19  }
0x14: {  	s6 =	simm.s32 $0x0;
	s21 =	sshll.u32 s4, $0x1;
	s4 =	sadd.s32 s22, s1  }
0x15: {  	[timem:s6], [sflag:s23] =	dma.local [hbm:s4], s21  }
0x16: {  	_ =	swait.ge [sflag:s23], s21  }
0x17: {  	s2 =	ssub.s32 $0x0, s21;
	[sflag:s23] =	ssyncset.done $0x0  }
0x18: {  	[sflag:s23] =	ssyncadd.s32 s2;
	_ =	sdelay $0x1  }
0x19: {  	s24 =	simm.s32 $0x1B8B  }
0x1a: {  	_ =	swait.ge [sflag:s24], $0x1  }
0x1b: {  	[sflag:s24] =	ssyncset.done $0x0  }
0x1c: {  	s26 =	simm.s32 $0x1B8E;
	s25 =	sld [smem:$0x3FFE];
	[sflag:s24] =	ssyncadd.s32 $0xFFFFFFFF  }
0x1d: {  	s27 =	simm.s32 $execute0_lowered;
	[smem:$0x3FD2] =	sst s26  }
0x1e: {  	s4 =	sshll.u32 s27, $0x1;
	_ =	strace $0x80000049;
	[dreg:$0x1] =	wrdreg $0xFFFFFFFF  }
0x1f: {  	s28 =	simm.s32 $_size_execute0_lowered;
	s1 =	sadd.s32 s1, s4;
	[dreg:$0x0] =	wrdreg $0x0  }
0x20: {  	s4 =	sshll.u32 s28, $0x1;
	[dreg:$0x2] =	wrdreg s1  }
0x21: {  	[dreg:$0x3] =	wrdreg s4  }
0x22: {  	[dreg:$0x4] =	wrdreg $0xC0  }
0x23: {  	_ =	task [dreg:s6], $0x5FFFF  }
0x24: {  	[dreg:$0x1] =	wrdreg $0xFFFFFFFF  }
0x25: {  	[dreg:$0x0] =	wrdreg $0x60  }
0x26: {  	[dreg:$0x2] =	wrdreg s25  }
0x27: {  	[dreg:$0x3] =	wrdreg $0x9  }
0x28: {  	_ =	task.clear_ibuf [dreg:s6], $0x4FFFF;
	_ =	strace $0x90000049  }
0x29: {  	s29 =	simm.s32 $0x9;
	_ =	strace $0x8000004B  }
0x2a: {  	_ =	swait.ge [sflag:s29], $0x1  }
0x2b: {  	[sflag:s29] =	ssyncadd.s32 $0xFFFFFFFF  }
0x2c: {  	_ =	strace $0x9000004B  }
0x2d: {  	_ =	sfence  }
0x2e: {  	s30 =	sld [smem:$0x0];
	_ =	sdelay $0x2  }
0x2f: {  	s31 =	sshll.u32 s3, $0xD;
	s3 =	sshrl.u32 s3, $0x2  }
0x30: {  	s2 =	sand.u32 $0x4000, s31;
	s1 =	sadd.s32 s3, s30  }
0x31: {  	s0 =	sor.u32 s2, s0;
	s1 =	sshll.u32 s1, $0x11  }
0x32: {  	s0 =	sor.u32 s1, s0  }
0x33: {  	s0 =	sadd.s32 $0x8F2B, s0  }
0x34: {  	[sflag:s0] =	ssyncadd.remote.s32 $0x1  }
0x35: {  	_ =	sfence.sel $0xFFFF  }
0x36: {  	[dreg:$0x0] =	wrdreg $0xFFFFFFFF;
	(pc) =	sbr.abs _section_cstart, $3  }
0x37: {  	[dreg:$0x1] =	wrdreg $0xFFFFFFFF  }
0x38: {  	_ =	task.clear_ibuf [dreg:s6], $0x2FFFF;
	_ =	strace $0x9FFFFFFF  }
0x39: {  	(tm) =	ssettm $0x7FFFFFFF  }
tec
execute0_lowered:
.L_overlay_start_1:
0x0: {  	(tag) =	ssettag $0x1  }
0x1: {  	s0 =	srdreg.scid  }
0x2: {  	s1 =	sshll.u32 s0, $0x4  }
0x3: {  	s4 =	rddreg [dreg:$0x0];
	s0 =	stileid.u32;
	s1 =	sand.u32 $0x10, s1  }
0x4: {  	s7 =	simm.s32 $0x1;
	s8 =	simm.s32 $0x2;
	s1 =	sor.u32 s0, s1  }
0x5: {  	s9 =	simm.s32 $0x0;
	s12 =	simm.s32 $0x0;
	s2 =	sshll.u32 s1, $0x2  }
0x6: {  	s11 =	simm.s32 $0x0;
	s3 =	sadd.s32 $0x1600, s4;
	s6 =	ssub.s32 $0x1800, s2  }
.Ltmp0:
0x7: {  	s4 =	sadd.s32 $0x301600, s4;
	s5 =	sand.u32 $0x7C, s6;
	(pc) =	sbr.rel .LBB1_1-.Ltmp0, $4  }
0x8: {  	s1 =	rddreg [dreg:$0x1];
	_ =	strace $0x8000004A;
	p0 =	sne.s32 s5, $0x0  }
0x9: {  	s6 =	sshrl.u32 s6, $0x7;
	s5 =	simm.s32 $0x1;
	s7 =	simm.s32 @!p0 $0x0  }
0xa: {  	s10 =	smov.u32 s2;
	[sflag:s5] =	ssyncpa.u1 $0x0;
	s6 =	sadd.s32 s7, s6  }
0xb: {  	[sflag:s8] =	ssyncpa.u1 $0x0;
	s8 =	simm.s32 $0x0;
	s7 =	sadd.s32 $0x1, s6  }
.LBB1_9:
0xc: {  	s14 =	sadd.s32 $0x80, s10  }
0xd: {  	p1 =	sgt.s32 s14, $0x17FF  }
0xe: {  	s14 =	smov.u32 @p1 s2;
	p1 =	sne.s32 s11, s7  }
.Ltmp1:
0xf: {  	p0 =	slt.u32 s11, $0x2;
	(pc) =	sbr.rel @!p1 .LBB1_10-.Ltmp1, $4  }
0x10: {  	s13 =	simm.s32 @!p0 $0x2  }
0x11: {  	s15 =	sadd.s32 $0x1, s11;
	_ =	swait.ge @!p0 [sflag:s13], $0x4000  }
0x12: {  	s12 =	smov.u32 s10;
	s9 =	sadd.s32 $0x4000, s9;
	[sflag:s13] =	ssyncset.done @!p0 $0x0  }
0x13: {  	s11 =	smov.u32 s15;
	s10 =	smov.u32 s14;
	[sflag:s13] =	ssyncadd.s32 @!p0 $0xFFFFC000  }
.LBB1_1:
0x14: {  	p0 =	sge.u32 s11, s6  }
0x15: {  	s13 =	sxor.u32 @!p0 $0xFFFFFFFF, s11  }
0x16: {  	s31 =	sadd.s32 $0xFFFFFFFF, s11;
	s14 =	sshll.u32 @!p0 s10, $0x9;
	s13 =	sshll.u32 @!p0 s13, $0xE  }
0x17: {  	s15 =	simm.s32 @!p0 $0x0;
	s14 =	sadd.s32 @!p0 s3, s14;
	s13 =	sand.u32 @!p0 $0x4000, s13  }
0x18: {  	[tilespmem:s13], [sflag:$0x1] =	stream.linear.gather @!p0 [hbm4b:s14+s15], $0x4000, $0x38;
	[tilespmem:$0x10000] =	vst v63  }
0x19: {  	p0 =	sge.u32 s31, s6  }
.Ltmp2:
0x1a: {  	_ = 	snop;
	(pc) =	sbr.rel @p0 .LBB1_9-.Ltmp2, $1  }
0x1b: {  	_ =	sdelay $0x3  }
0x1c: {  	s14 =	sand.u32 $0x4000, s9  }
0x1d: {  	_ =	swait.ge [sflag:s5], $0x4000;
	s15 =	sshll.u32 s11, $0xE;
	s16 =	simm.s32 $0x0  }
0x1e: {  	s13 =	sor.u32 $0x40, s14;
	[sflag:s5] =	ssyncset.done $0x0;
	s15 =	sand.u32 $0x4000, s15  }
0x1f: {  	s14 =	sor.u32 $0x8040, s14;
	[sflag:s5] =	ssyncadd.s32 $0xFFFFC000;
	s15 =	sor.u32 $0x8000, s15  }
.LBB1_3:
0x20: {  	s17 =	smov.u32 s14;
	s18 =	smov.u32 s13;
	s19 =	simm.s32 $0x0  }
.LBB1_4:
0x21: {  	v0 =	vmov s17;
	v2 =	vld [tilespmem:s18+$0x30]  }
0x22: {  	v4 =	vld [tilespmem:s18+$0xFFFFFFD0]  }
0x23: {  	v6 =	vld [tilespmem:s18+$0xFFFFFFE0]  }
0x24: {  	v7 =	vld [tilespmem:s18+$0xFFFFFFF0]  }
0x25: {  	s20 =	simm.s32 $0x0;
	v1 =	vld [tilespmem:s18+$0x0]  }
0x26: {  	v3 =	vld [tilespmem:s18+$0x10];
	[tilespmem:v0+s20+$0x30 ss:$0x1] =	vst.idx.msk $0xffff, v2  }
0x27: {  	v5 =	vld [tilespmem:s18+$0x20];
	[tilespmem:v0+s20+$0xFFFFFFD0 ss:$0x1] =	vst.idx.msk $0xffff, v4  }
0x28: {  	s21 =	sadd.s32 $0x80, s18;
	v2 =	vld [tilespmem:s18+$0xFFFFFFC0];
	[tilespmem:v0+s20+$0xFFFFFFE0 ss:$0x1] =	vst.idx.msk $0xffff, v6  }
0x29: {  	s22 =	simm.s32 $0x800;
	s23 =	simm.s32 $0x1000;
	v4 =	vld [tilespmem:s21+$0x30];
	[tilespmem:v0+s20+$0xFFFFFFF0 ss:$0x1] =	vst.idx.msk $0xffff, v7  }
.LBB1_5:
0x2a: {  	p0 =	sne.s32 s23, $0x3800;
	v6 =	vld [tilespmem:s21+$0xFFFFFFD0];
	[tilespmem:v0+s20+$0x0 ss:$0x1] =	vst.idx.msk $0xffff, v1  }
0x2b: {  	v7 =	vld [tilespmem:s21+$0xFFFFFFE0];
	[tilespmem:v0+s20+$0x10 ss:$0x1] =	vst.idx.msk $0xffff, v3  }
0x2c: {  	v8 =	vld [tilespmem:s21+$0xFFFFFFF0];
	[tilespmem:v0+s20+$0x20 ss:$0x1] =	vst.idx.msk $0xffff, v5  }
.Ltmp3:
0x2d: {  	v1 =	vld [tilespmem:s21+$0x0];
	[tilespmem:v0+s20+$0xFFFFFFC0 ss:$0x1] =	vst.idx.msk $0xffff, v2;
	s20 =	sshra.s32 s22, $0x2;
	s22 =	smov.u32 s23;
	(pc) =	sbr.rel @p0 .LBB1_5-.Ltmp3, $4  }
0x2e: {  	v3 =	vld [tilespmem:s21+$0x10];
	[tilespmem:v0+s20+$0x30 ss:$0x1] =	vst.idx.msk $0xffff, v4  }
0x2f: {  	[tilespmem:v0+s20+$0xFFFFFFD0 ss:$0x1] =	vst.idx.msk $0xffff, v6;
	v5 =	vld [tilespmem:s21+$0x20]  }
0x30: {  	v2 =	vld [tilespmem:s21+$0xFFFFFFC0];
	[tilespmem:v0+s20+$0xFFFFFFE0 ss:$0x1] =	vst.idx.msk $0xffff, v7;
	s21 =	sadd.s32 $0x80, s21  }
0x31: {  	s23 =	sadd.s32 $0x800, s23;
	v4 =	vld [tilespmem:s21+$0x30];
	[tilespmem:v0+s20+$0xFFFFFFF0 ss:$0x1] =	vst.idx.msk $0xffff, v8  }
0x32: {  	_ =	sdelay $0x3  }
0x33: {  	v6 =	vld [tilespmem:s21+$0xFFFFFFD0];
	[tilespmem:v0+s20+$0x0 ss:$0x1] =	vst.idx.msk $0xffff, v1  }
0x34: {  	v58 =	vld [tilespmem:s21+$0xFFFFFFE0];
	[tilespmem:v0+s20+$0x10 ss:$0x1] =	vst.idx.msk $0xffff, v3  }
0x35: {  	v59 =	vld [tilespmem:s21+$0xFFFFFFF0];
	[tilespmem:v0+s20+$0x20 ss:$0x1] =	vst.idx.msk $0xffff, v5  }
0x36: {  	s22 =	sshra.s32 s22, $0x2;
	v60 =	vld [tilespmem:s21+$0x0];
	[tilespmem:v0+s20+$0xFFFFFFC0 ss:$0x1] =	vst.idx.msk $0xffff, v2  }
0x37: {  	v61 =	vld [tilespmem:s21+$0x10];
	[tilespmem:v0+s22+$0x30 ss:$0x1] =	vst.idx.msk $0xffff, v4  }
0x38: {  	v62 =	vld [tilespmem:s21+$0x20];
	s19 =	sadd.s32 $0x1, s19;
	[tilespmem:v0+s22+$0xFFFFFFD0 ss:$0x1] =	vst.idx.msk $0xffff, v6  }
0x39: {  	v63 =	vld [tilespmem:s21+$0xFFFFFFC0];
	p0 =	sne.s32 s19, $0x4;
	[tilespmem:v0+s22+$0xFFFFFFE0 ss:$0x1] =	vst.idx.msk $0xffff, v58  }
.Ltmp4:
0x3a: {  	[tilespmem:v0+s22+$0xFFFFFFF0 ss:$0x1] =	vst.idx.msk $0xffff, v59;
	(pc) =	sbr.rel @p0 .LBB1_4-.Ltmp4, $4  }
0x3b: {  	[tilespmem:v0+s22+$0x0 ss:$0x1] =	vst.idx.msk $0xffff, v60  }
0x3c: {  	[tilespmem:v0+s22+$0x10 ss:$0x1] =	vst.idx.msk $0xffff, v61  }
0x3d: {  	[tilespmem:v0+s22+$0x20 ss:$0x1] =	vst.idx.msk $0xffff, v62  }
0x3e: {  	s18 =	sadd.s32 $0x400, s18;
	s17 =	sadd.s32 $0x80, s17;
	[tilespmem:v0+s22+$0xFFFFFFC0 ss:$0x1] =	vst.idx.msk $0xffff, v63  }
0x3f: {  	s16 =	sadd.s32 $0x1, s16  }
0x40: {  	p0 =	sne.s32 s16, $0x4  }
.Ltmp5:
0x41: {  	_ = 	snop;
	(pc) =	sbr.rel @p0 .LBB1_3-.Ltmp5, $2  }
0x42: {  	_ =	sdelay $0x2  }
0x43: {  	s13 =	sadd.s32 $0x1000, s13;
	s14 =	sadd.s32 $0x1000, s14  }
.Ltmp6:
0x44: {  	(pc) =	sbr.rel .LBB1_9-.Ltmp6, $4  }
0x45: {  	_ = 	snop  }
0x46: {  	s12 =	sshll.u32 s12, $0x9  }
0x47: {  	s12 =	sadd.s32 s4, s12  }
0x48: {  	[hbm4b:s12+s8] =	stream.linear.scatter [tilespmem:s15], [sflag:$0x2], $0x4000, $0x38;
	[tilespmem:$0x10000] =	vst v63  }
.LBB1_10:
0x49: {  	_ =	sfence.sel $0x180000  }
0x4a: {  	s2 =	simm.s32 $0x1;
	[bflag:$0x0] =	sbarrier.arrive $0xFFFF  }
0x4b: {  	s31 =	simm.s32 $0x2;
	[sflag:s2] =	ssyncpa.u1 $0x1  }
0x4c: {  	[sflag:s31] =	ssyncpa.u1 $0x1  }
0x4d: {  	p0 =	sne.s32 s0, $0x0;
	_ =	strace $0x9000004A  }
0x4e: {  	s0 =	sadd.s32 @!p0 $0x100000, s1;
	[bflag:$0x2] =	sbarrier.arrive $0xFFFF  }
0x4f: {  	[sflag:s0] =	ssyncadd.tile.s32 @!p0 $0x1;
	_ =	shalt  }
.Lfunc_end1:
_tile_overlayer_lowered:
.L_overlay_start_2:
0x50: {  	(tag) =	ssettag $0x2  }
0x51: {  	s0 =	rddreg [dreg:$0x0];
	s2 =	stileid.u32  }
0x52: {  	s1 =	rddreg [dreg:$0x1];
	p0 =	sne.s32 s2, $0x0  }
0x53: {  	s3 =	rddreg [dreg:$0x2];
	[bflag:$0x3] =	sbarrier.arrive $0xFFFF;
	s2 =	simm.s32 @!p0 $0x1C01  }
0x54: {  	[timem:s3], [sflag:s2] =	dma.local @!p0 [hbm:s0], s1  }
0x55: {  	s0 =	simm.s32 @!p0 $0x1  }
0x56: {  	_ =	swait.ge @!p0 [sflag:s0], s1  }
0x57: {  	s1 =	ssub.s32 @!p0 $0x0, s1;
	[sflag:s0] =	ssyncset.done @!p0 $0x0  }
0x58: {  	[sflag:s0] =	ssyncadd.s32 @!p0 s1  }
0x59: {  	[bflag:$0x3] =	sbarrier.arrive $0xFFFF  }
0x5a: {  	_ =	shalt  }

// kernel: sparse-core-data-format-call.3.cloned.1.call-start
scs
called_computation.3_lowered:
.L_overlay_start_0:
0x0: {  	s2 =	sld [smem:$0x3FD9]  }
0x1: {  	s3 =	sld [smem:$0x3FFE];
	_ =	sdelay $0x1  }
0x2: {  	s1 =	srdreg.scid  }
0x3: {  	s0 =	sand.u32 $0x1, s1  }
0x4: {  	s18 =	sshll.u32 s0, $0xA;
	s2 =	sadd.s32 s3, s2  }
0x5: {  	s2 =	sadd.s32 s2, s18  }
0x6: {  	[smem:$0x3FC6] =	sst s2  }
0x7: {  	_ = 	snop  }
0x8: {  	s2 =	sld [smem:$0x3FD0];
	(tm) =	ssettm $0x1  }
0x9: {  	s19 =	sld [smem:$0x3FFB];
	_ =	sdelay $0x3  }
0xa: {  	_ =	strace s19  }
0xb: {  	s3 =	sld [smem:$0x3FFC];
	_ =	sdelay $0x3  }
0xc: {  	_ =	strace s3  }
0xd: {  	s3 =	sld [smem:$0x3FFD];
	_ =	sdelay $0x3  }
0xe: {  	_ =	strace s3  }
0xf: {  	_ =	strace $0x8FFFFFFF  }
0x10: {  	s20 =	sld [smem:$0x3FDB];
	_ =	sdelay $0x1  }
0x11: {  	s4 =	simm.s32 $_scs_section_size  }
0x12: {  	s5 =	simm.s32 $_size__tile_overlayer_lowered;
	s6 =	simm.s32 $_tile_overlayer_lowered  }
0x13: {  	s23 =	simm.s32 $0x1BFF;
	s22 =	sshll.u32 s6, $0x1;
	s3 =	sadd.s32 s4, s20  }
0x14: {  	s7 =	simm.s32 $0x0;
	s21 =	sshll.u32 s5, $0x1;
	s5 =	sadd.s32 s22, s3  }
0x15: {  	[timem:s7], [sflag:s23] =	dma.local [hbm:s5], s21  }
0x16: {  	_ =	swait.ge [sflag:s23], s21  }
0x17: {  	s4 =	ssub.s32 $0x0, s21;
	[sflag:s23] =	ssyncset.done $0x0  }
0x18: {  	[sflag:s23] =	ssyncadd.s32 s4;
	_ =	sdelay $0x1  }
0x19: {  	s24 =	simm.s32 $0x1B8B  }
0x1a: {  	_ =	swait.ge [sflag:s24], $0x1  }
0x1b: {  	[sflag:s24] =	ssyncset.done $0x0  }
0x1c: {  	s26 =	simm.s32 $0x1B8E;
	s25 =	sld [smem:$0x3FFE];
	[sflag:s24] =	ssyncadd.s32 $0xFFFFFFFF  }
0x1d: {  	s27 =	simm.s32 $execute0_lowered;
	[smem:$0x3FD2] =	sst s26  }
0x1e: {  	s5 =	sshll.u32 s27, $0x1;
	_ =	strace $0x80000046;
	[dreg:$0x1] =	wrdreg $0xFFFFFFFF  }
0x1f: {  	s28 =	simm.s32 $_size_execute0_lowered;
	s3 =	sadd.s32 s3, s5;
	[dreg:$0x0] =	wrdreg $0x0  }
0x20: {  	s5 =	sshll.u32 s28, $0x1;
	[dreg:$0x2] =	wrdreg s3  }
0x21: {  	[dreg:$0x3] =	wrdreg s5  }
0x22: {  	[dreg:$0x4] =	wrdreg $0xC0  }
0x23: {  	_ =	task [dreg:s7], $0x5FFFF  }
0x24: {  	[dreg:$0x1] =	wrdreg $0xFFFFFFFF  }
0x25: {  	[dreg:$0x0] =	wrdreg $0x60  }
0x26: {  	[dreg:$0x2] =	wrdreg s2  }
0x27: {  	[dreg:$0x3] =	wrdreg s25  }
0x28: {  	[dreg:$0x4] =	wrdreg $0x9  }
0x29: {  	_ =	task.clear_ibuf [dreg:s7], $0x5FFFF;
	_ =	strace $0x90000046  }
0x2a: {  	s29 =	simm.s32 $0x9;
	_ =	strace $0x80000048  }
0x2b: {  	_ =	swait.ge [sflag:s29], $0x1  }
0x2c: {  	[sflag:s29] =	ssyncadd.s32 $0xFFFFFFFF  }
0x2d: {  	_ =	strace $0x90000048  }
0x2e: {  	_ =	sfence  }
0x2f: {  	s30 =	sld [smem:$0x0];
	_ =	sdelay $0x2  }
0x30: {  	s31 =	sshll.u32 s1, $0xD;
	s1 =	sshrl.u32 s1, $0x2  }
0x31: {  	s3 =	sand.u32 $0x4000, s31;
	s1 =	sadd.s32 s1, s30  }
0x32: {  	s0 =	sor.u32 s3, s0;
	s1 =	sshll.u32 s1, $0x11  }
0x33: {  	s0 =	sor.u32 s1, s0  }
0x34: {  	s0 =	sadd.s32 $0x8F2B, s0  }
0x35: {  	[sflag:s0] =	ssyncadd.remote.s32 $0x1  }
0x36: {  	_ =	sfence.sel $0xFFFF  }
0x37: {  	[dreg:$0x0] =	wrdreg $0xFFFFFFFF;
	(pc) =	sbr.abs _section_cstart, $3  }
0x38: {  	[dreg:$0x1] =	wrdreg $0xFFFFFFFF  }
0x39: {  	_ =	task.clear_ibuf [dreg:s7], $0x2FFFF;
	_ =	strace $0x9FFFFFFF  }
0x3a: {  	(tm) =	ssettm $0x7FFFFFFF  }
0x3b: {  	_ =	shalt  }
tec
execute0_lowered:
.L_overlay_start_1:
0x0: {  	(tag) =	ssettag $0x1  }
0x1: {  	s0 =	stileid.u32;
	s1 =	rddreg [dreg:$0x0]  }
0x2: {  	s7 =	rddreg [dreg:$0x1];
	s5 =	srdreg.scid;
	s31 =	simm.s32 $0x2  }
0x3: {  	s18 =	simm.s32 $0x0;
	s10 =	simm.s32 $0x1000;
	s2 =	sshll.u32 s0, $0x6  }
0x4: {  	s17 =	simm.s32 $0x0;
	s16 =	simm.s32 $0x0;
	s2 =	sand.u32 $0x180, s2  }
0x5: {  	s19 =	simm.s32 $0x0;
	s3 =	sand.u32 $0x1, s0;
	s4 =	ssub.s32 $0x200, s2  }
0x6: {  	s11 =	simm.s32 $0x0;
	s6 =	ssub.s32 $0x2, s3;
	s8 =	sand.u32 $0x180, s4  }
0x7: {  	s9 =	sshrl.u32 s6, $0x1;
	p0 =	sne.s32 s8, $0x0;
	s8 =	simm.s32 $0x1  }
0x8: {  	s6 =	sand.u32 $0x1, s6;
	s4 =	sshrl.u32 s4, $0x9;
	s8 =	simm.s32 @!p0 $0x0  }
0x9: {  	s15 =	simm.s32 $0x0;
	s6 =	sadd.s32 s6, s9;
	s8 =	sadd.s32 s8, s4  }
0xa: {  	s5 =	sshll.u32 s5, $0x4;
	s7 =	sadd.s32 $0x1600, s7;
	s6 =	smul.u32 s8, s6  }
.Ltmp0:
0xb: {  	s5 =	sand.u32 $0x10, s5;
	s14 =	smov.u32 s3;
	(pc) =	sbr.rel .LBB1_1-.Ltmp0, $4  }
0xc: {  	s30 =	sor.u32 s0, s5;
	s5 =	simm.s32 $0x1;
	s13 =	smov.u32 s2  }
0xd: {  	s4 =	rddreg [dreg:$0x2];
	_ =	strace $0x80000047;
	s6 =	smul.u32 $0x30, s6  }
0xe: {  	p0 =	por $0x0, $0x0;
	[sflag:s5] =	ssyncpa.u1 $0x0;
	s8 =	sshrl.u32 s30, $0x3  }
0xf: {  	[sflag:s31] =	ssyncpa.u1 $0x0;
	s12 =	smov.u32 s8;
	s9 =	sor.u32 $0x1, s6  }
.LBB1_4:
0x10: {  	v5 =	vld [tilespmem:s21+$0xFFFFFFD0];
	[tilespmem:s23+$0x2040 ss:$0x81] =	vst.msk $0xffff, v2  }
0x11: {  	v58 =	vld [tilespmem:s21+$0xFFFFFFE0];
	[tilespmem:s23+$0x2850 ss:$0x81] =	vst.msk $0xffff, v3  }
0x12: {  	s24 =	sshra.s32 s24, $0x2;
	v59 =	vld [tilespmem:s21+$0xFFFFFFF0];
	[tilespmem:s23+$0x3060 ss:$0x81] =	vst.msk $0xffff, v4  }
0x13: {  	v60 =	vld [tilespmem:s21+$0x0];
	[tilespmem:s23+$0x0 ss:$0x81] =	vst.msk $0xffff, v0;
	s22 =	sadd.s32 s24, s22  }
0x14: {  	s25 =	sshll.u32 s18, $0x9;
	s26 =	sshll.u32 s16, $0x3;
	v61 =	vld [tilespmem:s21+$0x10];
	s27 =	sand.u32 $0x78, s16;
	[tilespmem:s22+$0x3870 ss:$0x81] =	vst.msk $0xffff, v1  }
0x15: {  	v62 =	vld [tilespmem:s21+$0x20];
	s28 =	sshll.u32 s18, $0x7;
	s19 =	smul.u32 $0x180000, s19;
	s17 =	sshll.u32 s17, $0xE;
	[tilespmem:s22+$0x810 ss:$0x81] =	vst.msk $0xffff, v5  }
0x16: {  	v63 =	vld [tilespmem:s21+$0xFFFFFFC0];
	s30 =	sand.u32 $0x7, s16;
	s23 =	sand.u32 $0x1F000, s25;
	s24 =	sand.u32 $0x1FC00, s26;
	[tilespmem:s22+$0x1020 ss:$0x81] =	vst.msk $0xffff, v58  }
0x17: {  	s29 =	sand.u32 $0x200, s28;
	s18 =	sand.u32 $0x180, s28;
	s23 =	sadd.s32 s24, s23;
	[tilespmem:s22+$0x1830 ss:$0x81] =	vst.msk $0xffff, v59  }
0x18: {  	s18 =	sor.u32 s27, s18;
	s19 =	sadd.s32 s7, s19;
	s21 =	sor.u32 s29, s23;
	[tilespmem:s22+$0x2040 ss:$0x81] =	vst.msk $0xffff, v60  }
0x19: {  	s18 =	sshrl.u32 s18, $0x3;
	s17 =	sadd.s32 s17, s19;
	s21 =	sshrl.u32 s21, $0x3;
	[tilespmem:s22+$0x2850 ss:$0x81] =	vst.msk $0xffff, v61  }
0x1a: {  	s16 =	sshll.u32 s30, $0x12;
	s17 =	sadd.s32 s18, s17;
	[tilespmem:s22+$0x3060 ss:$0x81] =	vst.msk $0xffff, v62;
	s31 =	sand.u32 $0x3FC0, s21  }
0x1b: {  	s16 =	sor.u32 $0x400, s16;
	[tilespmem:s22+$0x0 ss:$0x81] =	vst.msk $0xffff, v63;
	s17 =	sadd.s32 s31, s17  }
0x1c: {  	[hbm4b:s17+s16] =	stream.strided.scatter [tilespmem:s20], [sflag:$0x2], $0x4000, s10, s16, $0x20;
	[tilespmem:$0x10100] =	vst v63  }
.LBB1_5:
0x1d: {  	s20 =	sadd.s32 $0x80, s11  }
0x1e: {  	s16 =	sadd.s32 $0x4, s12;
	s21 =	smov.u32 s12;
	p2 =	sgt.s32 s20, $0xFF  }
0x1f: {  	s21 =	smov.u32 @p2 s16  }
0x20: {  	s22 =	smov.u32 s13;
	s16 =	sadd.s32 $0x200, s13;
	p3 =	sgt.s32 s21, $0x5F  }
0x21: {  	s22 =	smov.u32 @p3 s16  }
0x22: {  	s23 =	smov.u32 s14;
	s16 =	sadd.s32 $0x2, s14;
	p4 =	sgt.s32 s22, $0x1FF  }
0x23: {  	p1 =	slt.u32 s15, $0x2;
	s23 =	smov.u32 @p4 s16  }
0x24: {  	s18 =	smov.u32 s11;
	s20 =	simm.s32 @p2 $0x0;
	p2 =	sgt.s32 s23, $0x1  }
0x25: {  	s24 =	simm.s32 @!p1 $0x2;
	s23 =	smov.u32 @p2 s3;
	p2 =	sne.s32 s15, s9  }
.Ltmp1:
0x26: {  	s17 =	smov.u32 s12;
	_ =	swait.ge @!p1 [sflag:s24], $0x4000;
	(pc) =	sbr.rel @!p2 .LBB1_6-.Ltmp1, $4  }
0x27: {  	s19 =	smov.u32 s14;
	p0 =	por !p0, !p0;
	[sflag:s24] =	ssyncset.done @!p1 $0x0  }
0x28: {  	s11 =	smov.u32 s20;
	s21 =	smov.u32 @p3 s8;
	[sflag:s24] =	ssyncadd.s32 @!p1 $0xFFFFC000  }
0x29: {  	s12 =	smov.u32 s21;
	s22 =	smov.u32 @p4 s2;
	s16 =	smov.u32 s13  }
0x2a: {  	s13 =	smov.u32 s22;
	s15 =	sadd.s32 $0x1, s15;
	s14 =	smov.u32 s23  }
.LBB1_1:
0x2b: {  	p1 =	sge.u32 s15, s6  }
0x2c: {  	s20 =	sshll.u32 @!p1 s12, $0x8;
	s21 =	sshll.u32 @!p1 s11, $0x3  }
0x2d: {  	s22 =	sshll.u32 @!p1 s12, $0x7;
	s20 =	sand.u32 @!p1 $0xFFFFF800, s20;
	s21 =	sand.u32 @!p1 $0xFFFFFC00, s21  }
0x2e: {  	s20 =	sadd.s32 @!p1 s20, s21;
	s21 =	sand.u32 @!p1 $0x300, s22  }
0x2f: {  	s20 =	sor.u32 @!p1 s21, s20  }
0x30: {  	s20 =	sshrl.u32 @!p1 s20, $0x8  }
0x31: {  	s21 =	smulhi.u32 @!p1 $0x2AAAAAB, s20  }
0x32: {  	s31 =	sadd.s32 $0xFFFFFFFF, s15;
	s23 =	sxor.u32 @!p1 $0xFFFFFFFF, s15;
	s25 =	smul.u32 @!p1 $0x180000, s14  }
0x33: {  	s24 =	sand.u32 @!p1 $0x78, s11;
	s22 =	sand.u32 @!p1 $0x80, s22;
	s21 =	smul.u32 @!p1 $0x60, s21  }
0x34: {  	s23 =	sshll.u32 @!p1 s23, $0xE;
	s22 =	sor.u32 @!p1 s24, s22;
	s24 =	smul.u32 @!p1 $0xC00, s13  }
0x35: {  	s20 =	ssub.s32 @!p1 s20, s21;
	s21 =	sand.u32 @!p1 $0x4000, s23;
	s23 =	sadd.s32 @!p1 s1, s25  }
0x36: {  	s22 =	sshrl.u32 @!p1 s22, $0x3;
	s23 =	sadd.s32 @!p1 s24, s23;
	s24 =	sand.u32 @!p1 $0x7, s11  }
0x37: {  	s20 =	sshll.u32 @!p1 s20, $0x5;
	s22 =	sadd.s32 @!p1 s22, s23;
	s23 =	sshll.u32 @!p1 s24, $0x12  }
0x38: {  	s20 =	sadd.s32 @!p1 s20, s22;
	s22 =	sor.u32 @!p1 $0x80, s23;
	s23 =	simm.s32 @!p1 $0x6000  }
0x39: {  	[tilespmem:s21], [sflag:$0x1] =	stream.strided.gather @!p1 [hbm4b:s20+s22], $0x4000, s23, s22, $0x38;
	[tilespmem:$0x10100] =	vst v63  }
0x3a: {  	p1 =	sge.u32 s31, s6  }
.Ltmp2:
0x3b: {  	_ = 	snop;
	(pc) =	sbr.rel @p1 .LBB1_5-.Ltmp2, $1  }
0x3c: {  	_ =	sdelay $0x3  }
0x3d: {  	s20 =	simm.s32 $0x1  }
0x3e: {  	_ =	swait.ge [sflag:s5], $0x4000;
	s20 =	simm.s32 @!p0 $0x0  }
0x3f: {  	[sflag:s5] =	ssyncset.done $0x0;
	s21 =	sshll.u32 s20, $0xE  }
0x40: {  	[sflag:s5] =	ssyncadd.s32 $0xFFFFC000;
	s21 =	sor.u32 $0x40, s21  }
0x41: {  	s20 =	smul.u32 $0x10200, s20;
	v0 =	vld [tilespmem:s21+$0x30]  }
0x42: {  	v1 =	vld [tilespmem:s21+$0xFFFFFFD0]  }
0x43: {  	s20 =	sshrl.u32 s20, $0x2;
	v5 =	vld [tilespmem:s21+$0xFFFFFFE0]  }
0x44: {  	v6 =	vld [tilespmem:s21+$0xFFFFFFF0];
	s22 =	sor.u32 $0x8000, s20  }
0x45: {  	s31 =	sand.u32 $0x1, s15;
	v2 =	vld [tilespmem:s21+$0x0];
	s23 =	sadd.s32 $0x0, s22  }
0x46: {  	v3 =	vld [tilespmem:s21+$0x10];
	s20 =	smul.u32 $0x10200, s31;
	[tilespmem:s23+$0x3870 ss:$0x81] =	vst.msk $0xffff, v0  }
0x47: {  	v4 =	vld [tilespmem:s21+$0x20];
	[tilespmem:s23+$0x810 ss:$0x81] =	vst.msk $0xffff, v1  }
0x48: {  	s20 =	sshrl.u32 s20, $0x2;
	v0 =	vld [tilespmem:s21+$0xFFFFFFC0];
	[tilespmem:s23+$0x1020 ss:$0x81] =	vst.msk $0xffff, v5;
	s21 =	sadd.s32 $0x80, s21  }
0x49: {  	s24 =	simm.s32 $0x4;
	s25 =	simm.s32 $0x8;
	s20 =	sor.u32 $0x8000, s20;
	[tilespmem:s23+$0x1830 ss:$0x81] =	vst.msk $0xffff, v6;
	v1 =	vld [tilespmem:s21+$0x30]  }
.LBB1_3:
0x4a: {  	p1 =	sne.s32 s25, $0x1FC;
	v5 =	vld [tilespmem:s21+$0xFFFFFFD0];
	[tilespmem:s23+$0x2040 ss:$0x81] =	vst.msk $0xffff, v2  }
0x4b: {  	v6 =	vld [tilespmem:s21+$0xFFFFFFE0];
	[tilespmem:s23+$0x2850 ss:$0x81] =	vst.msk $0xffff, v3  }
0x4c: {  	s26 =	sshra.s32 s24, $0x2;
	s24 =	smov.u32 s25;
	v7 =	vld [tilespmem:s21+$0xFFFFFFF0];
	[tilespmem:s23+$0x3060 ss:$0x81] =	vst.msk $0xffff, v4  }
.Ltmp3:
0x4d: {  	v2 =	vld [tilespmem:s21+$0x0];
	[tilespmem:s23+$0x0 ss:$0x81] =	vst.msk $0xffff, v0;
	s23 =	sadd.s32 s26, s22;
	(pc) =	sbr.rel @p1 .LBB1_3-.Ltmp3, $4  }
0x4e: {  	v3 =	vld [tilespmem:s21+$0x10];
	[tilespmem:s23+$0x3870 ss:$0x81] =	vst.msk $0xffff, v1  }
0x4f: {  	[tilespmem:s23+$0x810 ss:$0x81] =	vst.msk $0xffff, v5;
	v4 =	vld [tilespmem:s21+$0x20]  }
0x50: {  	v0 =	vld [tilespmem:s21+$0xFFFFFFC0];
	[tilespmem:s23+$0x1020 ss:$0x81] =	vst.msk $0xffff, v6;
	s21 =	sadd.s32 $0x80, s21  }
0x51: {  	s25 =	sadd.s32 $0x4, s25;
	v1 =	vld [tilespmem:s21+$0x30];
	[tilespmem:s23+$0x1830 ss:$0x81] =	vst.msk $0xffff, v7  }
.Ltmp4:
0x52: {  	_ = 	snop;
	(pc) =	sbr.rel .LBB1_4-.Ltmp4, $1  }
0x53: {  	_ =	sdelay $0x3  }
.LBB1_6:
0x54: {  	_ =	sfence.sel $0x180000  }
0x55: {  	s1 =	simm.s32 $0x1;
	[bflag:$0x0] =	sbarrier.arrive $0xFFFF  }
0x56: {  	s31 =	simm.s32 $0x2;
	[sflag:s1] =	ssyncpa.u1 $0x1  }
0x57: {  	[sflag:s31] =	ssyncpa.u1 $0x1  }
0x58: {  	p0 =	sne.s32 s0, $0x0;
	_ =	strace $0x90000047  }
0x59: {  	s0 =	sadd.s32 @!p0 $0x100000, s4;
	[bflag:$0x2] =	sbarrier.arrive $0xFFFF  }
0x5a: {  	[sflag:s0] =	ssyncadd.tile.s32 @!p0 $0x1;
	_ =	shalt  }
.Lfunc_end1:
_tile_overlayer_lowered:
.L_overlay_start_2:
0x5b: {  	(tag) =	ssettag $0x2  }
0x5c: {  	s0 =	rddreg [dreg:$0x0];
	s2 =	stileid.u32  }
0x5d: {  	s1 =	rddreg [dreg:$0x1];
	p0 =	sne.s32 s2, $0x0  }
0x5e: {  	s3 =	rddreg [dreg:$0x2];
	[bflag:$0x3] =	sbarrier.arrive $0xFFFF;
	s2 =	simm.s32 @!p0 $0x1C01  }
0x5f: {  	[timem:s3], [sflag:s2] =	dma.local @!p0 [hbm:s0], s1  }
0x60: {  	s0 =	simm.s32 @!p0 $0x1  }
0x61: {  	_ =	swait.ge @!p0 [sflag:s0], s1  }
0x62: {  	s1 =	ssub.s32 @!p0 $0x0, s1;
	[sflag:s0] =	ssyncset.done @!p0 $0x0  }
0x63: {  	[sflag:s0] =	ssyncadd.s32 @!p0 s1  }
0x64: {  	[bflag:$0x3] =	sbarrier.arrive $0xFFFF  }
0x65: {  	_ =	shalt  }

// kernel: sparse-core-data-format-call.cloned.1.call-start
scs
called_computation_lowered:
.L_overlay_start_0:
0x0: {  	s2 =	sld [smem:$0x3FD9]  }
0x1: {  	s3 =	sld [smem:$0x3FFE];
	_ =	sdelay $0x1  }
0x2: {  	s1 =	srdreg.scid  }
0x3: {  	s0 =	sand.u32 $0x1, s1  }
0x4: {  	s18 =	sshll.u32 s0, $0xA;
	s2 =	sadd.s32 s3, s2  }
0x5: {  	s2 =	sadd.s32 s2, s18  }
0x6: {  	[smem:$0x3FC6] =	sst s2  }
0x7: {  	_ = 	snop  }
0x8: {  	s2 =	sld [smem:$0x3FD0];
	(tm) =	ssettm $0x1  }
0x9: {  	s19 =	sld [smem:$0x3FFB];
	_ =	sdelay $0x3  }
0xa: {  	_ =	strace s19  }
0xb: {  	s3 =	sld [smem:$0x3FFC];
	_ =	sdelay $0x3  }
0xc: {  	_ =	strace s3  }
0xd: {  	s3 =	sld [smem:$0x3FFD];
	_ =	sdelay $0x3  }
0xe: {  	_ =	strace s3  }
0xf: {  	_ =	strace $0x8FFFFFFF  }
0x10: {  	s20 =	sld [smem:$0x3FDB];
	_ =	sdelay $0x1  }
0x11: {  	s4 =	simm.s32 $_scs_section_size  }
0x12: {  	s5 =	simm.s32 $_size__tile_overlayer_lowered;
	s6 =	simm.s32 $_tile_overlayer_lowered  }
0x13: {  	s23 =	simm.s32 $0x1BFF;
	s22 =	sshll.u32 s6, $0x1;
	s3 =	sadd.s32 s4, s20  }
0x14: {  	s7 =	simm.s32 $0x0;
	s21 =	sshll.u32 s5, $0x1;
	s5 =	sadd.s32 s22, s3  }
0x15: {  	[timem:s7], [sflag:s23] =	dma.local [hbm:s5], s21  }
0x16: {  	_ =	swait.ge [sflag:s23], s21  }
0x17: {  	s4 =	ssub.s32 $0x0, s21;
	[sflag:s23] =	ssyncset.done $0x0  }
0x18: {  	[sflag:s23] =	ssyncadd.s32 s4;
	_ =	sdelay $0x1  }
0x19: {  	s24 =	simm.s32 $0x1B8B  }
0x1a: {  	_ =	swait.ge [sflag:s24], $0x1  }
0x1b: {  	[sflag:s24] =	ssyncset.done $0x0  }
0x1c: {  	s26 =	simm.s32 $0x1B8E;
	s25 =	sld [smem:$0x3FFE];
	[sflag:s24] =	ssyncadd.s32 $0xFFFFFFFF  }
0x1d: {  	s27 =	simm.s32 $execute0_lowered;
	[smem:$0x3FD2] =	sst s26  }
0x1e: {  	s5 =	sshll.u32 s27, $0x1;
	_ =	strace $0x80000052;
	[dreg:$0x1] =	wrdreg $0xFFFFFFFF  }
0x1f: {  	s28 =	simm.s32 $_size_execute0_lowered;
	s3 =	sadd.s32 s3, s5;
	[dreg:$0x0] =	wrdreg $0x0  }
0x20: {  	s5 =	sshll.u32 s28, $0x1;
	[dreg:$0x2] =	wrdreg s3  }
0x21: {  	[dreg:$0x3] =	wrdreg s5  }
0x22: {  	[dreg:$0x4] =	wrdreg $0xC0  }
0x23: {  	_ =	task [dreg:s7], $0x5FFFF  }
0x24: {  	[dreg:$0x1] =	wrdreg $0xFFFFFFFF  }
0x25: {  	[dreg:$0x0] =	wrdreg $0x60  }
0x26: {  	[dreg:$0x2] =	wrdreg s25  }
0x27: {  	[dreg:$0x3] =	wrdreg s2  }
0x28: {  	[dreg:$0x4] =	wrdreg $0x9  }
0x29: {  	_ =	task.clear_ibuf [dreg:s7], $0x5FFFF;
	_ =	strace $0x90000052  }
0x2a: {  	s29 =	simm.s32 $0x9;
	_ =	strace $0x80000054  }
0x2b: {  	_ =	swait.ge [sflag:s29], $0x1  }
0x2c: {  	[sflag:s29] =	ssyncadd.s32 $0xFFFFFFFF  }
0x2d: {  	_ =	strace $0x90000054  }
0x2e: {  	_ =	sfence  }
0x2f: {  	s30 =	sld [smem:$0x0];
	_ =	sdelay $0x2  }
0x30: {  	s31 =	sshll.u32 s1, $0xD;
	s1 =	sshrl.u32 s1, $0x2  }
0x31: {  	s3 =	sand.u32 $0x4000, s31;
	s1 =	sadd.s32 s1, s30  }
0x32: {  	s0 =	sor.u32 s3, s0;
	s1 =	sshll.u32 s1, $0x11  }
0x33: {  	s0 =	sor.u32 s1, s0  }
0x34: {  	s0 =	sadd.s32 $0x8F2B, s0  }
0x35: {  	[sflag:s0] =	ssyncadd.remote.s32 $0x1  }
0x36: {  	_ =	sfence.sel $0xFFFF  }
0x37: {  	[dreg:$0x0] =	wrdreg $0xFFFFFFFF;
	(pc) =	sbr.abs _section_cstart, $3  }
0x38: {  	[dreg:$0x1] =	wrdreg $0xFFFFFFFF  }
0x39: {  	_ =	task.clear_ibuf [dreg:s7], $0x2FFFF;
	_ =	strace $0x9FFFFFFF  }
0x3a: {  	(tm) =	ssettm $0x7FFFFFFF  }
0x3b: {  	_ =	shalt  }
tec
execute0_lowered:
.L_overlay_start_1:
0x0: {  	(tag) =	ssettag $0x1  }
0x1: {  	s0 =	srdreg.scid  }
0x2: {  	s2 =	stileid.u32;
	s29 =	rddreg [dreg:$0x0]  }
0x3: {  	s8 =	rddreg [dreg:$0x1];
	_ =	strace $0x80000053;
	s30 =	simm.s32 $0x2  }
0x4: {  	s17 =	simm.s32 $0x0;
	s18 =	simm.s32 $0x0;
	s0 =	sshll.u32 s0, $0x4  }
0x5: {  	s19 =	simm.s32 $0x0;
	s20 =	simm.s32 $0x0;
	s0 =	sor.u32 s2, s0  }
0x6: {  	s21 =	simm.s32 $0x0;
	s11 =	simm.s32 $0x0;
	s1 =	sand.u32 $0x1E, s0  }
0x7: {  	s12 =	simm.s32 $0x0;
	s2 =	sand.u32 $0x1, s2;
	s3 =	ssub.s32 $0x40, s1  }
0x8: {  	s13 =	simm.s32 $0x0;
	s4 =	ssub.s32 $0x2, s2;
	s5 =	sand.u32 $0x1E, s3  }
0x9: {  	s6 =	sshrl.u32 s4, $0x1;
	p0 =	sne.s32 s5, $0x0;
	s5 =	simm.s32 $0x1  }
0xa: {  	s4 =	sand.u32 $0x1, s4;
	s3 =	sshrl.u32 s3, $0x5;
	s5 =	simm.s32 @!p0 $0x0  }
.Ltmp0:
0xb: {  	s4 =	sadd.s32 s4, s6;
	s3 =	sadd.s32 s5, s3;
	(pc) =	sbr.rel .LBB1_1-.Ltmp0, $4  }
0xc: {  	s16 =	simm.s32 $0x0;
	s31 =	sadd.s32 $0x10000, s8;
	s3 =	smul.u32 s3, s4  }
0xd: {  	[dreg:$0x3] =	wrdreg s31;
	s15 =	smov.u32 s2;
	s5 =	simm.s32 $0x1  }
0xe: {  	s14 =	smov.u32 s1;
	[sflag:s5] =	ssyncpa.u1 $0x0;
	s7 =	sshll.u32 s3, $0x5  }
0xf: {  	s6 =	sadd.s32 $0x1600, s29;
	[sflag:s30] =	ssyncpa.u1 $0x0;
	s9 =	sor.u32 $0x1, s7  }
.LBB1_9:
0x10: {  	s0 =	sadd.s32 $0x1, s11  }
0x11: {  	s3 =	sadd.s32 $0x2, s12;
	s4 =	smov.u32 s12;
	p1 =	sgt.s32 s0, $0x1F  }
0x12: {  	s4 =	smov.u32 @p1 s3  }
0x13: {  	s8 =	smov.u32 s13;
	s3 =	sadd.s32 $0x40, s13;
	p2 =	sgt.s32 s4, $0x1  }
0x14: {  	s8 =	smov.u32 @p2 s3  }
0x15: {  	s10 =	smov.u32 s14;
	s3 =	sadd.s32 $0x20, s14;
	p3 =	sgt.s32 s8, $0x3F  }
0x16: {  	p0 =	slt.u32 s16, $0x2;
	s10 =	smov.u32 @p3 s3  }
0x17: {  	s22 =	smov.u32 s15;
	s3 =	sadd.s32 $0x2, s15;
	p4 =	sgt.s32 s10, $0x3F  }
0x18: {  	s17 =	smov.u32 s11;
	s18 =	smov.u32 s12;
	s22 =	smov.u32 @p4 s3  }
0x19: {  	s19 =	smov.u32 s13;
	s0 =	simm.s32 @p1 $0x0;
	p1 =	sgt.s32 s22, $0x1  }
0x1a: {  	s20 =	smov.u32 s14;
	s22 =	smov.u32 @p1 s2;
	p1 =	sne.s32 s16, s9  }
.Ltmp1:
0x1b: {  	s21 =	smov.u32 s15;
	s4 =	simm.s32 @p2 $0x0;
	(pc) =	sbr.rel @!p1 .LBB1_10-.Ltmp1, $4  }
0x1c: {  	s11 =	smov.u32 s0;
	s12 =	smov.u32 s4;
	s3 =	simm.s32 @!p0 $0x2  }
0x1d: {  	s8 =	simm.s32 @p3 $0x0;
	s10 =	smov.u32 @p4 s1;
	_ =	swait.ge @!p0 [sflag:s3], $0x4000  }
0x1e: {  	s13 =	smov.u32 s8;
	s14 =	smov.u32 s10;
	[sflag:s3] =	ssyncset.done @!p0 $0x0  }
0x1f: {  	s16 =	sadd.s32 $0x1, s16;
	[sflag:s3] =	ssyncadd.s32 @!p0 $0xFFFFC000;
	s15 =	smov.u32 s22  }
.LBB1_1:
0x20: {  	p0 =	sge.u32 s16, s7  }
0x21: {  	s31 =	sadd.s32 $0xFFFFFFFF, s16;
	s0 =	sshll.u32 @!p0 s15, $0x16  }
0x22: {  	s3 =	sxor.u32 @!p0 $0xFFFFFFFF, s16;
	s4 =	sshll.u32 @!p0 s14, $0x10;
	s0 =	sadd.s32 @!p0 s6, s0  }
0x23: {  	s10 =	sshll.u32 @!p0 s13, $0xA;
	s22 =	sshll.u32 @!p0 s11, $0x4;
	s0 =	sadd.s32 @!p0 s4, s0  }
0x24: {  	s3 =	sshll.u32 @!p0 s3, $0xE;
	s4 =	sshll.u32 @!p0 s12, $0x9;
	s0 =	sadd.s32 @!p0 s10, s0  }
0x25: {  	s3 =	sand.u32 @!p0 $0x4000, s3;
	s10 =	sand.u32 @!p0 $0x1F0, s22;
	s0 =	sadd.s32 @!p0 s4, s0  }
0x26: {  	s4 =	simm.s32 @!p0 $0x40;
	s0 =	sadd.s32 @!p0 s10, s0;
	s10 =	simm.s32 @!p0 $0x1000  }
0x27: {  	[tilespmem:s3], [sflag:$0x1] =	stream.strided.gather @!p0 [hbm4b:s0+s4], $0x4000, s10, s4, $0x38;
	[tilespmem:$0x10200] =	vst v63  }
0x28: {  	p0 =	sge.u32 s31, s7  }
.Ltmp2:
0x29: {  	_ = 	snop;
	(pc) =	sbr.rel @p0 .LBB1_9-.Ltmp2, $1  }
0x2a: {  	_ =	sdelay $0x3  }
0x2b: {  	s0 =	sand.u32 $0x1, s16  }
0x2c: {  	s3 =	smul.u32 $0x10400, s0  }
0x2d: {  	_ =	swait.ge [sflag:s5], $0x4000;
	p1 =	por $0x1, $0x1  }
0x2e: {  	[sflag:s5] =	ssyncset.done $0x0;
	s24 =	sshll.u32 s0, $0xE;
	s22 =	sshrl.u32 s3, $0x2  }
0x2f: {  	s0 =	simm.s32 $0x0;
	[sflag:s5] =	ssyncadd.s32 $0xFFFFC000;
	s23 =	sor.u32 $0x8000, s22  }
.LBB1_3:
0x30: {  	s3 =	smul.u32 $0x8200, s0  }
0x31: {  	s31 =	sshll.u32 s0, $0xD  }
0x32: {  	p0 =	por p1, p1;
	s0 =	sand.u32 $0x3FFFE000, s31;
	s3 =	sshra.s32 s3, $0x2  }
0x33: {  	s30 =	simm.s32 $0x0;
	s26 =	sadd.s32 s0, s24;
	s25 =	sadd.s32 s3, s23  }
0x34: {  	s27 =	sadd.s32 $0x820, s25;
	s28 =	sadd.s32 $0x1040, s25;
	s29 =	sadd.s32 $0x1860, s25  }
.LBB1_4:
0x35: {  	s0 =	sshll.u32 s30, $0x7  }
0x36: {  	s0 =	sand.u32 $0x3FFFFF80, s0  }
0x37: {  	s8 =	sadd.s32 s0, s26  }
0x38: {  	v0 =	vmov s8  }
0x39: {  	s31 =	sadd.s32 s30, s25;
	s3 =	sadd.s32 s30, s27;
	s4 =	sadd.s32 s30, s29  }
0x3a: {  	s10 =	simm.s32 $0x0;
	p1 =	por $0x1, $0x1;
	s0 =	sadd.s32 s30, s28  }
.LBB1_5:
0x3b: {  	s8 =	sshll.u32 s10, $0x6  }
0x3c: {  	s8 =	sand.u32 $0x3FFFFFC0, s8  }
0x3d: {  	v1 =	vld.idx.msk [tilespmem:v0+s8+$0x0 ss:$0x1], $0xffff  }
0x3e: {  	s10 =	sand.u32 $0x1, s10;
	v2 =	vld.idx.msk [tilespmem:v0+s8+$0x10 ss:$0x1], $0xffff  }
0x3f: {  	p2 =	seq.s32 s10, $0x1;
	s10 =	simm.s32 $0x41;
	v3 =	vld.idx.msk [tilespmem:v0+s8+$0x20 ss:$0x1], $0xffff  }
0x40: {  	s10 =	simm.s32 @!p2 $0x0;
	v4 =	vld.idx.msk [tilespmem:v0+s8+$0x30 ss:$0x1], $0xffff;
	p2 =	por p1, p1  }
.Ltmp3:
0x41: {  	s8 =	sadd.s32 s10, s31;
	(pc) =	sbr.rel @p2 .LBB1_5-.Ltmp3, $4  }
0x42: {  	[tilespmem:s8+$0x0 ss:$0x82] =	vst.msk $0xffff, v1;
	s8 =	sadd.s32 s10, s3  }
0x43: {  	[tilespmem:s8+$0x0 ss:$0x82] =	vst.msk $0xffff, v2;
	s8 =	sadd.s32 s10, s0  }
0x44: {  	s10 =	sadd.s32 s10, s4;
	[tilespmem:s8+$0x0 ss:$0x82] =	vst.msk $0xffff, v3  }
0x45: {  	p1 =	por $0x0, $0x0;
	[tilespmem:s10+$0x0 ss:$0x82] =	vst.msk $0xffff, v4;
	s10 =	simm.s32 $0x1  }
0x46: {  	s30 =	sadd.s32 $0x1, s30  }
0x47: {  	p1 =	sne.s32 s30, $0x40  }
.Ltmp4:
0x48: {  	_ = 	snop;
	(pc) =	sbr.rel @p1 .LBB1_4-.Ltmp4, $1  }
0x49: {  	_ =	sdelay $0x3  }
.Ltmp5:
0x4a: {  	(pc) =	sbr.rel @p0 .LBB1_3-.Ltmp5, $2  }
0x4b: {  	_ =	sdelay $0x2  }
0x4c: {  	s0 =	simm.s32 $0x1;
	p1 =	por $0x0, $0x0  }
0x4d: {  	s0 =	sshll.u32 s21, $0x16;
	s3 =	sshll.u32 s20, $0x10  }
0x4e: {  	s4 =	sshrl.u32 s19, $0x3;
	s10 =	sshll.u32 s17, $0xB;
	s26 =	rddreg [dreg:$0x1]  }
0x4f: {  	s27 =	sshll.u32 s18, $0x4;
	s28 =	sand.u32 $0x7, s19;
	s29 =	simm.s32 $0x80  }
0x50: {  	s30 =	rddreg [dreg:$0x3];
	s8 =	sadd.s32 s0, s3;
	s4 =	sand.u32 $0xF, s4  }
0x51: {  	s17 =	sand.u32 $0x10, s27;
	s0 =	sadd.s32 s0, s30;
	s8 =	sadd.s32 s26, s8  }
0x52: {  	s18 =	sshll.u32 s28, $0x12;
	s0 =	sadd.s32 s3, s0;
	s8 =	sadd.s32 s4, s8  }
.Ltmp6:
0x53: {  	s0 =	sadd.s32 s4, s0;
	s8 =	sadd.s32 s10, s8;
	(pc) =	sbr.rel .LBB1_9-.Ltmp6, $4  }
0x54: {  	s18 =	sor.u32 $0x40, s18;
	s0 =	sadd.s32 s10, s0;
	s8 =	sadd.s32 s17, s8  }
0x55: {  	[hbm4b:s8+s18] =	stream.strided.scatter [tilespmem:s23], [sflag:$0x2], $0x2000, s29, s18, $0x18;
	[tilespmem:$0x10200] =	vst v63  }
0x56: {  	s31 =	sadd.s32 $0xA080, s22;
	s0 =	sadd.s32 s17, s0  }
0x57: {  	[hbm4b:s0+s18] =	stream.strided.scatter [tilespmem:s31], [sflag:$0x2], $0x2000, s29, s18, $0x18;
	[tilespmem:$0x10200] =	vst v63  }
.LBB1_10:
0x58: {  	_ =	sfence.sel $0x180000  }
0x59: {  	s0 =	simm.s32 $0x1;
	[bflag:$0x0] =	sbarrier.arrive $0xFFFF  }
0x5a: {  	s30 =	simm.s32 $0x2;
	[sflag:s0] =	ssyncpa.u1 $0x1  }
0x5b: {  	[sflag:s30] =	ssyncpa.u1 $0x1  }
0x5c: {  	_ =	strace $0x90000053  }
0x5d: {  	s31 =	stileid.u32;
	[bflag:$0x2] =	sbarrier.arrive $0xFFFF  }
0x5e: {  	p0 =	sne.s32 s31, $0x0;
	s0 =	rddreg [dreg:$0x2]  }
0x5f: {  	s0 =	sadd.s32 @!p0 $0x100000, s0  }
0x60: {  	[sflag:s0] =	ssyncadd.tile.s32 @!p0 $0x1;
	_ =	shalt  }
.Lfunc_end1:
_tile_overlayer_lowered:
.L_overlay_start_2:
0x61: {  	(tag) =	ssettag $0x2  }
0x62: {  	s0 =	rddreg [dreg:$0x0];
	s2 =	stileid.u32  }
0x63: {  	s1 =	rddreg [dreg:$0x1];
	p0 =	sne.s32 s2, $0x0  }
0x64: {  	s3 =	rddreg [dreg:$0x2];
	[bflag:$0x3] =	sbarrier.arrive $0xFFFF;
	s2 =	simm.s32 @!p0 $0x1C01  }
0x65: {  	[timem:s3], [sflag:s2] =	dma.local @!p0 [hbm:s0], s1  }
0x66: {  	s0 =	simm.s32 @!p0 $0x1  }
0x67: {  	_ =	swait.ge @!p0 [sflag:s0], s1  }
0x68: {  	s1 =	ssub.s32 @!p0 $0x0, s1;
	[sflag:s0] =	ssyncset.done @!p0 $0x0  }
0x69: {  	[sflag:s0] =	ssyncadd.s32 @!p0 s1  }
0x6a: {  	[bflag:$0x3] =	sbarrier.arrive $0xFFFF  }
0x6b: {  	_ =	shalt  }

</sc_bundles>
